<compile_context>
chip_gen: v7x
topology: tpu7x:2x2x1
jax: 0.10.2.dev20260603
libtpu: 0.0.44.dev20260713+nightly
codegen_flags: <defaults>
</compile_context>

<pallas_src>
import functools

import jax
import jax.numpy as jnp
from jax import lax
from jax.experimental import pallas as pl
from jax.experimental.pallas import tpu as pltpu
from jax.experimental.pallas import tpu_sc as plsc

_NC = 2
_NS = 16
_L = 16



def _premul_body(z_ref, wz_ref, bz_ref, x_ref, o_ref, rel_ref):
    @pl.when(pl.program_id(0) == 0)
    def _():
        zr = lax.dot_general(
            z_ref[...], wz_ref[...], (((1,), (0,)), ((), ())),
            preferred_element_type=jnp.float32,
            precision=lax.Precision.HIGHEST) + bz_ref[...]
        rel_ref[...] = zr.reshape(rel_ref.shape)

    rel = rel_ref[...]
    xb = x_ref[...]
    o_ref[...] = rel[:, None, :] * xb[None, :, :]


def _epi_body(p_ref, x_ref, beta_ref, w1_ref, b1_ref, w2_ref,
              b2_ref, g_ref, bb_ref, o_ref):
    xb = x_ref[...]
    h = p_ref[0] + p_ref[1] + beta_ref[...] * xb
    dn = (((1,), (0,)), ((), ()))
    h = jnp.maximum(
        lax.dot_general(h, w1_ref[...], dn, preferred_element_type=jnp.float32) + b1_ref[...], 0.0)
    h = lax.dot_general(h, w2_ref[...], dn, preferred_element_type=jnp.float32) + b2_ref[...]
    mu = jnp.mean(h, axis=-1, keepdims=True)
    var = jnp.mean((h - mu) ** 2, axis=-1, keepdims=True)
    o_ref[...] = (h - mu) * lax.rsqrt(var + 1e-5) * g_ref[...] + bb_ref[...] + xb



@functools.lru_cache(maxsize=None)
def _build_sc(V, D, E):
    NW = _NC * _NS
    EPW = E // NW
    CH = 80
    SCE = 2000
    NSC = EPW // SCE
    NCH = SCE // CH
    WCH = 80
    NWCH = V // WCH
    WPASS = (NWCH + _NS - 1) // _NS

    mesh = plsc.VectorSubcoreMesh(core_axis_name="c", subcore_axis_name="s")

    @functools.partial(
        pl.kernel,
        out_type=jax.ShapeDtypeStruct((_NC, V, D), jnp.float32),
        mesh=mesh,
        scratch_types=[
            pltpu.VMEM((SCE,), jnp.int32),
            pltpu.VMEM((SCE,), jnp.int32),
            pltpu.VMEM((NCH, CH), jnp.int32),
            pltpu.VMEM((NCH, CH), jnp.int32),
            pltpu.VMEM((CH, D), jnp.float32),
            pltpu.VMEM((CH, D), jnp.float32),
            pltpu.VMEM((CH, D), jnp.float32),
            pltpu.VMEM_SHARED((V, D), jnp.float32),
            pltpu.SemaphoreType.DMA,
            pltpu.SemaphoreType.DMA,
            pltpu.SemaphoreType.DMA,
            pltpu.SemaphoreType.DMA,
            pltpu.SemaphoreType.DMA,
            pltpu.SemaphoreType.DMA,
            pltpu.SemaphoreType.DMA,
        ],
    )
    def sc_kernel(xr_hbm, gi_hbm, dst_hbm, out_hbm,
                  gq, gq2, didx, didx2, rows_a, rows_b, rows_c,
                  acc, sem_a, sem_b, sem_c, sem_sa, sem_sb, sem_sc, sem_i):
        c = lax.axis_index("c")
        s = lax.axis_index("s")
        wid = c * _NS + s
        ebase = wid * EPW

        def stage(t, gb_, db_, do_wait):
            sbase = ebase + t * SCE
            cp = pltpu.make_async_copy(gi_hbm.at[pl.ds(sbase, SCE)], gb_,
                                       sem_i)
            cp.wait() if do_wait else cp.start()

            def cpd(g, carry2):
                cp2 = pltpu.make_async_copy(
                    dst_hbm.at[pl.ds(sbase + g * CH, CH)], db_.at[g], sem_i)
                cp2.wait() if do_wait else cp2.start()
                return carry2
            lax.fori_loop(0, NCH, cpd, 0)

        bufs = ((rows_a, sem_a, sem_sa), (rows_b, sem_b, sem_sb),
                (rows_c, sem_c, sem_sc))
        ibufs = ((gq, didx), (gq2, didx2))
        stage(0, *ibufs[0], do_wait=False)

        def zb(i, carry):
            for k in range(D // _L):
                rows_a[i, pl.ds(k * _L, _L)] = jnp.zeros((_L,), jnp.float32)
            return carry
        lax.fori_loop(0, CH, zb, 0)

        def zc(j, carry):
            ch = j * _NS + s

            @pl.when(ch < NWCH)
            def _():
                pltpu.sync_copy(rows_a, acc.at[pl.ds(ch * WCH, WCH)])
            return carry
        lax.fori_loop(0, WPASS, zc, 0)
        plsc.subcore_barrier()

        for t in range(NSC):
            gb_, db_ = ibufs[t % 2]
            stage(t, gb_, db_, do_wait=True)
            if t + 1 < NSC:
                stage(t + 1, *ibufs[(t + 1) % 2], do_wait=False)

            def g_start(cidx, u, gb_=gb_):
                rows, sem, _ = bufs[u]
                pltpu.make_async_copy(
                    xr_hbm.at[gb_.at[pl.ds(cidx * CH, CH)]], rows, sem
                ).start()

            def g_wait(cidx, u, gb_=gb_):
                rows, sem, _ = bufs[u]
                pltpu.make_async_copy(
                    xr_hbm.at[gb_.at[pl.ds(cidx * CH, CH)]], rows, sem
                ).wait()

            def s_start(cidx, u, db_=db_):
                rows, _, sem = bufs[u]
                pltpu.async_copy(rows, acc.at[db_.at[cidx]], sem, add=True)

            def s_wait(u, db_=db_):
                rows, _, sem = bufs[u]
                pltpu.make_async_copy(rows, acc.at[db_.at[0]], sem).wait()

            for u in range(3):
                g_start(u, u)

            def triple(p, carry2):
                for u in range(3):
                    g_wait(3 * p + u, u)
                    s_start(3 * p + u, u)
                for u in range(3):
                    nxt = 3 * p + 3 + u

                    @pl.when(nxt < NCH)
                    def _(nxt=nxt, u=u):
                        s_wait(u)
                        g_start(nxt, u)
                return carry2
            lax.fori_loop(0, NCH // 3, triple, 0)

            for cidx in range(3 * (NCH // 3), NCH):
                g_wait(cidx, cidx % 3)
                s_start(cidx, cidx % 3)
            for u in range(3):
                s_wait(u)

        plsc.subcore_barrier()

        def wr(j, carry):
            ch = j * _NS + s

            @pl.when(ch < NWCH)
            def _():
                r0 = ch * WCH
                pltpu.sync_copy(acc.at[pl.ds(r0, WCH)],
                                out_hbm.at[c, pl.ds(r0, WCH)])
            return carry
        lax.fori_loop(0, WPASS, wr, 0)

    return sc_kernel



def kernel(x, z, r_index, graph, Wz, bz, W1, b1, W2, b2, beta, ln_g, ln_b):
    del r_index
    B, V, D = x.shape
    R = Wz.shape[1] // D
    E = graph.shape[0]

    x2 = x.reshape(V, D)
    gidx = (graph[:, 1] * V + graph[:, 0]).astype(jnp.int32)
    dst = graph[:, 2].astype(jnp.int32)

    BV = 400
    xr = pl.pallas_call(
        _premul_body,
        grid=(V // BV,),
        in_specs=[pl.BlockSpec((1, D), lambda i: (0, 0)),
                  pl.BlockSpec((D, R * D), lambda i: (0, 0)),
                  pl.BlockSpec((1, R * D), lambda i: (0, 0)),
                  pl.BlockSpec((BV, D), lambda i: (i, 0))],
        out_specs=pl.BlockSpec((R, BV, D), lambda i: (0, i, 0)),
        out_shape=jax.ShapeDtypeStruct((R, V, D), jnp.float32),
        scratch_shapes=[pltpu.VMEM((R, D), jnp.float32)],
    )(z, Wz, bz.reshape(1, R * D), x2)
    xr2 = xr.reshape(R * V, D)

    parts = _build_sc(V, D, E)(xr2, gidx, dst)

    BE = 2000
    y = pl.pallas_call(
        _epi_body,
        grid=(V // BE,),
        in_specs=[
            pl.BlockSpec((_NC, BE, D), lambda i: (0, i, 0)),
            pl.BlockSpec((BE, D), lambda i: (i, 0)),
            pl.BlockSpec((1, D), lambda i: (0, 0)),
            pl.BlockSpec((D, D), lambda i: (0, 0)),
            pl.BlockSpec((1, D), lambda i: (0, 0)),
            pl.BlockSpec((D, D), lambda i: (0, 0)),
            pl.BlockSpec((1, D), lambda i: (0, 0)),
            pl.BlockSpec((1, D), lambda i: (0, 0)),
            pl.BlockSpec((1, D), lambda i: (0, 0)),
        ],
        out_specs=pl.BlockSpec((BE, D), lambda i: (i, 0)),
        out_shape=jax.ShapeDtypeStruct((V, D), jnp.float32),
    )(parts, x2, beta, W1, b1.reshape(1, D), W2,
      b2.reshape(1, D), ln_g.reshape(1, D), ln_b.reshape(1, D))

    return y.reshape(B, V, D)

# --- scband reference (transcript-rebuilt; emitter-appended) ---
"""Pipeline reference for scband-knowformer-vlayer-15951508537886 (READ-ONLY COPY).

The authoritative reference and input builder live on the scoring server;
editing this copy changes nothing except your own understanding.
"""

import jax, jax.numpy as jnp
import numpy as np

B, V, D, R, E = 1, 10000, 128, 16, 320000


def setup_inputs(seed: int = 0) -> dict:
    key = jax.random.key(seed)
    ks = jax.random.split(key, 14)
    x = jax.random.normal(ks[0], (B, V, D), dtype=jnp.float32)
    z = jax.random.normal(ks[1], (B, D), dtype=jnp.float32)
    r_index = jax.random.randint(ks[2], (B,), 0, R)
    src = jax.random.randint(ks[3], (E,), 0, V)
    etype = jax.random.randint(ks[4], (E,), 0, R)
    dst = jax.random.randint(ks[5], (E,), 0, V)
    graph = jnp.stack([src, etype, dst], axis=1)  # [E, 3] = (head, relation, tail)
    Wz = jax.random.normal(ks[6], (D, D * R), dtype=jnp.float32) * 0.02
    bz = jnp.zeros((D * R,), dtype=jnp.float32)
    W1 = jax.random.normal(ks[7], (D, D), dtype=jnp.float32) * 0.05
    b1 = jnp.zeros((D,), dtype=jnp.float32)
    W2 = jax.random.normal(ks[8], (D, D), dtype=jnp.float32) * 0.05
    b2 = jnp.zeros((D,), dtype=jnp.float32)
    beta = jax.random.normal(ks[9], (1, D), dtype=jnp.float32)
    ln_g = jnp.ones((D,), dtype=jnp.float32)
    ln_b = jnp.zeros((D,), dtype=jnp.float32)
    return {"x": x, "z": z, "r_index": r_index, "graph": graph,
            "Wz": Wz, "bz": bz, "W1": W1, "b1": b1, "W2": W2, "b2": b2,
            "beta": beta, "ln_g": ln_g, "ln_b": ln_b}


def reference(x, z, r_index, graph, Wz, bz, W1, b1, W2, b2, beta, ln_g, ln_b):
    b, v, d = x.shape
    r = Wz.shape[1] // d
    # fc_z then rearrange 'b (r d) -> b r d'
    zr = (z @ Wz + bz).reshape(b, r, d)
    # split: 'b l d -> l (b d)'
    rel = jnp.transpose(zr, (1, 0, 2)).reshape(r, b * d)
    inp = jnp.transpose(x, (1, 0, 2)).reshape(v, b * d)
    src = graph[:, 0]
    etype = graph[:, 1]
    dst = graph[:, 2]
    # generalized_rspmm with edge weights = 1: out[dst] += relation[etype] * input[src]
    msg = jnp.take(rel, etype, axis=0) * jnp.take(inp, src, axis=0)
    out = jnp.zeros((v, b * d), dtype=x.dtype).at[dst].add(msg)
    # merge: 'l (b d) -> b l d'
    out = jnp.transpose(out.reshape(v, b, d), (1, 0, 2))
    x_shortcut = x
    h = out + beta * x
    # fc_out: Linear -> ReLU -> Linear
    h = jnp.maximum(h @ W1 + b1, 0.0) @ W2 + b2
    # LayerNorm
    mu = jnp.mean(h, axis=-1, keepdims=True)
    var = jnp.mean((h - mu) ** 2, axis=-1, keepdims=True)
    h = (h - mu) / jnp.sqrt(var + 1e-5) * ln_g + ln_b
    return h + x_shortcut

if __name__ == "__main__":
    import jax
    _d = setup_inputs()
    print(jax.jit(kernel)(*tuple(_d.values())))

</pallas_src>

<mosaic_0001>
#map = affine_map<(d0, d1) -> (0, 0)>
#map1 = affine_map<(d0, d1) -> (0)>
#map2 = affine_map<(d0, d1) -> (0, 0, 0)>
module attributes {stable_mosaic.version = 14 : i64} {
  func.func @sc_kernel(%arg0: i32, %arg1: i32, %arg2: memref<160000x128xf32, #tpu.memory_space<hbm>>, %arg3: memref<320000xi32, #tpu.memory_space<hbm>>, %arg4: memref<320000xi32, #tpu.memory_space<hbm>>, %arg5: memref<2x10000x128xf32, #tpu.memory_space<hbm>>, %arg6: memref<2000xi32, #tpu.memory_space<vmem>>, %arg7: memref<2000xi32, #tpu.memory_space<vmem>>, %arg8: memref<25x80xi32, #tpu.memory_space<vmem>>, %arg9: memref<25x80xi32, #tpu.memory_space<vmem>>, %arg10: memref<80x128xf32, #tpu.memory_space<vmem>>, %arg11: memref<80x128xf32, #tpu.memory_space<vmem>>, %arg12: memref<80x128xf32, #tpu.memory_space<vmem>>, %arg13: memref<10000x128xf32, #tpu.memory_space<vmem_shared>>, %arg14: memref<!tpu.dma_semaphore, #tpu.memory_space<semaphore_mem>>, %arg15: memref<!tpu.dma_semaphore, #tpu.memory_space<semaphore_mem>>, %arg16: memref<!tpu.dma_semaphore, #tpu.memory_space<semaphore_mem>>, %arg17: memref<!tpu.dma_semaphore, #tpu.memory_space<semaphore_mem>>, %arg18: memref<!tpu.dma_semaphore, #tpu.memory_space<semaphore_mem>>, %arg19: memref<!tpu.dma_semaphore, #tpu.memory_space<semaphore_mem>>, %arg20: memref<!tpu.dma_semaphore, #tpu.memory_space<semaphore_mem>>) attributes {dimension_semantics = [#tpu.dimension_semantics<core_parallel>, #tpu.dimension_semantics<subcore_parallel>], iteration_bounds = array<i64: 2, 16>, scalar_prefetch = 0 : i64, scratch_operands = 15 : i64, tpu.core_type = #tpu.core_type<sc_vector_subcore>, window_params = [{transform_indices = #map}, {transform_indices = #map1}, {transform_indices = #map1}, {transform_indices = #map2}]} {
    %mul3A = arith.constant 16 : i32
    %mul3A_0 = arith.muli %arg0, %mul3A : i32
    %add3A = arith.addi %mul3A_0, %arg1 : i32
    %mul3A_1 = arith.constant 10000 : i32
    %mul3A_2 = arith.muli %add3A, %mul3A_1 : i32
    %add3A_3 = arith.constant 0 : i32
    %add3A_4 = arith.addi %mul3A_2, %add3A_3 : i32
    %dma_start3A = tpu.memref_slice %arg3[%add3A_4] : memref<320000xi32, #tpu.memory_space<hbm>> -> memref<2000xi32, #tpu.memory_space<hbm>>
    %dma_start3A_5 = tpu.memref_slice %arg3[%add3A_4] : memref<320000xi32, #tpu.memory_space<hbm>> -> memref<2000xi32, #tpu.memory_space<hbm>>
    tpu.enqueue_dma source(%dma_start3A_5 : memref<2000xi32, #tpu.memory_space<hbm>>) target(%arg6 : memref<2000xi32, #tpu.memory_space<vmem>>) target_semaphore(%arg20 : memref<!tpu.dma_semaphore, #tpu.memory_space<semaphore_mem>>)
    %scan3A = arith.constant 0 : i32
    %scan3A_6 = arith.constant 0 : i32
    %scan3A_7 = arith.constant 25 : i32
    %scan3A_8 = arith.addi %scan3A_6, %scan3A_7 : i32
    %scan3A_9 = arith.constant 1 : i32
    scf.for %scan3A_389 = %scan3A_6 to %scan3A_8 step %scan3A_9  : i32 {
      %mul3A_390 = arith.constant 80 : i32
      %mul3A_391 = arith.muli %scan3A_389, %mul3A_390 : i32
      %add3A_392 = arith.addi %add3A_4, %mul3A_391 : i32
      %dma_start3A_393 = arith.constant 0 : i32
      %dma_start3A_394 = tpu.memref_slice %arg8[%scan3A_389, %dma_start3A_393] : memref<25x80xi32, #tpu.memory_space<vmem>> -> memref<1x80xi32, #tpu.memory_space<vmem>>
      %dma_start3A_395 = tpu.memref_squeeze %dma_start3A_394 : memref<1x80xi32, #tpu.memory_space<vmem>> -> memref<80xi32, #tpu.memory_space<vmem>>
      %dma_start3A_396 = tpu.memref_slice %arg4[%add3A_392] : memref<320000xi32, #tpu.memory_space<hbm>> -> memref<80xi32, #tpu.memory_space<hbm>>
      %dma_start3A_397 = arith.constant 0 : i32
      %dma_start3A_398 = tpu.memref_slice %arg8[%scan3A_389, %dma_start3A_397] : memref<25x80xi32, #tpu.memory_space<vmem>> -> memref<1x80xi32, #tpu.memory_space<vmem>>
      %dma_start3A_399 = tpu.memref_squeeze %dma_start3A_398 : memref<1x80xi32, #tpu.memory_space<vmem>> -> memref<80xi32, #tpu.memory_space<vmem>>
      %dma_start3A_400 = tpu.memref_slice %arg4[%add3A_392] : memref<320000xi32, #tpu.memory_space<hbm>> -> memref<80xi32, #tpu.memory_space<hbm>>
      tpu.enqueue_dma source(%dma_start3A_400 : memref<80xi32, #tpu.memory_space<hbm>>) target(%dma_start3A_399 : memref<80xi32, #tpu.memory_space<vmem>>) target_semaphore(%arg20 : memref<!tpu.dma_semaphore, #tpu.memory_space<semaphore_mem>>)
    }
    %scan3A_10 = arith.constant 25 : i32
    %scan3A_11 = arith.constant 0 : i32
    %scan3A_12 = arith.constant 0 : i32
    %scan3A_13 = arith.constant 80 : i32
    %scan3A_14 = arith.addi %scan3A_12, %scan3A_13 : i32
    %scan3A_15 = arith.constant 1 : i32
    scf.for %scan3A_389 = %scan3A_12 to %scan3A_14 step %scan3A_15  : i32 {
      %broadcast_in_dim3A = arith.constant 0.000000e+00 : f32
      %broadcast_in_dim3A_390 = vector.broadcast %broadcast_in_dim3A : f32 to vector<16xf32>
      %swap3A = arith.index_cast %scan3A_389 : i32 to index
      %swap3A_391 = arith.constant 0 : index
      %swap3A_392 = tpu.vector_load %arg10[%swap3A, %swap3A_391] {strides = array<i32>} : memref<80x128xf32, #tpu.memory_space<vmem>>, vector<1x16xf32>,
      %swap3A_393 = vector.shape_cast %swap3A_392 : vector<1x16xf32> to vector<16xf32>
      %swap3A_394 = vector.shape_cast %broadcast_in_dim3A_390 : vector<16xf32> to vector<1x16xf32>
      tpu.vector_store %arg10[%swap3A, %swap3A_391], %swap3A_394 {strides = array<i32>} : memref<80x128xf32, #tpu.memory_space<vmem>>, vector<1x16xf32>,
      %broadcast_in_dim3A_395 = arith.constant 0.000000e+00 : f32
      %broadcast_in_dim3A_396 = vector.broadcast %broadcast_in_dim3A_395 : f32 to vector<16xf32>
      %swap3A_397 = arith.index_cast %scan3A_389 : i32 to index
      %swap3A_398 = arith.constant 16 : index
      %swap3A_399 = tpu.vector_load %arg10[%swap3A_397, %swap3A_398] {strides = array<i32>} : memref<80x128xf32, #tpu.memory_space<vmem>>, vector<1x16xf32>,
      %swap3A_400 = vector.shape_cast %swap3A_399 : vector<1x16xf32> to vector<16xf32>
      %swap3A_401 = vector.shape_cast %broadcast_in_dim3A_396 : vector<16xf32> to vector<1x16xf32>
      tpu.vector_store %arg10[%swap3A_397, %swap3A_398], %swap3A_401 {strides = array<i32>} : memref<80x128xf32, #tpu.memory_space<vmem>>, vector<1x16xf32>,
      %broadcast_in_dim3A_402 = arith.constant 0.000000e+00 : f32
      %broadcast_in_dim3A_403 = vector.broadcast %broadcast_in_dim3A_402 : f32 to vector<16xf32>
      %swap3A_404 = arith.index_cast %scan3A_389 : i32 to index
      %swap3A_405 = arith.constant 32 : index
      %swap3A_406 = tpu.vector_load %arg10[%swap3A_404, %swap3A_405] {strides = array<i32>} : memref<80x128xf32, #tpu.memory_space<vmem>>, vector<1x16xf32>,
      %swap3A_407 = vector.shape_cast %swap3A_406 : vector<1x16xf32> to vector<16xf32>
      %swap3A_408 = vector.shape_cast %broadcast_in_dim3A_403 : vector<16xf32> to vector<1x16xf32>
      tpu.vector_store %arg10[%swap3A_404, %swap3A_405], %swap3A_408 {strides = array<i32>} : memref<80x128xf32, #tpu.memory_space<vmem>>, vector<1x16xf32>,
      %broadcast_in_dim3A_409 = arith.constant 0.000000e+00 : f32
      %broadcast_in_dim3A_410 = vector.broadcast %broadcast_in_dim3A_409 : f32 to vector<16xf32>
      %swap3A_411 = arith.index_cast %scan3A_389 : i32 to index
      %swap3A_412 = arith.constant 48 : index
      %swap3A_413 = tpu.vector_load %arg10[%swap3A_411, %swap3A_412] {strides = array<i32>} : memref<80x128xf32, #tpu.memory_space<vmem>>, vector<1x16xf32>,
      %swap3A_414 = vector.shape_cast %swap3A_413 : vector<1x16xf32> to vector<16xf32>
      %swap3A_415 = vector.shape_cast %broadcast_in_dim3A_410 : vector<16xf32> to vector<1x16xf32>
      tpu.vector_store %arg10[%swap3A_411, %swap3A_412], %swap3A_415 {strides = array<i32>} : memref<80x128xf32, #tpu.memory_space<vmem>>, vector<1x16xf32>,
      %broadcast_in_dim3A_416 = arith.constant 0.000000e+00 : f32
      %broadcast_in_dim3A_417 = vector.broadcast %broadcast_in_dim3A_416 : f32 to vector<16xf32>
      %swap3A_418 = arith.index_cast %scan3A_389 : i32 to index
      %swap3A_419 = arith.constant 64 : index
      %swap3A_420 = tpu.vector_load %arg10[%swap3A_418, %swap3A_419] {strides = array<i32>} : memref<80x128xf32, #tpu.memory_space<vmem>>, vector<1x16xf32>,
      %swap3A_421 = vector.shape_cast %swap3A_420 : vector<1x16xf32> to vector<16xf32>
      %swap3A_422 = vector.shape_cast %broadcast_in_dim3A_417 : vector<16xf32> to vector<1x16xf32>
      tpu.vector_store %arg10[%swap3A_418, %swap3A_419], %swap3A_422 {strides = array<i32>} : memref<80x128xf32, #tpu.memory_space<vmem>>, vector<1x16xf32>,
      %broadcast_in_dim3A_423 = arith.constant 0.000000e+00 : f32
      %broadcast_in_dim3A_424 = vector.broadcast %broadcast_in_dim3A_423 : f32 to vector<16xf32>
      %swap3A_425 = arith.index_cast %scan3A_389 : i32 to index
      %swap3A_426 = arith.constant 80 : index
      %swap3A_427 = tpu.vector_load %arg10[%swap3A_425, %swap3A_426] {strides = array<i32>} : memref<80x128xf32, #tpu.memory_space<vmem>>, vector<1x16xf32>,
      %swap3A_428 = vector.shape_cast %swap3A_427 : vector<1x16xf32> to vector<16xf32>
      %swap3A_429 = vector.shape_cast %broadcast_in_dim3A_424 : vector<16xf32> to vector<1x16xf32>
      tpu.vector_store %arg10[%swap3A_425, %swap3A_426], %swap3A_429 {strides = array<i32>} : memref<80x128xf32, #tpu.memory_space<vmem>>, vector<1x16xf32>,
      %broadcast_in_dim3A_430 = arith.constant 0.000000e+00 : f32
      %broadcast_in_dim3A_431 = vector.broadcast %broadcast_in_dim3A_430 : f32 to vector<16xf32>
      %swap3A_432 = arith.index_cast %scan3A_389 : i32 to index
      %swap3A_433 = arith.constant 96 : index
      %swap3A_434 = tpu.vector_load %arg10[%swap3A_432, %swap3A_433] {strides = array<i32>} : memref<80x128xf32, #tpu.memory_space<vmem>>, vector<1x16xf32>,
      %swap3A_435 = vector.shape_cast %swap3A_434 : vector<1x16xf32> to vector<16xf32>
      %swap3A_436 = vector.shape_cast %broadcast_in_dim3A_431 : vector<16xf32> to vector<1x16xf32>
      tpu.vector_store %arg10[%swap3A_432, %swap3A_433], %swap3A_436 {strides = array<i32>} : memref<80x128xf32, #tpu.memory_space<vmem>>, vector<1x16xf32>,
      %broadcast_in_dim3A_437 = arith.constant 0.000000e+00 : f32
      %broadcast_in_dim3A_438 = vector.broadcast %broadcast_in_dim3A_437 : f32 to vector<16xf32>
      %swap3A_439 = arith.index_cast %scan3A_389 : i32 to index
      %swap3A_440 = arith.constant 112 : index
      %swap3A_441 = tpu.vector_load %arg10[%swap3A_439, %swap3A_440] {strides = array<i32>} : memref<80x128xf32, #tpu.memory_space<vmem>>, vector<1x16xf32>,
      %swap3A_442 = vector.shape_cast %swap3A_441 : vector<1x16xf32> to vector<16xf32>
      %swap3A_443 = vector.shape_cast %broadcast_in_dim3A_438 : vector<16xf32> to vector<1x16xf32>
      tpu.vector_store %arg10[%swap3A_439, %swap3A_440], %swap3A_443 {strides = array<i32>} : memref<80x128xf32, #tpu.memory_space<vmem>>, vector<1x16xf32>,
    }
    %scan3A_16 = arith.constant 80 : i32
    %scan3A_17 = arith.constant 0 : i32
    %scan3A_18 = arith.constant 0 : i32
    %scan3A_19 = arith.constant 8 : i32
    %scan3A_20 = arith.addi %scan3A_18, %scan3A_19 : i32
    %scan3A_21 = arith.constant 1 : i32
    scf.for %scan3A_389 = %scan3A_18 to %scan3A_20 step %scan3A_21  : i32 {
      %mul3A_390 = arith.constant 16 : i32
      %mul3A_391 = arith.muli %scan3A_389, %mul3A_390 : i32
      %add3A_392 = arith.addi %mul3A_391, %arg1 : i32
      %lt3A = arith.constant 125 : i32
      %lt3A_393 = arith.cmpi slt, %add3A_392, %lt3A : i32
      %convert_element_type3A = arith.extui %lt3A_393 : i1 to i32
      %cond3A = arith.constant 0 : i32
      %cond3A_394 = arith.cmpi ne, %convert_element_type3A, %cond3A : i32
      scf.if %cond3A_394 {
        %mul3A_395 = arith.constant 80 : i32
        %mul3A_396 = arith.muli %add3A_392, %mul3A_395 : i32
        "tpu.region"() ({
          %run_scoped3A = tpu.sem_alloc : memref<!tpu.dma_semaphore, #tpu.memory_space<semaphore_mem>>
          %dma_start3A_397 = arith.constant 0 : i32
          %dma_start3A_398 = tpu.memref_slice %arg13[%mul3A_396, %dma_start3A_397] : memref<10000x128xf32, #tpu.memory_space<vmem_shared>> -> memref<80x128xf32, #tpu.memory_space<vmem_shared>>
          %dma_start3A_399 = arith.constant 0 : i32
          %dma_start3A_400 = tpu.memref_slice %arg13[%mul3A_396, %dma_start3A_399] : memref<10000x128xf32, #tpu.memory_space<vmem_shared>> -> memref<80x128xf32, #tpu.memory_space<vmem_shared>>
          tpu.enqueue_dma source(%arg10 : memref<80x128xf32, #tpu.memory_space<vmem>>) target(%dma_start3A_400 : memref<80x128xf32, #tpu.memory_space<vmem_shared>>) target_semaphore(%run_scoped3A : memref<!tpu.dma_semaphore, #tpu.memory_space<semaphore_mem>>)
          %dma_wait3A_401 = arith.constant 0 : i32
          %dma_wait3A_402 = tpu.memref_slice %arg13[%mul3A_396, %dma_wait3A_401] : memref<10000x128xf32, #tpu.memory_space<vmem_shared>> -> memref<80x128xf32, #tpu.memory_space<vmem_shared>>
          %dma_wait3A_403 = arith.constant 0 : i32
          %dma_wait3A_404 = tpu.memref_slice %arg13[%mul3A_396, %dma_wait3A_403] : memref<10000x128xf32, #tpu.memory_space<vmem_shared>> -> memref<80x128xf32, #tpu.memory_space<vmem_shared>>
          tpu.wait_dma2 semaphore(%run_scoped3A : memref<!tpu.dma_semaphore, #tpu.memory_space<semaphore_mem>>) src(%arg10 : memref<80x128xf32, #tpu.memory_space<vmem>>) dst(%dma_wait3A_404 : memref<80x128xf32, #tpu.memory_space<vmem_shared>>)
          tpu.yield
        }) : () -> ()
      } else {
      }
    }
    %scan3A_22 = arith.constant 8 : i32
    %barrier3A = arith.constant 0 : index
    tpu.barrier barrier_id(%barrier3A)
    %add3A_23 = arith.constant 0 : i32
    %add3A_24 = arith.addi %mul3A_2, %add3A_23 : i32
    %dma_wait3A = tpu.memref_slice %arg3[%add3A_24] : memref<320000xi32, #tpu.memory_space<hbm>> -> memref<2000xi32, #tpu.memory_space<hbm>>
    %dma_wait3A_25 = tpu.memref_slice %arg3[%add3A_24] : memref<320000xi32, #tpu.memory_space<hbm>> -> memref<2000xi32, #tpu.memory_space<hbm>>
    tpu.wait_dma2 semaphore(%arg20 : memref<!tpu.dma_semaphore, #tpu.memory_space<semaphore_mem>>) src(%dma_wait3A_25 : memref<2000xi32, #tpu.memory_space<hbm>>) dst(%arg6 : memref<2000xi32, #tpu.memory_space<vmem>>)
    %scan3A_26 = arith.constant 0 : i32
    %scan3A_27 = arith.constant 0 : i32
    %scan3A_28 = arith.constant 25 : i32
    %scan3A_29 = arith.addi %scan3A_27, %scan3A_28 : i32
    %scan3A_30 = arith.constant 1 : i32
    scf.for %scan3A_389 = %scan3A_27 to %scan3A_29 step %scan3A_30  : i32 {
      %mul3A_390 = arith.constant 80 : i32
      %mul3A_391 = arith.muli %scan3A_389, %mul3A_390 : i32
      %add3A_392 = arith.addi %add3A_24, %mul3A_391 : i32
      %dma_wait3A_393 = arith.constant 0 : i32
      %dma_wait3A_394 = tpu.memref_slice %arg8[%scan3A_389, %dma_wait3A_393] : memref<25x80xi32, #tpu.memory_space<vmem>> -> memref<1x80xi32, #tpu.memory_space<vmem>>
      %dma_wait3A_395 = tpu.memref_squeeze %dma_wait3A_394 : memref<1x80xi32, #tpu.memory_space<vmem>> -> memref<80xi32, #tpu.memory_space<vmem>>
      %dma_wait3A_396 = tpu.memref_slice %arg4[%add3A_392] : memref<320000xi32, #tpu.memory_space<hbm>> -> memref<80xi32, #tpu.memory_space<hbm>>
      %dma_wait3A_397 = arith.constant 0 : i32
      %dma_wait3A_398 = tpu.memref_slice %arg8[%scan3A_389, %dma_wait3A_397] : memref<25x80xi32, #tpu.memory_space<vmem>> -> memref<1x80xi32, #tpu.memory_space<vmem>>
      %dma_wait3A_399 = tpu.memref_squeeze %dma_wait3A_398 : memref<1x80xi32, #tpu.memory_space<vmem>> -> memref<80xi32, #tpu.memory_space<vmem>>
      %dma_wait3A_400 = tpu.memref_slice %arg4[%add3A_392] : memref<320000xi32, #tpu.memory_space<hbm>> -> memref<80xi32, #tpu.memory_space<hbm>>
      tpu.wait_dma2 semaphore(%arg20 : memref<!tpu.dma_semaphore, #tpu.memory_space<semaphore_mem>>) src(%dma_wait3A_400 : memref<80xi32, #tpu.memory_space<hbm>>) dst(%dma_wait3A_399 : memref<80xi32, #tpu.memory_space<vmem>>)
    }
    %scan3A_31 = arith.constant 25 : i32
    %add3A_32 = arith.constant 2000 : i32
    %add3A_33 = arith.addi %mul3A_2, %add3A_32 : i32
    %dma_start3A_34 = tpu.memref_slice %arg3[%add3A_33] : memref<320000xi32, #tpu.memory_space<hbm>> -> memref<2000xi32, #tpu.memory_space<hbm>>
    %dma_start3A_35 = tpu.memref_slice %arg3[%add3A_33] : memref<320000xi32, #tpu.memory_space<hbm>> -> memref<2000xi32, #tpu.memory_space<hbm>>
    tpu.enqueue_dma source(%dma_start3A_35 : memref<2000xi32, #tpu.memory_space<hbm>>) target(%arg7 : memref<2000xi32, #tpu.memory_space<vmem>>) target_semaphore(%arg20 : memref<!tpu.dma_semaphore, #tpu.memory_space<semaphore_mem>>)
    %scan3A_36 = arith.constant 0 : i32
    %scan3A_37 = arith.constant 0 : i32
    %scan3A_38 = arith.constant 25 : i32
    %scan3A_39 = arith.addi %scan3A_37, %scan3A_38 : i32
    %scan3A_40 = arith.constant 1 : i32
    scf.for %scan3A_389 = %scan3A_37 to %scan3A_39 step %scan3A_40  : i32 {
      %mul3A_390 = arith.constant 80 : i32
      %mul3A_391 = arith.muli %scan3A_389, %mul3A_390 : i32
      %add3A_392 = arith.addi %add3A_33, %mul3A_391 : i32
      %dma_start3A_393 = arith.constant 0 : i32
      %dma_start3A_394 = tpu.memref_slice %arg9[%scan3A_389, %dma_start3A_393] : memref<25x80xi32, #tpu.memory_space<vmem>> -> memref<1x80xi32, #tpu.memory_space<vmem>>
      %dma_start3A_395 = tpu.memref_squeeze %dma_start3A_394 : memref<1x80xi32, #tpu.memory_space<vmem>> -> memref<80xi32, #tpu.memory_space<vmem>>
      %dma_start3A_396 = tpu.memref_slice %arg4[%add3A_392] : memref<320000xi32, #tpu.memory_space<hbm>> -> memref<80xi32, #tpu.memory_space<hbm>>
      %dma_start3A_397 = arith.constant 0 : i32
      %dma_start3A_398 = tpu.memref_slice %arg9[%scan3A_389, %dma_start3A_397] : memref<25x80xi32, #tpu.memory_space<vmem>> -> memref<1x80xi32, #tpu.memory_space<vmem>>
      %dma_start3A_399 = tpu.memref_squeeze %dma_start3A_398 : memref<1x80xi32, #tpu.memory_space<vmem>> -> memref<80xi32, #tpu.memory_space<vmem>>
      %dma_start3A_400 = tpu.memref_slice %arg4[%add3A_392] : memref<320000xi32, #tpu.memory_space<hbm>> -> memref<80xi32, #tpu.memory_space<hbm>>
      tpu.enqueue_dma source(%dma_start3A_400 : memref<80xi32, #tpu.memory_space<hbm>>) target(%dma_start3A_399 : memref<80xi32, #tpu.memory_space<vmem>>) target_semaphore(%arg20 : memref<!tpu.dma_semaphore, #tpu.memory_space<semaphore_mem>>)
    }
    %scan3A_41 = arith.constant 25 : i32
    %dma_start3A_42 = arith.constant 0 : i32
    %dma_start3A_43 = tpu.memref_slice %arg6[%dma_start3A_42] : memref<2000xi32, #tpu.memory_space<vmem>> -> memref<80xi32, #tpu.memory_space<vmem>>
    %dma_start3A_44 = arith.constant 0 : i32
    %dma_start3A_45 = arith.constant 0 : i32
    %dma_start3A_46 = tpu.memref_slice %arg2[%dma_start3A_44, %dma_start3A_45] : memref<160000x128xf32, #tpu.memory_space<hbm>> -> memref<160000x128xf32, #tpu.memory_space<hbm>>
    tpu.enqueue_indirect_dma source(%dma_start3A_46 : memref<160000x128xf32, #tpu.memory_space<hbm>>) target(%arg10 : memref<80x128xf32, #tpu.memory_space<vmem>>) offsets(%dma_start3A_43 : memref<80xi32, #tpu.memory_space<vmem>>) semaphore(%arg14 : memref<!tpu.dma_semaphore, #tpu.memory_space<semaphore_mem>>)
    %dma_start3A_47 = arith.constant 80 : i32
    %dma_start3A_48 = tpu.memref_slice %arg6[%dma_start3A_47] : memref<2000xi32, #tpu.memory_space<vmem>> -> memref<80xi32, #tpu.memory_space<vmem>>
    %dma_start3A_49 = arith.constant 0 : i32
    %dma_start3A_50 = arith.constant 0 : i32
    %dma_start3A_51 = tpu.memref_slice %arg2[%dma_start3A_49, %dma_start3A_50] : memref<160000x128xf32, #tpu.memory_space<hbm>> -> memref<160000x128xf32, #tpu.memory_space<hbm>>
    tpu.enqueue_indirect_dma source(%dma_start3A_51 : memref<160000x128xf32, #tpu.memory_space<hbm>>) target(%arg11 : memref<80x128xf32, #tpu.memory_space<vmem>>) offsets(%dma_start3A_48 : memref<80xi32, #tpu.memory_space<vmem>>) semaphore(%arg15 : memref<!tpu.dma_semaphore, #tpu.memory_space<semaphore_mem>>)
    %dma_start3A_52 = arith.constant 160 : i32
    %dma_start3A_53 = tpu.memref_slice %arg6[%dma_start3A_52] : memref<2000xi32, #tpu.memory_space<vmem>> -> memref<80xi32, #tpu.memory_space<vmem>>
    %dma_start3A_54 = arith.constant 0 : i32
    %dma_start3A_55 = arith.constant 0 : i32
    %dma_start3A_56 = tpu.memref_slice %arg2[%dma_start3A_54, %dma_start3A_55] : memref<160000x128xf32, #tpu.memory_space<hbm>> -> memref<160000x128xf32, #tpu.memory_space<hbm>>
    tpu.enqueue_indirect_dma source(%dma_start3A_56 : memref<160000x128xf32, #tpu.memory_space<hbm>>) target(%arg12 : memref<80x128xf32, #tpu.memory_space<vmem>>) offsets(%dma_start3A_53 : memref<80xi32, #tpu.memory_space<vmem>>) semaphore(%arg16 : memref<!tpu.dma_semaphore, #tpu.memory_space<semaphore_mem>>)
    %scan3A_57 = arith.constant 0 : i32
    %scan3A_58 = arith.constant 0 : i32
    %scan3A_59 = arith.constant 8 : i32
    %scan3A_60 = arith.addi %scan3A_58, %scan3A_59 : i32
    %scan3A_61 = arith.constant 1 : i32
    scf.for %scan3A_389 = %scan3A_58 to %scan3A_60 step %scan3A_61  : i32 {
      %mul3A_390 = arith.constant 3 : i32
      %mul3A_391 = arith.muli %mul3A_390, %scan3A_389 : i32
      %add3A_392 = arith.constant 0 : i32
      %add3A_393 = arith.addi %mul3A_391, %add3A_392 : i32
      %mul3A_394 = arith.constant 80 : i32
      %mul3A_395 = arith.muli %add3A_393, %mul3A_394 : i32
      %dma_wait3A_396 = tpu.memref_slice %arg6[%mul3A_395] : memref<2000xi32, #tpu.memory_space<vmem>> -> memref<80xi32, #tpu.memory_space<vmem>>
      %dma_wait3A_397 = arith.constant 0 : i32
      %dma_wait3A_398 = arith.constant 0 : i32
      %dma_wait3A_399 = tpu.memref_slice %arg2[%dma_wait3A_397, %dma_wait3A_398] : memref<160000x128xf32, #tpu.memory_space<hbm>> -> memref<160000x128xf32, #tpu.memory_space<hbm>>
      tpu.wait_indirect_dma semaphore(%arg14 : memref<!tpu.dma_semaphore, #tpu.memory_space<semaphore_mem>>) src(%dma_wait3A_399 : memref<160000x128xf32, #tpu.memory_space<hbm>>) dst(%arg10 : memref<80x128xf32, #tpu.memory_space<vmem>>)
      %mul3A_400 = arith.constant 3 : i32
      %mul3A_401 = arith.muli %mul3A_400, %scan3A_389 : i32
      %add3A_402 = arith.constant 0 : i32
      %add3A_403 = arith.addi %mul3A_401, %add3A_402 : i32
      %dma_start3A_404 = arith.constant 0 : i32
      %dma_start3A_405 = tpu.memref_slice %arg8[%add3A_403, %dma_start3A_404] : memref<25x80xi32, #tpu.memory_space<vmem>> -> memref<1x80xi32, #tpu.memory_space<vmem>>
      %dma_start3A_406 = tpu.memref_squeeze %dma_start3A_405 : memref<1x80xi32, #tpu.memory_space<vmem>> -> memref<80xi32, #tpu.memory_space<vmem>>
      %dma_start3A_407 = arith.constant 0 : i32
      %dma_start3A_408 = arith.constant 0 : i32
      %dma_start3A_409 = tpu.memref_slice %arg13[%dma_start3A_407, %dma_start3A_408] : memref<10000x128xf32, #tpu.memory_space<vmem_shared>> -> memref<10000x128xf32, #tpu.memory_space<vmem_shared>>
      tpu.enqueue_indirect_dma source(%arg10 : memref<80x128xf32, #tpu.memory_space<vmem>>) target(%dma_start3A_409 : memref<10000x128xf32, #tpu.memory_space<vmem_shared>>) offsets(%dma_start3A_406 : memref<80xi32, #tpu.memory_space<vmem>>) semaphore(%arg17 : memref<!tpu.dma_semaphore, #tpu.memory_space<semaphore_mem>>) {add = true}
      %mul3A_410 = arith.constant 3 : i32
      %mul3A_411 = arith.muli %mul3A_410, %scan3A_389 : i32
      %add3A_412 = arith.constant 1 : i32
      %add3A_413 = arith.addi %mul3A_411, %add3A_412 : i32
      %mul3A_414 = arith.constant 80 : i32
      %mul3A_415 = arith.muli %add3A_413, %mul3A_414 : i32
      %dma_wait3A_416 = tpu.memref_slice %arg6[%mul3A_415] : memref<2000xi32, #tpu.memory_space<vmem>> -> memref<80xi32, #tpu.memory_space<vmem>>
      %dma_wait3A_417 = arith.constant 0 : i32
      %dma_wait3A_418 = arith.constant 0 : i32
      %dma_wait3A_419 = tpu.memref_slice %arg2[%dma_wait3A_417, %dma_wait3A_418] : memref<160000x128xf32, #tpu.memory_space<hbm>> -> memref<160000x128xf32, #tpu.memory_space<hbm>>
      tpu.wait_indirect_dma semaphore(%arg15 : memref<!tpu.dma_semaphore, #tpu.memory_space<semaphore_mem>>) src(%dma_wait3A_419 : memref<160000x128xf32, #tpu.memory_space<hbm>>) dst(%arg11 : memref<80x128xf32, #tpu.memory_space<vmem>>)
      %mul3A_420 = arith.constant 3 : i32
      %mul3A_421 = arith.muli %mul3A_420, %scan3A_389 : i32
      %add3A_422 = arith.constant 1 : i32
      %add3A_423 = arith.addi %mul3A_421, %add3A_422 : i32
      %dma_start3A_424 = arith.constant 0 : i32
      %dma_start3A_425 = tpu.memref_slice %arg8[%add3A_423, %dma_start3A_424] : memref<25x80xi32, #tpu.memory_space<vmem>> -> memref<1x80xi32, #tpu.memory_space<vmem>>
      %dma_start3A_426 = tpu.memref_squeeze %dma_start3A_425 : memref<1x80xi32, #tpu.memory_space<vmem>> -> memref<80xi32, #tpu.memory_space<vmem>>
      %dma_start3A_427 = arith.constant 0 : i32
      %dma_start3A_428 = arith.constant 0 : i32
      %dma_start3A_429 = tpu.memref_slice %arg13[%dma_start3A_427, %dma_start3A_428] : memref<10000x128xf32, #tpu.memory_space<vmem_shared>> -> memref<10000x128xf32, #tpu.memory_space<vmem_shared>>
      tpu.enqueue_indirect_dma source(%arg11 : memref<80x128xf32, #tpu.memory_space<vmem>>) target(%dma_start3A_429 : memref<10000x128xf32, #tpu.memory_space<vmem_shared>>) offsets(%dma_start3A_426 : memref<80xi32, #tpu.memory_space<vmem>>) semaphore(%arg18 : memref<!tpu.dma_semaphore, #tpu.memory_space<semaphore_mem>>) {add = true}
      %mul3A_430 = arith.constant 3 : i32
      %mul3A_431 = arith.muli %mul3A_430, %scan3A_389 : i32
      %add3A_432 = arith.constant 2 : i32
      %add3A_433 = arith.addi %mul3A_431, %add3A_432 : i32
      %mul3A_434 = arith.constant 80 : i32
      %mul3A_435 = arith.muli %add3A_433, %mul3A_434 : i32
      %dma_wait3A_436 = tpu.memref_slice %arg6[%mul3A_435] : memref<2000xi32, #tpu.memory_space<vmem>> -> memref<80xi32, #tpu.memory_space<vmem>>
      %dma_wait3A_437 = arith.constant 0 : i32
      %dma_wait3A_438 = arith.constant 0 : i32
      %dma_wait3A_439 = tpu.memref_slice %arg2[%dma_wait3A_437, %dma_wait3A_438] : memref<160000x128xf32, #tpu.memory_space<hbm>> -> memref<160000x128xf32, #tpu.memory_space<hbm>>
      tpu.wait_indirect_dma semaphore(%arg16 : memref<!tpu.dma_semaphore, #tpu.memory_space<semaphore_mem>>) src(%dma_wait3A_439 : memref<160000x128xf32, #tpu.memory_space<hbm>>) dst(%arg12 : memref<80x128xf32, #tpu.memory_space<vmem>>)
      %mul3A_440 = arith.constant 3 : i32
      %mul3A_441 = arith.muli %mul3A_440, %scan3A_389 : i32
      %add3A_442 = arith.constant 2 : i32
      %add3A_443 = arith.addi %mul3A_441, %add3A_442 : i32
      %dma_start3A_444 = arith.constant 0 : i32
      %dma_start3A_445 = tpu.memref_slice %arg8[%add3A_443, %dma_start3A_444] : memref<25x80xi32, #tpu.memory_space<vmem>> -> memref<1x80xi32, #tpu.memory_space<vmem>>
      %dma_start3A_446 = tpu.memref_squeeze %dma_start3A_445 : memref<1x80xi32, #tpu.memory_space<vmem>> -> memref<80xi32, #tpu.memory_space<vmem>>
      %dma_start3A_447 = arith.constant 0 : i32
      %dma_start3A_448 = arith.constant 0 : i32
      %dma_start3A_449 = tpu.memref_slice %arg13[%dma_start3A_447, %dma_start3A_448] : memref<10000x128xf32, #tpu.memory_space<vmem_shared>> -> memref<10000x128xf32, #tpu.memory_space<vmem_shared>>
      tpu.enqueue_indirect_dma source(%arg12 : memref<80x128xf32, #tpu.memory_space<vmem>>) target(%dma_start3A_449 : memref<10000x128xf32, #tpu.memory_space<vmem_shared>>) offsets(%dma_start3A_446 : memref<80xi32, #tpu.memory_space<vmem>>) semaphore(%arg19 : memref<!tpu.dma_semaphore, #tpu.memory_space<semaphore_mem>>) {add = true}
      %mul3A_450 = arith.constant 3 : i32
      %mul3A_451 = arith.muli %mul3A_450, %scan3A_389 : i32
      %add3A_452 = arith.constant 3 : i32
      %add3A_453 = arith.addi %mul3A_451, %add3A_452 : i32
      %add3A_454 = arith.constant 0 : i32
      %add3A_455 = arith.addi %add3A_453, %add3A_454 : i32
      %lt3A = arith.constant 25 : i32
      %lt3A_456 = arith.cmpi slt, %add3A_455, %lt3A : i32
      %convert_element_type3A = arith.extui %lt3A_456 : i1 to i32
      %cond3A = arith.constant 0 : i32
      %cond3A_457 = arith.cmpi ne, %convert_element_type3A, %cond3A : i32
      scf.if %cond3A_457 {
        %dma_wait3A_480 = arith.constant 0 : i32
        %dma_wait3A_481 = arith.constant 0 : i32
        %dma_wait3A_482 = tpu.memref_slice %arg8[%dma_wait3A_480, %dma_wait3A_481] : memref<25x80xi32, #tpu.memory_space<vmem>> -> memref<1x80xi32, #tpu.memory_space<vmem>>
        %dma_wait3A_483 = tpu.memref_squeeze %dma_wait3A_482 : memref<1x80xi32, #tpu.memory_space<vmem>> -> memref<80xi32, #tpu.memory_space<vmem>>
        %dma_wait3A_484 = arith.constant 0 : i32
        %dma_wait3A_485 = arith.constant 0 : i32
        %dma_wait3A_486 = tpu.memref_slice %arg13[%dma_wait3A_484, %dma_wait3A_485] : memref<10000x128xf32, #tpu.memory_space<vmem_shared>> -> memref<10000x128xf32, #tpu.memory_space<vmem_shared>>
        tpu.wait_indirect_dma semaphore(%arg17 : memref<!tpu.dma_semaphore, #tpu.memory_space<semaphore_mem>>) src(%arg10 : memref<80x128xf32, #tpu.memory_space<vmem>>) dst(%dma_wait3A_486 : memref<10000x128xf32, #tpu.memory_space<vmem_shared>>)
        %mul3A_487 = arith.constant 80 : i32
        %mul3A_488 = arith.muli %add3A_455, %mul3A_487 : i32
        %dma_start3A_489 = tpu.memref_slice %arg6[%mul3A_488] : memref<2000xi32, #tpu.memory_space<vmem>> -> memref<80xi32, #tpu.memory_space<vmem>>
        %dma_start3A_490 = arith.constant 0 : i32
        %dma_start3A_491 = arith.constant 0 : i32
        %dma_start3A_492 = tpu.memref_slice %arg2[%dma_start3A_490, %dma_start3A_491] : memref<160000x128xf32, #tpu.memory_space<hbm>> -> memref<160000x128xf32, #tpu.memory_space<hbm>>
        tpu.enqueue_indirect_dma source(%dma_start3A_492 : memref<160000x128xf32, #tpu.memory_space<hbm>>) target(%arg10 : memref<80x128xf32, #tpu.memory_space<vmem>>) offsets(%dma_start3A_489 : memref<80xi32, #tpu.memory_space<vmem>>) semaphore(%arg14 : memref<!tpu.dma_semaphore, #tpu.memory_space<semaphore_mem>>)
      } else {
      }
      %mul3A_458 = arith.constant 3 : i32
      %mul3A_459 = arith.muli %mul3A_458, %scan3A_389 : i32
      %add3A_460 = arith.constant 3 : i32
      %add3A_461 = arith.addi %mul3A_459, %add3A_460 : i32
      %add3A_462 = arith.constant 1 : i32
      %add3A_463 = arith.addi %add3A_461, %add3A_462 : i32
      %lt3A_464 = arith.constant 25 : i32
      %lt3A_465 = arith.cmpi slt, %add3A_463, %lt3A_464 : i32
      %convert_element_type3A_466 = arith.extui %lt3A_465 : i1 to i32
      %cond3A_467 = arith.constant 0 : i32
      %cond3A_468 = arith.cmpi ne, %convert_element_type3A_466, %cond3A_467 : i32
      scf.if %cond3A_468 {
        %dma_wait3A_480 = arith.constant 0 : i32
        %dma_wait3A_481 = arith.constant 0 : i32
        %dma_wait3A_482 = tpu.memref_slice %arg8[%dma_wait3A_480, %dma_wait3A_481] : memref<25x80xi32, #tpu.memory_space<vmem>> -> memref<1x80xi32, #tpu.memory_space<vmem>>
        %dma_wait3A_483 = tpu.memref_squeeze %dma_wait3A_482 : memref<1x80xi32, #tpu.memory_space<vmem>> -> memref<80xi32, #tpu.memory_space<vmem>>
        %dma_wait3A_484 = arith.constant 0 : i32
        %dma_wait3A_485 = arith.constant 0 : i32
        %dma_wait3A_486 = tpu.memref_slice %arg13[%dma_wait3A_484, %dma_wait3A_485] : memref<10000x128xf32, #tpu.memory_space<vmem_shared>> -> memref<10000x128xf32, #tpu.memory_space<vmem_shared>>
        tpu.wait_indirect_dma semaphore(%arg18 : memref<!tpu.dma_semaphore, #tpu.memory_space<semaphore_mem>>) src(%arg11 : memref<80x128xf32, #tpu.memory_space<vmem>>) dst(%dma_wait3A_486 : memref<10000x128xf32, #tpu.memory_space<vmem_shared>>)
        %mul3A_487 = arith.constant 80 : i32
        %mul3A_488 = arith.muli %add3A_463, %mul3A_487 : i32
        %dma_start3A_489 = tpu.memref_slice %arg6[%mul3A_488] : memref<2000xi32, #tpu.memory_space<vmem>> -> memref<80xi32, #tpu.memory_space<vmem>>
        %dma_start3A_490 = arith.constant 0 : i32
        %dma_start3A_491 = arith.constant 0 : i32
        %dma_start3A_492 = tpu.memref_slice %arg2[%dma_start3A_490, %dma_start3A_491] : memref<160000x128xf32, #tpu.memory_space<hbm>> -> memref<160000x128xf32, #tpu.memory_space<hbm>>
        tpu.enqueue_indirect_dma source(%dma_start3A_492 : memref<160000x128xf32, #tpu.memory_space<hbm>>) target(%arg11 : memref<80x128xf32, #tpu.memory_space<vmem>>) offsets(%dma_start3A_489 : memref<80xi32, #tpu.memory_space<vmem>>) semaphore(%arg15 : memref<!tpu.dma_semaphore, #tpu.memory_space<semaphore_mem>>)
      } else {
      }
      %mul3A_469 = arith.constant 3 : i32
      %mul3A_470 = arith.muli %mul3A_469, %scan3A_389 : i32
      %add3A_471 = arith.constant 3 : i32
      %add3A_472 = arith.addi %mul3A_470, %add3A_471 : i32
      %add3A_473 = arith.constant 2 : i32
      %add3A_474 = arith.addi %add3A_472, %add3A_473 : i32
      %lt3A_475 = arith.constant 25 : i32
      %lt3A_476 = arith.cmpi slt, %add3A_474, %lt3A_475 : i32
      %convert_element_type3A_477 = arith.extui %lt3A_476 : i1 to i32
      %cond3A_478 = arith.constant 0 : i32
      %cond3A_479 = arith.cmpi ne, %convert_element_type3A_477, %cond3A_478 : i32
      scf.if %cond3A_479 {
        %dma_wait3A_480 = arith.constant 0 : i32
        %dma_wait3A_481 = arith.constant 0 : i32
        %dma_wait3A_482 = tpu.memref_slice %arg8[%dma_wait3A_480, %dma_wait3A_481] : memref<25x80xi32, #tpu.memory_space<vmem>> -> memref<1x80xi32, #tpu.memory_space<vmem>>
        %dma_wait3A_483 = tpu.memref_squeeze %dma_wait3A_482 : memref<1x80xi32, #tpu.memory_space<vmem>> -> memref<80xi32, #tpu.memory_space<vmem>>
        %dma_wait3A_484 = arith.constant 0 : i32
        %dma_wait3A_485 = arith.constant 0 : i32
        %dma_wait3A_486 = tpu.memref_slice %arg13[%dma_wait3A_484, %dma_wait3A_485] : memref<10000x128xf32, #tpu.memory_space<vmem_shared>> -> memref<10000x128xf32, #tpu.memory_space<vmem_shared>>
        tpu.wait_indirect_dma semaphore(%arg19 : memref<!tpu.dma_semaphore, #tpu.memory_space<semaphore_mem>>) src(%arg12 : memref<80x128xf32, #tpu.memory_space<vmem>>) dst(%dma_wait3A_486 : memref<10000x128xf32, #tpu.memory_space<vmem_shared>>)
        %mul3A_487 = arith.constant 80 : i32
        %mul3A_488 = arith.muli %add3A_474, %mul3A_487 : i32
        %dma_start3A_489 = tpu.memref_slice %arg6[%mul3A_488] : memref<2000xi32, #tpu.memory_space<vmem>> -> memref<80xi32, #tpu.memory_space<vmem>>
        %dma_start3A_490 = arith.constant 0 : i32
        %dma_start3A_491 = arith.constant 0 : i32
        %dma_start3A_492 = tpu.memref_slice %arg2[%dma_start3A_490, %dma_start3A_491] : memref<160000x128xf32, #tpu.memory_space<hbm>> -> memref<160000x128xf32, #tpu.memory_space<hbm>>
        tpu.enqueue_indirect_dma source(%dma_start3A_492 : memref<160000x128xf32, #tpu.memory_space<hbm>>) target(%arg12 : memref<80x128xf32, #tpu.memory_space<vmem>>) offsets(%dma_start3A_489 : memref<80xi32, #tpu.memory_space<vmem>>) semaphore(%arg16 : memref<!tpu.dma_semaphore, #tpu.memory_space<semaphore_mem>>)
      } else {
      }
    }
    %scan3A_62 = arith.constant 8 : i32
    %dma_wait3A_63 = arith.constant 1920 : i32
    %dma_wait3A_64 = tpu.memref_slice %arg6[%dma_wait3A_63] : memref<2000xi32, #tpu.memory_space<vmem>> -> memref<80xi32, #tpu.memory_space<vmem>>
    %dma_wait3A_65 = arith.constant 0 : i32
    %dma_wait3A_66 = arith.constant 0 : i32
    %dma_wait3A_67 = tpu.memref_slice %arg2[%dma_wait3A_65, %dma_wait3A_66] : memref<160000x128xf32, #tpu.memory_space<hbm>> -> memref<160000x128xf32, #tpu.memory_space<hbm>>
    tpu.wait_indirect_dma semaphore(%arg14 : memref<!tpu.dma_semaphore, #tpu.memory_space<semaphore_mem>>) src(%dma_wait3A_67 : memref<160000x128xf32, #tpu.memory_space<hbm>>) dst(%arg10 : memref<80x128xf32, #tpu.memory_space<vmem>>)
    %dma_start3A_68 = arith.constant 24 : i32
    %dma_start3A_69 = arith.constant 0 : i32
    %dma_start3A_70 = tpu.memref_slice %arg8[%dma_start3A_68, %dma_start3A_69] : memref<25x80xi32, #tpu.memory_space<vmem>> -> memref<1x80xi32, #tpu.memory_space<vmem>>
    %dma_start3A_71 = tpu.memref_squeeze %dma_start3A_70 : memref<1x80xi32, #tpu.memory_space<vmem>> -> memref<80xi32, #tpu.memory_space<vmem>>
    %dma_start3A_72 = arith.constant 0 : i32
    %dma_start3A_73 = arith.constant 0 : i32
    %dma_start3A_74 = tpu.memref_slice %arg13[%dma_start3A_72, %dma_start3A_73] : memref<10000x128xf32, #tpu.memory_space<vmem_shared>> -> memref<10000x128xf32, #tpu.memory_space<vmem_shared>>
    tpu.enqueue_indirect_dma source(%arg10 : memref<80x128xf32, #tpu.memory_space<vmem>>) target(%dma_start3A_74 : memref<10000x128xf32, #tpu.memory_space<vmem_shared>>) offsets(%dma_start3A_71 : memref<80xi32, #tpu.memory_space<vmem>>) semaphore(%arg17 : memref<!tpu.dma_semaphore, #tpu.memory_space<semaphore_mem>>) {add = true}
    %dma_wait3A_75 = arith.constant 0 : i32
    %dma_wait3A_76 = arith.constant 0 : i32
    %dma_wait3A_77 = tpu.memref_slice %arg8[%dma_wait3A_75, %dma_wait3A_76] : memref<25x80xi32, #tpu.memory_space<vmem>> -> memref<1x80xi32, #tpu.memory_space<vmem>>
    %dma_wait3A_78 = tpu.memref_squeeze %dma_wait3A_77 : memref<1x80xi32, #tpu.memory_space<vmem>> -> memref<80xi32, #tpu.memory_space<vmem>>
    %dma_wait3A_79 = arith.constant 0 : i32
    %dma_wait3A_80 = arith.constant 0 : i32
    %dma_wait3A_81 = tpu.memref_slice %arg13[%dma_wait3A_79, %dma_wait3A_80] : memref<10000x128xf32, #tpu.memory_space<vmem_shared>> -> memref<10000x128xf32, #tpu.memory_space<vmem_shared>>
    tpu.wait_indirect_dma semaphore(%arg17 : memref<!tpu.dma_semaphore, #tpu.memory_space<semaphore_mem>>) src(%arg10 : memref<80x128xf32, #tpu.memory_space<vmem>>) dst(%dma_wait3A_81 : memref<10000x128xf32, #tpu.memory_space<vmem_shared>>)
    %dma_wait3A_82 = arith.constant 0 : i32
    %dma_wait3A_83 = arith.constant 0 : i32
    %dma_wait3A_84 = tpu.memref_slice %arg8[%dma_wait3A_82, %dma_wait3A_83] : memref<25x80xi32, #tpu.memory_space<vmem>> -> memref<1x80xi32, #tpu.memory_space<vmem>>
    %dma_wait3A_85 = tpu.memref_squeeze %dma_wait3A_84 : memref<1x80xi32, #tpu.memory_space<vmem>> -> memref<80xi32, #tpu.memory_space<vmem>>
    %dma_wait3A_86 = arith.constant 0 : i32
    %dma_wait3A_87 = arith.constant 0 : i32
    %dma_wait3A_88 = tpu.memref_slice %arg13[%dma_wait3A_86, %dma_wait3A_87] : memref<10000x128xf32, #tpu.memory_space<vmem_shared>> -> memref<10000x128xf32, #tpu.memory_space<vmem_shared>>
    tpu.wait_indirect_dma semaphore(%arg18 : memref<!tpu.dma_semaphore, #tpu.memory_space<semaphore_mem>>) src(%arg11 : memref<80x128xf32, #tpu.memory_space<vmem>>) dst(%dma_wait3A_88 : memref<10000x128xf32, #tpu.memory_space<vmem_shared>>)
    %dma_wait3A_89 = arith.constant 0 : i32
    %dma_wait3A_90 = arith.constant 0 : i32
    %dma_wait3A_91 = tpu.memref_slice %arg8[%dma_wait3A_89, %dma_wait3A_90] : memref<25x80xi32, #tpu.memory_space<vmem>> -> memref<1x80xi32, #tpu.memory_space<vmem>>
    %dma_wait3A_92 = tpu.memref_squeeze %dma_wait3A_91 : memref<1x80xi32, #tpu.memory_space<vmem>> -> memref<80xi32, #tpu.memory_space<vmem>>
    %dma_wait3A_93 = arith.constant 0 : i32
    %dma_wait3A_94 = arith.constant 0 : i32
    %dma_wait3A_95 = tpu.memref_slice %arg13[%dma_wait3A_93, %dma_wait3A_94] : memref<10000x128xf32, #tpu.memory_space<vmem_shared>> -> memref<10000x128xf32, #tpu.memory_space<vmem_shared>>
    tpu.wait_indirect_dma semaphore(%arg19 : memref<!tpu.dma_semaphore, #tpu.memory_space<semaphore_mem>>) src(%arg12 : memref<80x128xf32, #tpu.memory_space<vmem>>) dst(%dma_wait3A_95 : memref<10000x128xf32, #tpu.memory_space<vmem_shared>>)
    %add3A_96 = arith.constant 2000 : i32
    %add3A_97 = arith.addi %mul3A_2, %add3A_96 : i32
    %dma_wait3A_98 = tpu.memref_slice %arg3[%add3A_97] : memref<320000xi32, #tpu.memory_space<hbm>> -> memref<2000xi32, #tpu.memory_space<hbm>>
    %dma_wait3A_99 = tpu.memref_slice %arg3[%add3A_97] : memref<320000xi32, #tpu.memory_space<hbm>> -> memref<2000xi32, #tpu.memory_space<hbm>>
    tpu.wait_dma2 semaphore(%arg20 : memref<!tpu.dma_semaphore, #tpu.memory_space<semaphore_mem>>) src(%dma_wait3A_99 : memref<2000xi32, #tpu.memory_space<hbm>>) dst(%arg7 : memref<2000xi32, #tpu.memory_space<vmem>>)
    %scan3A_100 = arith.constant 0 : i32
    %scan3A_101 = arith.constant 0 : i32
    %scan3A_102 = arith.constant 25 : i32
    %scan3A_103 = arith.addi %scan3A_101, %scan3A_102 : i32
    %scan3A_104 = arith.constant 1 : i32
    scf.for %scan3A_389 = %scan3A_101 to %scan3A_103 step %scan3A_104  : i32 {
      %mul3A_390 = arith.constant 80 : i32
      %mul3A_391 = arith.muli %scan3A_389, %mul3A_390 : i32
      %add3A_392 = arith.addi %add3A_97, %mul3A_391 : i32
      %dma_wait3A_393 = arith.constant 0 : i32
      %dma_wait3A_394 = tpu.memref_slice %arg9[%scan3A_389, %dma_wait3A_393] : memref<25x80xi32, #tpu.memory_space<vmem>> -> memref<1x80xi32, #tpu.memory_space<vmem>>
      %dma_wait3A_395 = tpu.memref_squeeze %dma_wait3A_394 : memref<1x80xi32, #tpu.memory_space<vmem>> -> memref<80xi32, #tpu.memory_space<vmem>>
      %dma_wait3A_396 = tpu.memref_slice %arg4[%add3A_392] : memref<320000xi32, #tpu.memory_space<hbm>> -> memref<80xi32, #tpu.memory_space<hbm>>
      %dma_wait3A_397 = arith.constant 0 : i32
      %dma_wait3A_398 = tpu.memref_slice %arg9[%scan3A_389, %dma_wait3A_397] : memref<25x80xi32, #tpu.memory_space<vmem>> -> memref<1x80xi32, #tpu.memory_space<vmem>>
      %dma_wait3A_399 = tpu.memref_squeeze %dma_wait3A_398 : memref<1x80xi32, #tpu.memory_space<vmem>> -> memref<80xi32, #tpu.memory_space<vmem>>
      %dma_wait3A_400 = tpu.memref_slice %arg4[%add3A_392] : memref<320000xi32, #tpu.memory_space<hbm>> -> memref<80xi32, #tpu.memory_space<hbm>>
      tpu.wait_dma2 semaphore(%arg20 : memref<!tpu.dma_semaphore, #tpu.memory_space<semaphore_mem>>) src(%dma_wait3A_400 : memref<80xi32, #tpu.memory_space<hbm>>) dst(%dma_wait3A_399 : memref<80xi32, #tpu.memory_space<vmem>>)
    }
    %scan3A_105 = arith.constant 25 : i32
    %add3A_106 = arith.constant 4000 : i32
    %add3A_107 = arith.addi %mul3A_2, %add3A_106 : i32
    %dma_start3A_108 = tpu.memref_slice %arg3[%add3A_107] : memref<320000xi32, #tpu.memory_space<hbm>> -> memref<2000xi32, #tpu.memory_space<hbm>>
    %dma_start3A_109 = tpu.memref_slice %arg3[%add3A_107] : memref<320000xi32, #tpu.memory_space<hbm>> -> memref<2000xi32, #tpu.memory_space<hbm>>
    tpu.enqueue_dma source(%dma_start3A_109 : memref<2000xi32, #tpu.memory_space<hbm>>) target(%arg6 : memref<2000xi32, #tpu.memory_space<vmem>>) target_semaphore(%arg20 : memref<!tpu.dma_semaphore, #tpu.memory_space<semaphore_mem>>)
    %scan3A_110 = arith.constant 0 : i32
    %scan3A_111 = arith.constant 0 : i32
    %scan3A_112 = arith.constant 25 : i32
    %scan3A_113 = arith.addi %scan3A_111, %scan3A_112 : i32
    %scan3A_114 = arith.constant 1 : i32
    scf.for %scan3A_389 = %scan3A_111 to %scan3A_113 step %scan3A_114  : i32 {
      %mul3A_390 = arith.constant 80 : i32
      %mul3A_391 = arith.muli %scan3A_389, %mul3A_390 : i32
      %add3A_392 = arith.addi %add3A_107, %mul3A_391 : i32
      %dma_start3A_393 = arith.constant 0 : i32
      %dma_start3A_394 = tpu.memref_slice %arg8[%scan3A_389, %dma_start3A_393] : memref<25x80xi32, #tpu.memory_space<vmem>> -> memref<1x80xi32, #tpu.memory_space<vmem>>
      %dma_start3A_395 = tpu.memref_squeeze %dma_start3A_394 : memref<1x80xi32, #tpu.memory_space<vmem>> -> memref<80xi32, #tpu.memory_space<vmem>>
      %dma_start3A_396 = tpu.memref_slice %arg4[%add3A_392] : memref<320000xi32, #tpu.memory_space<hbm>> -> memref<80xi32, #tpu.memory_space<hbm>>
      %dma_start3A_397 = arith.constant 0 : i32
      %dma_start3A_398 = tpu.memref_slice %arg8[%scan3A_389, %dma_start3A_397] : memref<25x80xi32, #tpu.memory_space<vmem>> -> memref<1x80xi32, #tpu.memory_space<vmem>>
      %dma_start3A_399 = tpu.memref_squeeze %dma_start3A_398 : memref<1x80xi32, #tpu.memory_space<vmem>> -> memref<80xi32, #tpu.memory_space<vmem>>
      %dma_start3A_400 = tpu.memref_slice %arg4[%add3A_392] : memref<320000xi32, #tpu.memory_space<hbm>> -> memref<80xi32, #tpu.memory_space<hbm>>
      tpu.enqueue_dma source(%dma_start3A_400 : memref<80xi32, #tpu.memory_space<hbm>>) target(%dma_start3A_399 : memref<80xi32, #tpu.memory_space<vmem>>) target_semaphore(%arg20 : memref<!tpu.dma_semaphore, #tpu.memory_space<semaphore_mem>>)
    }
    %scan3A_115 = arith.constant 25 : i32
    %dma_start3A_116 = arith.constant 0 : i32
    %dma_start3A_117 = tpu.memref_slice %arg7[%dma_start3A_116] : memref<2000xi32, #tpu.memory_space<vmem>> -> memref<80xi32, #tpu.memory_space<vmem>>
    %dma_start3A_118 = arith.constant 0 : i32
    %dma_start3A_119 = arith.constant 0 : i32
    %dma_start3A_120 = tpu.memref_slice %arg2[%dma_start3A_118, %dma_start3A_119] : memref<160000x128xf32, #tpu.memory_space<hbm>> -> memref<160000x128xf32, #tpu.memory_space<hbm>>
    tpu.enqueue_indirect_dma source(%dma_start3A_120 : memref<160000x128xf32, #tpu.memory_space<hbm>>) target(%arg10 : memref<80x128xf32, #tpu.memory_space<vmem>>) offsets(%dma_start3A_117 : memref<80xi32, #tpu.memory_space<vmem>>) semaphore(%arg14 : memref<!tpu.dma_semaphore, #tpu.memory_space<semaphore_mem>>)
    %dma_start3A_121 = arith.constant 80 : i32
    %dma_start3A_122 = tpu.memref_slice %arg7[%dma_start3A_121] : memref<2000xi32, #tpu.memory_space<vmem>> -> memref<80xi32, #tpu.memory_space<vmem>>
    %dma_start3A_123 = arith.constant 0 : i32
    %dma_start3A_124 = arith.constant 0 : i32
    %dma_start3A_125 = tpu.memref_slice %arg2[%dma_start3A_123, %dma_start3A_124] : memref<160000x128xf32, #tpu.memory_space<hbm>> -> memref<160000x128xf32, #tpu.memory_space<hbm>>
    tpu.enqueue_indirect_dma source(%dma_start3A_125 : memref<160000x128xf32, #tpu.memory_space<hbm>>) target(%arg11 : memref<80x128xf32, #tpu.memory_space<vmem>>) offsets(%dma_start3A_122 : memref<80xi32, #tpu.memory_space<vmem>>) semaphore(%arg15 : memref<!tpu.dma_semaphore, #tpu.memory_space<semaphore_mem>>)
    %dma_start3A_126 = arith.constant 160 : i32
    %dma_start3A_127 = tpu.memref_slice %arg7[%dma_start3A_126] : memref<2000xi32, #tpu.memory_space<vmem>> -> memref<80xi32, #tpu.memory_space<vmem>>
    %dma_start3A_128 = arith.constant 0 : i32
    %dma_start3A_129 = arith.constant 0 : i32
    %dma_start3A_130 = tpu.memref_slice %arg2[%dma_start3A_128, %dma_start3A_129] : memref<160000x128xf32, #tpu.memory_space<hbm>> -> memref<160000x128xf32, #tpu.memory_space<hbm>>
    tpu.enqueue_indirect_dma source(%dma_start3A_130 : memref<160000x128xf32, #tpu.memory_space<hbm>>) target(%arg12 : memref<80x128xf32, #tpu.memory_space<vmem>>) offsets(%dma_start3A_127 : memref<80xi32, #tpu.memory_space<vmem>>) semaphore(%arg16 : memref<!tpu.dma_semaphore, #tpu.memory_space<semaphore_mem>>)
    %scan3A_131 = arith.constant 0 : i32
    %scan3A_132 = arith.constant 0 : i32
    %scan3A_133 = arith.constant 8 : i32
    %scan3A_134 = arith.addi %scan3A_132, %scan3A_133 : i32
    %scan3A_135 = arith.constant 1 : i32
    scf.for %scan3A_389 = %scan3A_132 to %scan3A_134 step %scan3A_135  : i32 {
      %mul3A_390 = arith.constant 3 : i32
      %mul3A_391 = arith.muli %mul3A_390, %scan3A_389 : i32
      %add3A_392 = arith.constant 0 : i32
      %add3A_393 = arith.addi %mul3A_391, %add3A_392 : i32
      %mul3A_394 = arith.constant 80 : i32
      %mul3A_395 = arith.muli %add3A_393, %mul3A_394 : i32
      %dma_wait3A_396 = tpu.memref_slice %arg7[%mul3A_395] : memref<2000xi32, #tpu.memory_space<vmem>> -> memref<80xi32, #tpu.memory_space<vmem>>
      %dma_wait3A_397 = arith.constant 0 : i32
      %dma_wait3A_398 = arith.constant 0 : i32
      %dma_wait3A_399 = tpu.memref_slice %arg2[%dma_wait3A_397, %dma_wait3A_398] : memref<160000x128xf32, #tpu.memory_space<hbm>> -> memref<160000x128xf32, #tpu.memory_space<hbm>>
      tpu.wait_indirect_dma semaphore(%arg14 : memref<!tpu.dma_semaphore, #tpu.memory_space<semaphore_mem>>) src(%dma_wait3A_399 : memref<160000x128xf32, #tpu.memory_space<hbm>>) dst(%arg10 : memref<80x128xf32, #tpu.memory_space<vmem>>)
      %mul3A_400 = arith.constant 3 : i32
      %mul3A_401 = arith.muli %mul3A_400, %scan3A_389 : i32
      %add3A_402 = arith.constant 0 : i32
      %add3A_403 = arith.addi %mul3A_401, %add3A_402 : i32
      %dma_start3A_404 = arith.constant 0 : i32
      %dma_start3A_405 = tpu.memref_slice %arg9[%add3A_403, %dma_start3A_404] : memref<25x80xi32, #tpu.memory_space<vmem>> -> memref<1x80xi32, #tpu.memory_space<vmem>>
      %dma_start3A_406 = tpu.memref_squeeze %dma_start3A_405 : memref<1x80xi32, #tpu.memory_space<vmem>> -> memref<80xi32, #tpu.memory_space<vmem>>
      %dma_start3A_407 = arith.constant 0 : i32
      %dma_start3A_408 = arith.constant 0 : i32
      %dma_start3A_409 = tpu.memref_slice %arg13[%dma_start3A_407, %dma_start3A_408] : memref<10000x128xf32, #tpu.memory_space<vmem_shared>> -> memref<10000x128xf32, #tpu.memory_space<vmem_shared>>
      tpu.enqueue_indirect_dma source(%arg10 : memref<80x128xf32, #tpu.memory_space<vmem>>) target(%dma_start3A_409 : memref<10000x128xf32, #tpu.memory_space<vmem_shared>>) offsets(%dma_start3A_406 : memref<80xi32, #tpu.memory_space<vmem>>) semaphore(%arg17 : memref<!tpu.dma_semaphore, #tpu.memory_space<semaphore_mem>>) {add = true}
      %mul3A_410 = arith.constant 3 : i32
      %mul3A_411 = arith.muli %mul3A_410, %scan3A_389 : i32
      %add3A_412 = arith.constant 1 : i32
      %add3A_413 = arith.addi %mul3A_411, %add3A_412 : i32
      %mul3A_414 = arith.constant 80 : i32
      %mul3A_415 = arith.muli %add3A_413, %mul3A_414 : i32
      %dma_wait3A_416 = tpu.memref_slice %arg7[%mul3A_415] : memref<2000xi32, #tpu.memory_space<vmem>> -> memref<80xi32, #tpu.memory_space<vmem>>
      %dma_wait3A_417 = arith.constant 0 : i32
      %dma_wait3A_418 = arith.constant 0 : i32
      %dma_wait3A_419 = tpu.memref_slice %arg2[%dma_wait3A_417, %dma_wait3A_418] : memref<160000x128xf32, #tpu.memory_space<hbm>> -> memref<160000x128xf32, #tpu.memory_space<hbm>>
      tpu.wait_indirect_dma semaphore(%arg15 : memref<!tpu.dma_semaphore, #tpu.memory_space<semaphore_mem>>) src(%dma_wait3A_419 : memref<160000x128xf32, #tpu.memory_space<hbm>>) dst(%arg11 : memref<80x128xf32, #tpu.memory_space<vmem>>)
      %mul3A_420 = arith.constant 3 : i32
      %mul3A_421 = arith.muli %mul3A_420, %scan3A_389 : i32
      %add3A_422 = arith.constant 1 : i32
      %add3A_423 = arith.addi %mul3A_421, %add3A_422 : i32
      %dma_start3A_424 = arith.constant 0 : i32
      %dma_start3A_425 = tpu.memref_slice %arg9[%add3A_423, %dma_start3A_424] : memref<25x80xi32, #tpu.memory_space<vmem>> -> memref<1x80xi32, #tpu.memory_space<vmem>>
      %dma_start3A_426 = tpu.memref_squeeze %dma_start3A_425 : memref<1x80xi32, #tpu.memory_space<vmem>> -> memref<80xi32, #tpu.memory_space<vmem>>
      %dma_start3A_427 = arith.constant 0 : i32
      %dma_start3A_428 = arith.constant 0 : i32
      %dma_start3A_429 = tpu.memref_slice %arg13[%dma_start3A_427, %dma_start3A_428] : memref<10000x128xf32, #tpu.memory_space<vmem_shared>> -> memref<10000x128xf32, #tpu.memory_space<vmem_shared>>
      tpu.enqueue_indirect_dma source(%arg11 : memref<80x128xf32, #tpu.memory_space<vmem>>) target(%dma_start3A_429 : memref<10000x128xf32, #tpu.memory_space<vmem_shared>>) offsets(%dma_start3A_426 : memref<80xi32, #tpu.memory_space<vmem>>) semaphore(%arg18 : memref<!tpu.dma_semaphore, #tpu.memory_space<semaphore_mem>>) {add = true}
      %mul3A_430 = arith.constant 3 : i32
      %mul3A_431 = arith.muli %mul3A_430, %scan3A_389 : i32
      %add3A_432 = arith.constant 2 : i32
      %add3A_433 = arith.addi %mul3A_431, %add3A_432 : i32
      %mul3A_434 = arith.constant 80 : i32
      %mul3A_435 = arith.muli %add3A_433, %mul3A_434 : i32
      %dma_wait3A_436 = tpu.memref_slice %arg7[%mul3A_435] : memref<2000xi32, #tpu.memory_space<vmem>> -> memref<80xi32, #tpu.memory_space<vmem>>
      %dma_wait3A_437 = arith.constant 0 : i32
      %dma_wait3A_438 = arith.constant 0 : i32
      %dma_wait3A_439 = tpu.memref_slice %arg2[%dma_wait3A_437, %dma_wait3A_438] : memref<160000x128xf32, #tpu.memory_space<hbm>> -> memref<160000x128xf32, #tpu.memory_space<hbm>>
      tpu.wait_indirect_dma semaphore(%arg16 : memref<!tpu.dma_semaphore, #tpu.memory_space<semaphore_mem>>) src(%dma_wait3A_439 : memref<160000x128xf32, #tpu.memory_space<hbm>>) dst(%arg12 : memref<80x128xf32, #tpu.memory_space<vmem>>)
      %mul3A_440 = arith.constant 3 : i32
      %mul3A_441 = arith.muli %mul3A_440, %scan3A_389 : i32
      %add3A_442 = arith.constant 2 : i32
      %add3A_443 = arith.addi %mul3A_441, %add3A_442 : i32
      %dma_start3A_444 = arith.constant 0 : i32
      %dma_start3A_445 = tpu.memref_slice %arg9[%add3A_443, %dma_start3A_444] : memref<25x80xi32, #tpu.memory_space<vmem>> -> memref<1x80xi32, #tpu.memory_space<vmem>>
      %dma_start3A_446 = tpu.memref_squeeze %dma_start3A_445 : memref<1x80xi32, #tpu.memory_space<vmem>> -> memref<80xi32, #tpu.memory_space<vmem>>
      %dma_start3A_447 = arith.constant 0 : i32
      %dma_start3A_448 = arith.constant 0 : i32
      %dma_start3A_449 = tpu.memref_slice %arg13[%dma_start3A_447, %dma_start3A_448] : memref<10000x128xf32, #tpu.memory_space<vmem_shared>> -> memref<10000x128xf32, #tpu.memory_space<vmem_shared>>
      tpu.enqueue_indirect_dma source(%arg12 : memref<80x128xf32, #tpu.memory_space<vmem>>) target(%dma_start3A_449 : memref<10000x128xf32, #tpu.memory_space<vmem_shared>>) offsets(%dma_start3A_446 : memref<80xi32, #tpu.memory_space<vmem>>) semaphore(%arg19 : memref<!tpu.dma_semaphore, #tpu.memory_space<semaphore_mem>>) {add = true}
      %mul3A_450 = arith.constant 3 : i32
      %mul3A_451 = arith.muli %mul3A_450, %scan3A_389 : i32
      %add3A_452 = arith.constant 3 : i32
      %add3A_453 = arith.addi %mul3A_451, %add3A_452 : i32
      %add3A_454 = arith.constant 0 : i32
      %add3A_455 = arith.addi %add3A_453, %add3A_454 : i32
      %lt3A = arith.constant 25 : i32
      %lt3A_456 = arith.cmpi slt, %add3A_455, %lt3A : i32
      %convert_element_type3A = arith.extui %lt3A_456 : i1 to i32
      %cond3A = arith.constant 0 : i32
      %cond3A_457 = arith.cmpi ne, %convert_element_type3A, %cond3A : i32
      scf.if %cond3A_457 {
        %dma_wait3A_480 = arith.constant 0 : i32
        %dma_wait3A_481 = arith.constant 0 : i32
        %dma_wait3A_482 = tpu.memref_slice %arg9[%dma_wait3A_480, %dma_wait3A_481] : memref<25x80xi32, #tpu.memory_space<vmem>> -> memref<1x80xi32, #tpu.memory_space<vmem>>
        %dma_wait3A_483 = tpu.memref_squeeze %dma_wait3A_482 : memref<1x80xi32, #tpu.memory_space<vmem>> -> memref<80xi32, #tpu.memory_space<vmem>>
        %dma_wait3A_484 = arith.constant 0 : i32
        %dma_wait3A_485 = arith.constant 0 : i32
        %dma_wait3A_486 = tpu.memref_slice %arg13[%dma_wait3A_484, %dma_wait3A_485] : memref<10000x128xf32, #tpu.memory_space<vmem_shared>> -> memref<10000x128xf32, #tpu.memory_space<vmem_shared>>
        tpu.wait_indirect_dma semaphore(%arg17 : memref<!tpu.dma_semaphore, #tpu.memory_space<semaphore_mem>>) src(%arg10 : memref<80x128xf32, #tpu.memory_space<vmem>>) dst(%dma_wait3A_486 : memref<10000x128xf32, #tpu.memory_space<vmem_shared>>)
        %mul3A_487 = arith.constant 80 : i32
        %mul3A_488 = arith.muli %add3A_455, %mul3A_487 : i32
        %dma_start3A_489 = tpu.memref_slice %arg7[%mul3A_488] : memref<2000xi32, #tpu.memory_space<vmem>> -> memref<80xi32, #tpu.memory_space<vmem>>
        %dma_start3A_490 = arith.constant 0 : i32
        %dma_start3A_491 = arith.constant 0 : i32
        %dma_start3A_492 = tpu.memref_slice %arg2[%dma_start3A_490, %dma_start3A_491] : memref<160000x128xf32, #tpu.memory_space<hbm>> -> memref<160000x128xf32, #tpu.memory_space<hbm>>
        tpu.enqueue_indirect_dma source(%dma_start3A_492 : memref<160000x128xf32, #tpu.memory_space<hbm>>) target(%arg10 : memref<80x128xf32, #tpu.memory_space<vmem>>) offsets(%dma_start3A_489 : memref<80xi32, #tpu.memory_space<vmem>>) semaphore(%arg14 : memref<!tpu.dma_semaphore, #tpu.memory_space<semaphore_mem>>)
      } else {
      }
      %mul3A_458 = arith.constant 3 : i32
      %mul3A_459 = arith.muli %mul3A_458, %scan3A_389 : i32
      %add3A_460 = arith.constant 3 : i32
      %add3A_461 = arith.addi %mul3A_459, %add3A_460 : i32
      %add3A_462 = arith.constant 1 : i32
      %add3A_463 = arith.addi %add3A_461, %add3A_462 : i32
      %lt3A_464 = arith.constant 25 : i32
      %lt3A_465 = arith.cmpi slt, %add3A_463, %lt3A_464 : i32
      %convert_element_type3A_466 = arith.extui %lt3A_465 : i1 to i32
      %cond3A_467 = arith.constant 0 : i32
      %cond3A_468 = arith.cmpi ne, %convert_element_type3A_466, %cond3A_467 : i32
      scf.if %cond3A_468 {
        %dma_wait3A_480 = arith.constant 0 : i32
        %dma_wait3A_481 = arith.constant 0 : i32
        %dma_wait3A_482 = tpu.memref_slice %arg9[%dma_wait3A_480, %dma_wait3A_481] : memref<25x80xi32, #tpu.memory_space<vmem>> -> memref<1x80xi32, #tpu.memory_space<vmem>>
        %dma_wait3A_483 = tpu.memref_squeeze %dma_wait3A_482 : memref<1x80xi32, #tpu.memory_space<vmem>> -> memref<80xi32, #tpu.memory_space<vmem>>
        %dma_wait3A_484 = arith.constant 0 : i32
        %dma_wait3A_485 = arith.constant 0 : i32
        %dma_wait3A_486 = tpu.memref_slice %arg13[%dma_wait3A_484, %dma_wait3A_485] : memref<10000x128xf32, #tpu.memory_space<vmem_shared>> -> memref<10000x128xf32, #tpu.memory_space<vmem_shared>>
        tpu.wait_indirect_dma semaphore(%arg18 : memref<!tpu.dma_semaphore, #tpu.memory_space<semaphore_mem>>) src(%arg11 : memref<80x128xf32, #tpu.memory_space<vmem>>) dst(%dma_wait3A_486 : memref<10000x128xf32, #tpu.memory_space<vmem_shared>>)
        %mul3A_487 = arith.constant 80 : i32
        %mul3A_488 = arith.muli %add3A_463, %mul3A_487 : i32
        %dma_start3A_489 = tpu.memref_slice %arg7[%mul3A_488] : memref<2000xi32, #tpu.memory_space<vmem>> -> memref<80xi32, #tpu.memory_space<vmem>>
        %dma_start3A_490 = arith.constant 0 : i32
        %dma_start3A_491 = arith.constant 0 : i32
        %dma_start3A_492 = tpu.memref_slice %arg2[%dma_start3A_490, %dma_start3A_491] : memref<160000x128xf32, #tpu.memory_space<hbm>> -> memref<160000x128xf32, #tpu.memory_space<hbm>>
        tpu.enqueue_indirect_dma source(%dma_start3A_492 : memref<160000x128xf32, #tpu.memory_space<hbm>>) target(%arg11 : memref<80x128xf32, #tpu.memory_space<vmem>>) offsets(%dma_start3A_489 : memref<80xi32, #tpu.memory_space<vmem>>) semaphore(%arg15 : memref<!tpu.dma_semaphore, #tpu.memory_space<semaphore_mem>>)
      } else {
      }
      %mul3A_469 = arith.constant 3 : i32
      %mul3A_470 = arith.muli %mul3A_469, %scan3A_389 : i32
      %add3A_471 = arith.constant 3 : i32
      %add3A_472 = arith.addi %mul3A_470, %add3A_471 : i32
      %add3A_473 = arith.constant 2 : i32
      %add3A_474 = arith.addi %add3A_472, %add3A_473 : i32
      %lt3A_475 = arith.constant 25 : i32
      %lt3A_476 = arith.cmpi slt, %add3A_474, %lt3A_475 : i32
      %convert_element_type3A_477 = arith.extui %lt3A_476 : i1 to i32
      %cond3A_478 = arith.constant 0 : i32
      %cond3A_479 = arith.cmpi ne, %convert_element_type3A_477, %cond3A_478 : i32
      scf.if %cond3A_479 {
        %dma_wait3A_480 = arith.constant 0 : i32
        %dma_wait3A_481 = arith.constant 0 : i32
        %dma_wait3A_482 = tpu.memref_slice %arg9[%dma_wait3A_480, %dma_wait3A_481] : memref<25x80xi32, #tpu.memory_space<vmem>> -> memref<1x80xi32, #tpu.memory_space<vmem>>
        %dma_wait3A_483 = tpu.memref_squeeze %dma_wait3A_482 : memref<1x80xi32, #tpu.memory_space<vmem>> -> memref<80xi32, #tpu.memory_space<vmem>>
        %dma_wait3A_484 = arith.constant 0 : i32
        %dma_wait3A_485 = arith.constant 0 : i32
        %dma_wait3A_486 = tpu.memref_slice %arg13[%dma_wait3A_484, %dma_wait3A_485] : memref<10000x128xf32, #tpu.memory_space<vmem_shared>> -> memref<10000x128xf32, #tpu.memory_space<vmem_shared>>
        tpu.wait_indirect_dma semaphore(%arg19 : memref<!tpu.dma_semaphore, #tpu.memory_space<semaphore_mem>>) src(%arg12 : memref<80x128xf32, #tpu.memory_space<vmem>>) dst(%dma_wait3A_486 : memref<10000x128xf32, #tpu.memory_space<vmem_shared>>)
        %mul3A_487 = arith.constant 80 : i32
        %mul3A_488 = arith.muli %add3A_474, %mul3A_487 : i32
        %dma_start3A_489 = tpu.memref_slice %arg7[%mul3A_488] : memref<2000xi32, #tpu.memory_space<vmem>> -> memref<80xi32, #tpu.memory_space<vmem>>
        %dma_start3A_490 = arith.constant 0 : i32
        %dma_start3A_491 = arith.constant 0 : i32
        %dma_start3A_492 = tpu.memref_slice %arg2[%dma_start3A_490, %dma_start3A_491] : memref<160000x128xf32, #tpu.memory_space<hbm>> -> memref<160000x128xf32, #tpu.memory_space<hbm>>
        tpu.enqueue_indirect_dma source(%dma_start3A_492 : memref<160000x128xf32, #tpu.memory_space<hbm>>) target(%arg12 : memref<80x128xf32, #tpu.memory_space<vmem>>) offsets(%dma_start3A_489 : memref<80xi32, #tpu.memory_space<vmem>>) semaphore(%arg16 : memref<!tpu.dma_semaphore, #tpu.memory_space<semaphore_mem>>)
      } else {
      }
    }
    %scan3A_136 = arith.constant 8 : i32
    %dma_wait3A_137 = arith.constant 1920 : i32
    %dma_wait3A_138 = tpu.memref_slice %arg7[%dma_wait3A_137] : memref<2000xi32, #tpu.memory_space<vmem>> -> memref<80xi32, #tpu.memory_space<vmem>>
    %dma_wait3A_139 = arith.constant 0 : i32
    %dma_wait3A_140 = arith.constant 0 : i32
    %dma_wait3A_141 = tpu.memref_slice %arg2[%dma_wait3A_139, %dma_wait3A_140] : memref<160000x128xf32, #tpu.memory_space<hbm>> -> memref<160000x128xf32, #tpu.memory_space<hbm>>
    tpu.wait_indirect_dma semaphore(%arg14 : memref<!tpu.dma_semaphore, #tpu.memory_space<semaphore_mem>>) src(%dma_wait3A_141 : memref<160000x128xf32, #tpu.memory_space<hbm>>) dst(%arg10 : memref<80x128xf32, #tpu.memory_space<vmem>>)
    %dma_start3A_142 = arith.constant 24 : i32
    %dma_start3A_143 = arith.constant 0 : i32
    %dma_start3A_144 = tpu.memref_slice %arg9[%dma_start3A_142, %dma_start3A_143] : memref<25x80xi32, #tpu.memory_space<vmem>> -> memref<1x80xi32, #tpu.memory_space<vmem>>
    %dma_start3A_145 = tpu.memref_squeeze %dma_start3A_144 : memref<1x80xi32, #tpu.memory_space<vmem>> -> memref<80xi32, #tpu.memory_space<vmem>>
    %dma_start3A_146 = arith.constant 0 : i32
    %dma_start3A_147 = arith.constant 0 : i32
    %dma_start3A_148 = tpu.memref_slice %arg13[%dma_start3A_146, %dma_start3A_147] : memref<10000x128xf32, #tpu.memory_space<vmem_shared>> -> memref<10000x128xf32, #tpu.memory_space<vmem_shared>>
    tpu.enqueue_indirect_dma source(%arg10 : memref<80x128xf32, #tpu.memory_space<vmem>>) target(%dma_start3A_148 : memref<10000x128xf32, #tpu.memory_space<vmem_shared>>) offsets(%dma_start3A_145 : memref<80xi32, #tpu.memory_space<vmem>>) semaphore(%arg17 : memref<!tpu.dma_semaphore, #tpu.memory_space<semaphore_mem>>) {add = true}
    %dma_wait3A_149 = arith.constant 0 : i32
    %dma_wait3A_150 = arith.constant 0 : i32
    %dma_wait3A_151 = tpu.memref_slice %arg9[%dma_wait3A_149, %dma_wait3A_150] : memref<25x80xi32, #tpu.memory_space<vmem>> -> memref<1x80xi32, #tpu.memory_space<vmem>>
    %dma_wait3A_152 = tpu.memref_squeeze %dma_wait3A_151 : memref<1x80xi32, #tpu.memory_space<vmem>> -> memref<80xi32, #tpu.memory_space<vmem>>
    %dma_wait3A_153 = arith.constant 0 : i32
    %dma_wait3A_154 = arith.constant 0 : i32
    %dma_wait3A_155 = tpu.memref_slice %arg13[%dma_wait3A_153, %dma_wait3A_154] : memref<10000x128xf32, #tpu.memory_space<vmem_shared>> -> memref<10000x128xf32, #tpu.memory_space<vmem_shared>>
    tpu.wait_indirect_dma semaphore(%arg17 : memref<!tpu.dma_semaphore, #tpu.memory_space<semaphore_mem>>) src(%arg10 : memref<80x128xf32, #tpu.memory_space<vmem>>) dst(%dma_wait3A_155 : memref<10000x128xf32, #tpu.memory_space<vmem_shared>>)
    %dma_wait3A_156 = arith.constant 0 : i32
    %dma_wait3A_157 = arith.constant 0 : i32
    %dma_wait3A_158 = tpu.memref_slice %arg9[%dma_wait3A_156, %dma_wait3A_157] : memref<25x80xi32, #tpu.memory_space<vmem>> -> memref<1x80xi32, #tpu.memory_space<vmem>>
    %dma_wait3A_159 = tpu.memref_squeeze %dma_wait3A_158 : memref<1x80xi32, #tpu.memory_space<vmem>> -> memref<80xi32, #tpu.memory_space<vmem>>
    %dma_wait3A_160 = arith.constant 0 : i32
    %dma_wait3A_161 = arith.constant 0 : i32
    %dma_wait3A_162 = tpu.memref_slice %arg13[%dma_wait3A_160, %dma_wait3A_161] : memref<10000x128xf32, #tpu.memory_space<vmem_shared>> -> memref<10000x128xf32, #tpu.memory_space<vmem_shared>>
    tpu.wait_indirect_dma semaphore(%arg18 : memref<!tpu.dma_semaphore, #tpu.memory_space<semaphore_mem>>) src(%arg11 : memref<80x128xf32, #tpu.memory_space<vmem>>) dst(%dma_wait3A_162 : memref<10000x128xf32, #tpu.memory_space<vmem_shared>>)
    %dma_wait3A_163 = arith.constant 0 : i32
    %dma_wait3A_164 = arith.constant 0 : i32
    %dma_wait3A_165 = tpu.memref_slice %arg9[%dma_wait3A_163, %dma_wait3A_164] : memref<25x80xi32, #tpu.memory_space<vmem>> -> memref<1x80xi32, #tpu.memory_space<vmem>>
    %dma_wait3A_166 = tpu.memref_squeeze %dma_wait3A_165 : memref<1x80xi32, #tpu.memory_space<vmem>> -> memref<80xi32, #tpu.memory_space<vmem>>
    %dma_wait3A_167 = arith.constant 0 : i32
    %dma_wait3A_168 = arith.constant 0 : i32
    %dma_wait3A_169 = tpu.memref_slice %arg13[%dma_wait3A_167, %dma_wait3A_168] : memref<10000x128xf32, #tpu.memory_space<vmem_shared>> -> memref<10000x128xf32, #tpu.memory_space<vmem_shared>>
    tpu.wait_indirect_dma semaphore(%arg19 : memref<!tpu.dma_semaphore, #tpu.memory_space<semaphore_mem>>) src(%arg12 : memref<80x128xf32, #tpu.memory_space<vmem>>) dst(%dma_wait3A_169 : memref<10000x128xf32, #tpu.memory_space<vmem_shared>>)
    %add3A_170 = arith.constant 4000 : i32
    %add3A_171 = arith.addi %mul3A_2, %add3A_170 : i32
    %dma_wait3A_172 = tpu.memref_slice %arg3[%add3A_171] : memref<320000xi32, #tpu.memory_space<hbm>> -> memref<2000xi32, #tpu.memory_space<hbm>>
    %dma_wait3A_173 = tpu.memref_slice %arg3[%add3A_171] : memref<320000xi32, #tpu.memory_space<hbm>> -> memref<2000xi32, #tpu.memory_space<hbm>>
    tpu.wait_dma2 semaphore(%arg20 : memref<!tpu.dma_semaphore, #tpu.memory_space<semaphore_mem>>) src(%dma_wait3A_173 : memref<2000xi32, #tpu.memory_space<hbm>>) dst(%arg6 : memref<2000xi32, #tpu.memory_space<vmem>>)
    %scan3A_174 = arith.constant 0 : i32
    %scan3A_175 = arith.constant 0 : i32
    %scan3A_176 = arith.constant 25 : i32
    %scan3A_177 = arith.addi %scan3A_175, %scan3A_176 : i32
    %scan3A_178 = arith.constant 1 : i32
    scf.for %scan3A_389 = %scan3A_175 to %scan3A_177 step %scan3A_178  : i32 {
      %mul3A_390 = arith.constant 80 : i32
      %mul3A_391 = arith.muli %scan3A_389, %mul3A_390 : i32
      %add3A_392 = arith.addi %add3A_171, %mul3A_391 : i32
      %dma_wait3A_393 = arith.constant 0 : i32
      %dma_wait3A_394 = tpu.memref_slice %arg8[%scan3A_389, %dma_wait3A_393] : memref<25x80xi32, #tpu.memory_space<vmem>> -> memref<1x80xi32, #tpu.memory_space<vmem>>
      %dma_wait3A_395 = tpu.memref_squeeze %dma_wait3A_394 : memref<1x80xi32, #tpu.memory_space<vmem>> -> memref<80xi32, #tpu.memory_space<vmem>>
      %dma_wait3A_396 = tpu.memref_slice %arg4[%add3A_392] : memref<320000xi32, #tpu.memory_space<hbm>> -> memref<80xi32, #tpu.memory_space<hbm>>
      %dma_wait3A_397 = arith.constant 0 : i32
      %dma_wait3A_398 = tpu.memref_slice %arg8[%scan3A_389, %dma_wait3A_397] : memref<25x80xi32, #tpu.memory_space<vmem>> -> memref<1x80xi32, #tpu.memory_space<vmem>>
      %dma_wait3A_399 = tpu.memref_squeeze %dma_wait3A_398 : memref<1x80xi32, #tpu.memory_space<vmem>> -> memref<80xi32, #tpu.memory_space<vmem>>
      %dma_wait3A_400 = tpu.memref_slice %arg4[%add3A_392] : memref<320000xi32, #tpu.memory_space<hbm>> -> memref<80xi32, #tpu.memory_space<hbm>>
      tpu.wait_dma2 semaphore(%arg20 : memref<!tpu.dma_semaphore, #tpu.memory_space<semaphore_mem>>) src(%dma_wait3A_400 : memref<80xi32, #tpu.memory_space<hbm>>) dst(%dma_wait3A_399 : memref<80xi32, #tpu.memory_space<vmem>>)
    }
    %scan3A_179 = arith.constant 25 : i32
    %add3A_180 = arith.constant 6000 : i32
    %add3A_181 = arith.addi %mul3A_2, %add3A_180 : i32
    %dma_start3A_182 = tpu.memref_slice %arg3[%add3A_181] : memref<320000xi32, #tpu.memory_space<hbm>> -> memref<2000xi32, #tpu.memory_space<hbm>>
    %dma_start3A_183 = tpu.memref_slice %arg3[%add3A_181] : memref<320000xi32, #tpu.memory_space<hbm>> -> memref<2000xi32, #tpu.memory_space<hbm>>
    tpu.enqueue_dma source(%dma_start3A_183 : memref<2000xi32, #tpu.memory_space<hbm>>) target(%arg7 : memref<2000xi32, #tpu.memory_space<vmem>>) target_semaphore(%arg20 : memref<!tpu.dma_semaphore, #tpu.memory_space<semaphore_mem>>)
    %scan3A_184 = arith.constant 0 : i32
    %scan3A_185 = arith.constant 0 : i32
    %scan3A_186 = arith.constant 25 : i32
    %scan3A_187 = arith.addi %scan3A_185, %scan3A_186 : i32
    %scan3A_188 = arith.constant 1 : i32
    scf.for %scan3A_389 = %scan3A_185 to %scan3A_187 step %scan3A_188  : i32 {
      %mul3A_390 = arith.constant 80 : i32
      %mul3A_391 = arith.muli %scan3A_389, %mul3A_390 : i32
      %add3A_392 = arith.addi %add3A_181, %mul3A_391 : i32
      %dma_start3A_393 = arith.constant 0 : i32
      %dma_start3A_394 = tpu.memref_slice %arg9[%scan3A_389, %dma_start3A_393] : memref<25x80xi32, #tpu.memory_space<vmem>> -> memref<1x80xi32, #tpu.memory_space<vmem>>
      %dma_start3A_395 = tpu.memref_squeeze %dma_start3A_394 : memref<1x80xi32, #tpu.memory_space<vmem>> -> memref<80xi32, #tpu.memory_space<vmem>>
      %dma_start3A_396 = tpu.memref_slice %arg4[%add3A_392] : memref<320000xi32, #tpu.memory_space<hbm>> -> memref<80xi32, #tpu.memory_space<hbm>>
      %dma_start3A_397 = arith.constant 0 : i32
      %dma_start3A_398 = tpu.memref_slice %arg9[%scan3A_389, %dma_start3A_397] : memref<25x80xi32, #tpu.memory_space<vmem>> -> memref<1x80xi32, #tpu.memory_space<vmem>>
      %dma_start3A_399 = tpu.memref_squeeze %dma_start3A_398 : memref<1x80xi32, #tpu.memory_space<vmem>> -> memref<80xi32, #tpu.memory_space<vmem>>
      %dma_start3A_400 = tpu.memref_slice %arg4[%add3A_392] : memref<320000xi32, #tpu.memory_space<hbm>> -> memref<80xi32, #tpu.memory_space<hbm>>
      tpu.enqueue_dma source(%dma_start3A_400 : memref<80xi32, #tpu.memory_space<hbm>>) target(%dma_start3A_399 : memref<80xi32, #tpu.memory_space<vmem>>) target_semaphore(%arg20 : memref<!tpu.dma_semaphore, #tpu.memory_space<semaphore_mem>>)
    }
    %scan3A_189 = arith.constant 25 : i32
    %dma_start3A_190 = arith.constant 0 : i32
    %dma_start3A_191 = tpu.memref_slice %arg6[%dma_start3A_190] : memref<2000xi32, #tpu.memory_space<vmem>> -> memref<80xi32, #tpu.memory_space<vmem>>
    %dma_start3A_192 = arith.constant 0 : i32
    %dma_start3A_193 = arith.constant 0 : i32
    %dma_start3A_194 = tpu.memref_slice %arg2[%dma_start3A_192, %dma_start3A_193] : memref<160000x128xf32, #tpu.memory_space<hbm>> -> memref<160000x128xf32, #tpu.memory_space<hbm>>
    tpu.enqueue_indirect_dma source(%dma_start3A_194 : memref<160000x128xf32, #tpu.memory_space<hbm>>) target(%arg10 : memref<80x128xf32, #tpu.memory_space<vmem>>) offsets(%dma_start3A_191 : memref<80xi32, #tpu.memory_space<vmem>>) semaphore(%arg14 : memref<!tpu.dma_semaphore, #tpu.memory_space<semaphore_mem>>)
    %dma_start3A_195 = arith.constant 80 : i32
    %dma_start3A_196 = tpu.memref_slice %arg6[%dma_start3A_195] : memref<2000xi32, #tpu.memory_space<vmem>> -> memref<80xi32, #tpu.memory_space<vmem>>
    %dma_start3A_197 = arith.constant 0 : i32
    %dma_start3A_198 = arith.constant 0 : i32
    %dma_start3A_199 = tpu.memref_slice %arg2[%dma_start3A_197, %dma_start3A_198] : memref<160000x128xf32, #tpu.memory_space<hbm>> -> memref<160000x128xf32, #tpu.memory_space<hbm>>
    tpu.enqueue_indirect_dma source(%dma_start3A_199 : memref<160000x128xf32, #tpu.memory_space<hbm>>) target(%arg11 : memref<80x128xf32, #tpu.memory_space<vmem>>) offsets(%dma_start3A_196 : memref<80xi32, #tpu.memory_space<vmem>>) semaphore(%arg15 : memref<!tpu.dma_semaphore, #tpu.memory_space<semaphore_mem>>)
    %dma_start3A_200 = arith.constant 160 : i32
    %dma_start3A_201 = tpu.memref_slice %arg6[%dma_start3A_200] : memref<2000xi32, #tpu.memory_space<vmem>> -> memref<80xi32, #tpu.memory_space<vmem>>
    %dma_start3A_202 = arith.constant 0 : i32
    %dma_start3A_203 = arith.constant 0 : i32
    %dma_start3A_204 = tpu.memref_slice %arg2[%dma_start3A_202, %dma_start3A_203] : memref<160000x128xf32, #tpu.memory_space<hbm>> -> memref<160000x128xf32, #tpu.memory_space<hbm>>
    tpu.enqueue_indirect_dma source(%dma_start3A_204 : memref<160000x128xf32, #tpu.memory_space<hbm>>) target(%arg12 : memref<80x128xf32, #tpu.memory_space<vmem>>) offsets(%dma_start3A_201 : memref<80xi32, #tpu.memory_space<vmem>>) semaphore(%arg16 : memref<!tpu.dma_semaphore, #tpu.memory_space<semaphore_mem>>)
    %scan3A_205 = arith.constant 0 : i32
    %scan3A_206 = arith.constant 0 : i32
    %scan3A_207 = arith.constant 8 : i32
    %scan3A_208 = arith.addi %scan3A_206, %scan3A_207 : i32
    %scan3A_209 = arith.constant 1 : i32
    scf.for %scan3A_389 = %scan3A_206 to %scan3A_208 step %scan3A_209  : i32 {
      %mul3A_390 = arith.constant 3 : i32
      %mul3A_391 = arith.muli %mul3A_390, %scan3A_389 : i32
      %add3A_392 = arith.constant 0 : i32
      %add3A_393 = arith.addi %mul3A_391, %add3A_392 : i32
      %mul3A_394 = arith.constant 80 : i32
      %mul3A_395 = arith.muli %add3A_393, %mul3A_394 : i32
      %dma_wait3A_396 = tpu.memref_slice %arg6[%mul3A_395] : memref<2000xi32, #tpu.memory_space<vmem>> -> memref<80xi32, #tpu.memory_space<vmem>>
      %dma_wait3A_397 = arith.constant 0 : i32
      %dma_wait3A_398 = arith.constant 0 : i32
      %dma_wait3A_399 = tpu.memref_slice %arg2[%dma_wait3A_397, %dma_wait3A_398] : memref<160000x128xf32, #tpu.memory_space<hbm>> -> memref<160000x128xf32, #tpu.memory_space<hbm>>
      tpu.wait_indirect_dma semaphore(%arg14 : memref<!tpu.dma_semaphore, #tpu.memory_space<semaphore_mem>>) src(%dma_wait3A_399 : memref<160000x128xf32, #tpu.memory_space<hbm>>) dst(%arg10 : memref<80x128xf32, #tpu.memory_space<vmem>>)
      %mul3A_400 = arith.constant 3 : i32
      %mul3A_401 = arith.muli %mul3A_400, %scan3A_389 : i32
      %add3A_402 = arith.constant 0 : i32
      %add3A_403 = arith.addi %mul3A_401, %add3A_402 : i32
      %dma_start3A_404 = arith.constant 0 : i32
      %dma_start3A_405 = tpu.memref_slice %arg8[%add3A_403, %dma_start3A_404] : memref<25x80xi32, #tpu.memory_space<vmem>> -> memref<1x80xi32, #tpu.memory_space<vmem>>
      %dma_start3A_406 = tpu.memref_squeeze %dma_start3A_405 : memref<1x80xi32, #tpu.memory_space<vmem>> -> memref<80xi32, #tpu.memory_space<vmem>>
      %dma_start3A_407 = arith.constant 0 : i32
      %dma_start3A_408 = arith.constant 0 : i32
      %dma_start3A_409 = tpu.memref_slice %arg13[%dma_start3A_407, %dma_start3A_408] : memref<10000x128xf32, #tpu.memory_space<vmem_shared>> -> memref<10000x128xf32, #tpu.memory_space<vmem_shared>>
      tpu.enqueue_indirect_dma source(%arg10 : memref<80x128xf32, #tpu.memory_space<vmem>>) target(%dma_start3A_409 : memref<10000x128xf32, #tpu.memory_space<vmem_shared>>) offsets(%dma_start3A_406 : memref<80xi32, #tpu.memory_space<vmem>>) semaphore(%arg17 : memref<!tpu.dma_semaphore, #tpu.memory_space<semaphore_mem>>) {add = true}
      %mul3A_410 = arith.constant 3 : i32
      %mul3A_411 = arith.muli %mul3A_410, %scan3A_389 : i32
      %add3A_412 = arith.constant 1 : i32
      %add3A_413 = arith.addi %mul3A_411, %add3A_412 : i32
      %mul3A_414 = arith.constant 80 : i32
      %mul3A_415 = arith.muli %add3A_413, %mul3A_414 : i32
      %dma_wait3A_416 = tpu.memref_slice %arg6[%mul3A_415] : memref<2000xi32, #tpu.memory_space<vmem>> -> memref<80xi32, #tpu.memory_space<vmem>>
      %dma_wait3A_417 = arith.constant 0 : i32
      %dma_wait3A_418 = arith.constant 0 : i32
      %dma_wait3A_419 = tpu.memref_slice %arg2[%dma_wait3A_417, %dma_wait3A_418] : memref<160000x128xf32, #tpu.memory_space<hbm>> -> memref<160000x128xf32, #tpu.memory_space<hbm>>
      tpu.wait_indirect_dma semaphore(%arg15 : memref<!tpu.dma_semaphore, #tpu.memory_space<semaphore_mem>>) src(%dma_wait3A_419 : memref<160000x128xf32, #tpu.memory_space<hbm>>) dst(%arg11 : memref<80x128xf32, #tpu.memory_space<vmem>>)
      %mul3A_420 = arith.constant 3 : i32
      %mul3A_421 = arith.muli %mul3A_420, %scan3A_389 : i32
      %add3A_422 = arith.constant 1 : i32
      %add3A_423 = arith.addi %mul3A_421, %add3A_422 : i32
      %dma_start3A_424 = arith.constant 0 : i32
      %dma_start3A_425 = tpu.memref_slice %arg8[%add3A_423, %dma_start3A_424] : memref<25x80xi32, #tpu.memory_space<vmem>> -> memref<1x80xi32, #tpu.memory_space<vmem>>
      %dma_start3A_426 = tpu.memref_squeeze %dma_start3A_425 : memref<1x80xi32, #tpu.memory_space<vmem>> -> memref<80xi32, #tpu.memory_space<vmem>>
      %dma_start3A_427 = arith.constant 0 : i32
      %dma_start3A_428 = arith.constant 0 : i32
      %dma_start3A_429 = tpu.memref_slice %arg13[%dma_start3A_427, %dma_start3A_428] : memref<10000x128xf32, #tpu.memory_space<vmem_shared>> -> memref<10000x128xf32, #tpu.memory_space<vmem_shared>>
      tpu.enqueue_indirect_dma source(%arg11 : memref<80x128xf32, #tpu.memory_space<vmem>>) target(%dma_start3A_429 : memref<10000x128xf32, #tpu.memory_space<vmem_shared>>) offsets(%dma_start3A_426 : memref<80xi32, #tpu.memory_space<vmem>>) semaphore(%arg18 : memref<!tpu.dma_semaphore, #tpu.memory_space<semaphore_mem>>) {add = true}
      %mul3A_430 = arith.constant 3 : i32
      %mul3A_431 = arith.muli %mul3A_430, %scan3A_389 : i32
      %add3A_432 = arith.constant 2 : i32
      %add3A_433 = arith.addi %mul3A_431, %add3A_432 : i32
      %mul3A_434 = arith.constant 80 : i32
      %mul3A_435 = arith.muli %add3A_433, %mul3A_434 : i32
      %dma_wait3A_436 = tpu.memref_slice %arg6[%mul3A_435] : memref<2000xi32, #tpu.memory_space<vmem>> -> memref<80xi32, #tpu.memory_space<vmem>>
      %dma_wait3A_437 = arith.constant 0 : i32
      %dma_wait3A_438 = arith.constant 0 : i32
      %dma_wait3A_439 = tpu.memref_slice %arg2[%dma_wait3A_437, %dma_wait3A_438] : memref<160000x128xf32, #tpu.memory_space<hbm>> -> memref<160000x128xf32, #tpu.memory_space<hbm>>
      tpu.wait_indirect_dma semaphore(%arg16 : memref<!tpu.dma_semaphore, #tpu.memory_space<semaphore_mem>>) src(%dma_wait3A_439 : memref<160000x128xf32, #tpu.memory_space<hbm>>) dst(%arg12 : memref<80x128xf32, #tpu.memory_space<vmem>>)
      %mul3A_440 = arith.constant 3 : i32
      %mul3A_441 = arith.muli %mul3A_440, %scan3A_389 : i32
      %add3A_442 = arith.constant 2 : i32
      %add3A_443 = arith.addi %mul3A_441, %add3A_442 : i32
      %dma_start3A_444 = arith.constant 0 : i32
      %dma_start3A_445 = tpu.memref_slice %arg8[%add3A_443, %dma_start3A_444] : memref<25x80xi32, #tpu.memory_space<vmem>> -> memref<1x80xi32, #tpu.memory_space<vmem>>
      %dma_start3A_446 = tpu.memref_squeeze %dma_start3A_445 : memref<1x80xi32, #tpu.memory_space<vmem>> -> memref<80xi32, #tpu.memory_space<vmem>>
      %dma_start3A_447 = arith.constant 0 : i32
      %dma_start3A_448 = arith.constant 0 : i32
      %dma_start3A_449 = tpu.memref_slice %arg13[%dma_start3A_447, %dma_start3A_448] : memref<10000x128xf32, #tpu.memory_space<vmem_shared>> -> memref<10000x128xf32, #tpu.memory_space<vmem_shared>>
      tpu.enqueue_indirect_dma source(%arg12 : memref<80x128xf32, #tpu.memory_space<vmem>>) target(%dma_start3A_449 : memref<10000x128xf32, #tpu.memory_space<vmem_shared>>) offsets(%dma_start3A_446 : memref<80xi32, #tpu.memory_space<vmem>>) semaphore(%arg19 : memref<!tpu.dma_semaphore, #tpu.memory_space<semaphore_mem>>) {add = true}
      %mul3A_450 = arith.constant 3 : i32
      %mul3A_451 = arith.muli %mul3A_450, %scan3A_389 : i32
      %add3A_452 = arith.constant 3 : i32
      %add3A_453 = arith.addi %mul3A_451, %add3A_452 : i32
      %add3A_454 = arith.constant 0 : i32
      %add3A_455 = arith.addi %add3A_453, %add3A_454 : i32
      %lt3A = arith.constant 25 : i32
      %lt3A_456 = arith.cmpi slt, %add3A_455, %lt3A : i32
      %convert_element_type3A = arith.extui %lt3A_456 : i1 to i32
      %cond3A = arith.constant 0 : i32
      %cond3A_457 = arith.cmpi ne, %convert_element_type3A, %cond3A : i32
      scf.if %cond3A_457 {
        %dma_wait3A_480 = arith.constant 0 : i32
        %dma_wait3A_481 = arith.constant 0 : i32
        %dma_wait3A_482 = tpu.memref_slice %arg8[%dma_wait3A_480, %dma_wait3A_481] : memref<25x80xi32, #tpu.memory_space<vmem>> -> memref<1x80xi32, #tpu.memory_space<vmem>>
        %dma_wait3A_483 = tpu.memref_squeeze %dma_wait3A_482 : memref<1x80xi32, #tpu.memory_space<vmem>> -> memref<80xi32, #tpu.memory_space<vmem>>
        %dma_wait3A_484 = arith.constant 0 : i32
        %dma_wait3A_485 = arith.constant 0 : i32
        %dma_wait3A_486 = tpu.memref_slice %arg13[%dma_wait3A_484, %dma_wait3A_485] : memref<10000x128xf32, #tpu.memory_space<vmem_shared>> -> memref<10000x128xf32, #tpu.memory_space<vmem_shared>>
        tpu.wait_indirect_dma semaphore(%arg17 : memref<!tpu.dma_semaphore, #tpu.memory_space<semaphore_mem>>) src(%arg10 : memref<80x128xf32, #tpu.memory_space<vmem>>) dst(%dma_wait3A_486 : memref<10000x128xf32, #tpu.memory_space<vmem_shared>>)
        %mul3A_487 = arith.constant 80 : i32
        %mul3A_488 = arith.muli %add3A_455, %mul3A_487 : i32
        %dma_start3A_489 = tpu.memref_slice %arg6[%mul3A_488] : memref<2000xi32, #tpu.memory_space<vmem>> -> memref<80xi32, #tpu.memory_space<vmem>>
        %dma_start3A_490 = arith.constant 0 : i32
        %dma_start3A_491 = arith.constant 0 : i32
        %dma_start3A_492 = tpu.memref_slice %arg2[%dma_start3A_490, %dma_start3A_491] : memref<160000x128xf32, #tpu.memory_space<hbm>> -> memref<160000x128xf32, #tpu.memory_space<hbm>>
        tpu.enqueue_indirect_dma source(%dma_start3A_492 : memref<160000x128xf32, #tpu.memory_space<hbm>>) target(%arg10 : memref<80x128xf32, #tpu.memory_space<vmem>>) offsets(%dma_start3A_489 : memref<80xi32, #tpu.memory_space<vmem>>) semaphore(%arg14 : memref<!tpu.dma_semaphore, #tpu.memory_space<semaphore_mem>>)
      } else {
      }
      %mul3A_458 = arith.constant 3 : i32
      %mul3A_459 = arith.muli %mul3A_458, %scan3A_389 : i32
      %add3A_460 = arith.constant 3 : i32
      %add3A_461 = arith.addi %mul3A_459, %add3A_460 : i32
      %add3A_462 = arith.constant 1 : i32
      %add3A_463 = arith.addi %add3A_461, %add3A_462 : i32
      %lt3A_464 = arith.constant 25 : i32
      %lt3A_465 = arith.cmpi slt, %add3A_463, %lt3A_464 : i32
      %convert_element_type3A_466 = arith.extui %lt3A_465 : i1 to i32
      %cond3A_467 = arith.constant 0 : i32
      %cond3A_468 = arith.cmpi ne, %convert_element_type3A_466, %cond3A_467 : i32
      scf.if %cond3A_468 {
        %dma_wait3A_480 = arith.constant 0 : i32
        %dma_wait3A_481 = arith.constant 0 : i32
        %dma_wait3A_482 = tpu.memref_slice %arg8[%dma_wait3A_480, %dma_wait3A_481] : memref<25x80xi32, #tpu.memory_space<vmem>> -> memref<1x80xi32, #tpu.memory_space<vmem>>
        %dma_wait3A_483 = tpu.memref_squeeze %dma_wait3A_482 : memref<1x80xi32, #tpu.memory_space<vmem>> -> memref<80xi32, #tpu.memory_space<vmem>>
        %dma_wait3A_484 = arith.constant 0 : i32
        %dma_wait3A_485 = arith.constant 0 : i32
        %dma_wait3A_486 = tpu.memref_slice %arg13[%dma_wait3A_484, %dma_wait3A_485] : memref<10000x128xf32, #tpu.memory_space<vmem_shared>> -> memref<10000x128xf32, #tpu.memory_space<vmem_shared>>
        tpu.wait_indirect_dma semaphore(%arg18 : memref<!tpu.dma_semaphore, #tpu.memory_space<semaphore_mem>>) src(%arg11 : memref<80x128xf32, #tpu.memory_space<vmem>>) dst(%dma_wait3A_486 : memref<10000x128xf32, #tpu.memory_space<vmem_shared>>)
        %mul3A_487 = arith.constant 80 : i32
        %mul3A_488 = arith.muli %add3A_463, %mul3A_487 : i32
        %dma_start3A_489 = tpu.memref_slice %arg6[%mul3A_488] : memref<2000xi32, #tpu.memory_space<vmem>> -> memref<80xi32, #tpu.memory_space<vmem>>
        %dma_start3A_490 = arith.constant 0 : i32
        %dma_start3A_491 = arith.constant 0 : i32
        %dma_start3A_492 = tpu.memref_slice %arg2[%dma_start3A_490, %dma_start3A_491] : memref<160000x128xf32, #tpu.memory_space<hbm>> -> memref<160000x128xf32, #tpu.memory_space<hbm>>
        tpu.enqueue_indirect_dma source(%dma_start3A_492 : memref<160000x128xf32, #tpu.memory_space<hbm>>) target(%arg11 : memref<80x128xf32, #tpu.memory_space<vmem>>) offsets(%dma_start3A_489 : memref<80xi32, #tpu.memory_space<vmem>>) semaphore(%arg15 : memref<!tpu.dma_semaphore, #tpu.memory_space<semaphore_mem>>)
      } else {
      }
      %mul3A_469 = arith.constant 3 : i32
      %mul3A_470 = arith.muli %mul3A_469, %scan3A_389 : i32
      %add3A_471 = arith.constant 3 : i32
      %add3A_472 = arith.addi %mul3A_470, %add3A_471 : i32
      %add3A_473 = arith.constant 2 : i32
      %add3A_474 = arith.addi %add3A_472, %add3A_473 : i32
      %lt3A_475 = arith.constant 25 : i32
      %lt3A_476 = arith.cmpi slt, %add3A_474, %lt3A_475 : i32
      %convert_element_type3A_477 = arith.extui %lt3A_476 : i1 to i32
      %cond3A_478 = arith.constant 0 : i32
      %cond3A_479 = arith.cmpi ne, %convert_element_type3A_477, %cond3A_478 : i32
      scf.if %cond3A_479 {
        %dma_wait3A_480 = arith.constant 0 : i32
        %dma_wait3A_481 = arith.constant 0 : i32
        %dma_wait3A_482 = tpu.memref_slice %arg8[%dma_wait3A_480, %dma_wait3A_481] : memref<25x80xi32, #tpu.memory_space<vmem>> -> memref<1x80xi32, #tpu.memory_space<vmem>>
        %dma_wait3A_483 = tpu.memref_squeeze %dma_wait3A_482 : memref<1x80xi32, #tpu.memory_space<vmem>> -> memref<80xi32, #tpu.memory_space<vmem>>
        %dma_wait3A_484 = arith.constant 0 : i32
        %dma_wait3A_485 = arith.constant 0 : i32
        %dma_wait3A_486 = tpu.memref_slice %arg13[%dma_wait3A_484, %dma_wait3A_485] : memref<10000x128xf32, #tpu.memory_space<vmem_shared>> -> memref<10000x128xf32, #tpu.memory_space<vmem_shared>>
        tpu.wait_indirect_dma semaphore(%arg19 : memref<!tpu.dma_semaphore, #tpu.memory_space<semaphore_mem>>) src(%arg12 : memref<80x128xf32, #tpu.memory_space<vmem>>) dst(%dma_wait3A_486 : memref<10000x128xf32, #tpu.memory_space<vmem_shared>>)
        %mul3A_487 = arith.constant 80 : i32
        %mul3A_488 = arith.muli %add3A_474, %mul3A_487 : i32
        %dma_start3A_489 = tpu.memref_slice %arg6[%mul3A_488] : memref<2000xi32, #tpu.memory_space<vmem>> -> memref<80xi32, #tpu.memory_space<vmem>>
        %dma_start3A_490 = arith.constant 0 : i32
        %dma_start3A_491 = arith.constant 0 : i32
        %dma_start3A_492 = tpu.memref_slice %arg2[%dma_start3A_490, %dma_start3A_491] : memref<160000x128xf32, #tpu.memory_space<hbm>> -> memref<160000x128xf32, #tpu.memory_space<hbm>>
        tpu.enqueue_indirect_dma source(%dma_start3A_492 : memref<160000x128xf32, #tpu.memory_space<hbm>>) target(%arg12 : memref<80x128xf32, #tpu.memory_space<vmem>>) offsets(%dma_start3A_489 : memref<80xi32, #tpu.memory_space<vmem>>) semaphore(%arg16 : memref<!tpu.dma_semaphore, #tpu.memory_space<semaphore_mem>>)
      } else {
      }
    }
    %scan3A_210 = arith.constant 8 : i32
    %dma_wait3A_211 = arith.constant 1920 : i32
    %dma_wait3A_212 = tpu.memref_slice %arg6[%dma_wait3A_211] : memref<2000xi32, #tpu.memory_space<vmem>> -> memref<80xi32, #tpu.memory_space<vmem>>
    %dma_wait3A_213 = arith.constant 0 : i32
    %dma_wait3A_214 = arith.constant 0 : i32
    %dma_wait3A_215 = tpu.memref_slice %arg2[%dma_wait3A_213, %dma_wait3A_214] : memref<160000x128xf32, #tpu.memory_space<hbm>> -> memref<160000x128xf32, #tpu.memory_space<hbm>>
    tpu.wait_indirect_dma semaphore(%arg14 : memref<!tpu.dma_semaphore, #tpu.memory_space<semaphore_mem>>) src(%dma_wait3A_215 : memref<160000x128xf32, #tpu.memory_space<hbm>>) dst(%arg10 : memref<80x128xf32, #tpu.memory_space<vmem>>)
    %dma_start3A_216 = arith.constant 24 : i32
    %dma_start3A_217 = arith.constant 0 : i32
    %dma_start3A_218 = tpu.memref_slice %arg8[%dma_start3A_216, %dma_start3A_217] : memref<25x80xi32, #tpu.memory_space<vmem>> -> memref<1x80xi32, #tpu.memory_space<vmem>>
    %dma_start3A_219 = tpu.memref_squeeze %dma_start3A_218 : memref<1x80xi32, #tpu.memory_space<vmem>> -> memref<80xi32, #tpu.memory_space<vmem>>
    %dma_start3A_220 = arith.constant 0 : i32
    %dma_start3A_221 = arith.constant 0 : i32
    %dma_start3A_222 = tpu.memref_slice %arg13[%dma_start3A_220, %dma_start3A_221] : memref<10000x128xf32, #tpu.memory_space<vmem_shared>> -> memref<10000x128xf32, #tpu.memory_space<vmem_shared>>
    tpu.enqueue_indirect_dma source(%arg10 : memref<80x128xf32, #tpu.memory_space<vmem>>) target(%dma_start3A_222 : memref<10000x128xf32, #tpu.memory_space<vmem_shared>>) offsets(%dma_start3A_219 : memref<80xi32, #tpu.memory_space<vmem>>) semaphore(%arg17 : memref<!tpu.dma_semaphore, #tpu.memory_space<semaphore_mem>>) {add = true}
    %dma_wait3A_223 = arith.constant 0 : i32
    %dma_wait3A_224 = arith.constant 0 : i32
    %dma_wait3A_225 = tpu.memref_slice %arg8[%dma_wait3A_223, %dma_wait3A_224] : memref<25x80xi32, #tpu.memory_space<vmem>> -> memref<1x80xi32, #tpu.memory_space<vmem>>
    %dma_wait3A_226 = tpu.memref_squeeze %dma_wait3A_225 : memref<1x80xi32, #tpu.memory_space<vmem>> -> memref<80xi32, #tpu.memory_space<vmem>>
    %dma_wait3A_227 = arith.constant 0 : i32
    %dma_wait3A_228 = arith.constant 0 : i32
    %dma_wait3A_229 = tpu.memref_slice %arg13[%dma_wait3A_227, %dma_wait3A_228] : memref<10000x128xf32, #tpu.memory_space<vmem_shared>> -> memref<10000x128xf32, #tpu.memory_space<vmem_shared>>
    tpu.wait_indirect_dma semaphore(%arg17 : memref<!tpu.dma_semaphore, #tpu.memory_space<semaphore_mem>>) src(%arg10 : memref<80x128xf32, #tpu.memory_space<vmem>>) dst(%dma_wait3A_229 : memref<10000x128xf32, #tpu.memory_space<vmem_shared>>)
    %dma_wait3A_230 = arith.constant 0 : i32
    %dma_wait3A_231 = arith.constant 0 : i32
    %dma_wait3A_232 = tpu.memref_slice %arg8[%dma_wait3A_230, %dma_wait3A_231] : memref<25x80xi32, #tpu.memory_space<vmem>> -> memref<1x80xi32, #tpu.memory_space<vmem>>
    %dma_wait3A_233 = tpu.memref_squeeze %dma_wait3A_232 : memref<1x80xi32, #tpu.memory_space<vmem>> -> memref<80xi32, #tpu.memory_space<vmem>>
    %dma_wait3A_234 = arith.constant 0 : i32
    %dma_wait3A_235 = arith.constant 0 : i32
    %dma_wait3A_236 = tpu.memref_slice %arg13[%dma_wait3A_234, %dma_wait3A_235] : memref<10000x128xf32, #tpu.memory_space<vmem_shared>> -> memref<10000x128xf32, #tpu.memory_space<vmem_shared>>
    tpu.wait_indirect_dma semaphore(%arg18 : memref<!tpu.dma_semaphore, #tpu.memory_space<semaphore_mem>>) src(%arg11 : memref<80x128xf32, #tpu.memory_space<vmem>>) dst(%dma_wait3A_236 : memref<10000x128xf32, #tpu.memory_space<vmem_shared>>)
    %dma_wait3A_237 = arith.constant 0 : i32
    %dma_wait3A_238 = arith.constant 0 : i32
    %dma_wait3A_239 = tpu.memref_slice %arg8[%dma_wait3A_237, %dma_wait3A_238] : memref<25x80xi32, #tpu.memory_space<vmem>> -> memref<1x80xi32, #tpu.memory_space<vmem>>
    %dma_wait3A_240 = tpu.memref_squeeze %dma_wait3A_239 : memref<1x80xi32, #tpu.memory_space<vmem>> -> memref<80xi32, #tpu.memory_space<vmem>>
    %dma_wait3A_241 = arith.constant 0 : i32
    %dma_wait3A_242 = arith.constant 0 : i32
    %dma_wait3A_243 = tpu.memref_slice %arg13[%dma_wait3A_241, %dma_wait3A_242] : memref<10000x128xf32, #tpu.memory_space<vmem_shared>> -> memref<10000x128xf32, #tpu.memory_space<vmem_shared>>
    tpu.wait_indirect_dma semaphore(%arg19 : memref<!tpu.dma_semaphore, #tpu.memory_space<semaphore_mem>>) src(%arg12 : memref<80x128xf32, #tpu.memory_space<vmem>>) dst(%dma_wait3A_243 : memref<10000x128xf32, #tpu.memory_space<vmem_shared>>)
    %add3A_244 = arith.constant 6000 : i32
    %add3A_245 = arith.addi %mul3A_2, %add3A_244 : i32
    %dma_wait3A_246 = tpu.memref_slice %arg3[%add3A_245] : memref<320000xi32, #tpu.memory_space<hbm>> -> memref<2000xi32, #tpu.memory_space<hbm>>
    %dma_wait3A_247 = tpu.memref_slice %arg3[%add3A_245] : memref<320000xi32, #tpu.memory_space<hbm>> -> memref<2000xi32, #tpu.memory_space<hbm>>
    tpu.wait_dma2 semaphore(%arg20 : memref<!tpu.dma_semaphore, #tpu.memory_space<semaphore_mem>>) src(%dma_wait3A_247 : memref<2000xi32, #tpu.memory_space<hbm>>) dst(%arg7 : memref<2000xi32, #tpu.memory_space<vmem>>)
    %scan3A_248 = arith.constant 0 : i32
    %scan3A_249 = arith.constant 0 : i32
    %scan3A_250 = arith.constant 25 : i32
    %scan3A_251 = arith.addi %scan3A_249, %scan3A_250 : i32
    %scan3A_252 = arith.constant 1 : i32
    scf.for %scan3A_389 = %scan3A_249 to %scan3A_251 step %scan3A_252  : i32 {
      %mul3A_390 = arith.constant 80 : i32
      %mul3A_391 = arith.muli %scan3A_389, %mul3A_390 : i32
      %add3A_392 = arith.addi %add3A_245, %mul3A_391 : i32
      %dma_wait3A_393 = arith.constant 0 : i32
      %dma_wait3A_394 = tpu.memref_slice %arg9[%scan3A_389, %dma_wait3A_393] : memref<25x80xi32, #tpu.memory_space<vmem>> -> memref<1x80xi32, #tpu.memory_space<vmem>>
      %dma_wait3A_395 = tpu.memref_squeeze %dma_wait3A_394 : memref<1x80xi32, #tpu.memory_space<vmem>> -> memref<80xi32, #tpu.memory_space<vmem>>
      %dma_wait3A_396 = tpu.memref_slice %arg4[%add3A_392] : memref<320000xi32, #tpu.memory_space<hbm>> -> memref<80xi32, #tpu.memory_space<hbm>>
      %dma_wait3A_397 = arith.constant 0 : i32
      %dma_wait3A_398 = tpu.memref_slice %arg9[%scan3A_389, %dma_wait3A_397] : memref<25x80xi32, #tpu.memory_space<vmem>> -> memref<1x80xi32, #tpu.memory_space<vmem>>
      %dma_wait3A_399 = tpu.memref_squeeze %dma_wait3A_398 : memref<1x80xi32, #tpu.memory_space<vmem>> -> memref<80xi32, #tpu.memory_space<vmem>>
      %dma_wait3A_400 = tpu.memref_slice %arg4[%add3A_392] : memref<320000xi32, #tpu.memory_space<hbm>> -> memref<80xi32, #tpu.memory_space<hbm>>
      tpu.wait_dma2 semaphore(%arg20 : memref<!tpu.dma_semaphore, #tpu.memory_space<semaphore_mem>>) src(%dma_wait3A_400 : memref<80xi32, #tpu.memory_space<hbm>>) dst(%dma_wait3A_399 : memref<80xi32, #tpu.memory_space<vmem>>)
    }
    %scan3A_253 = arith.constant 25 : i32
    %add3A_254 = arith.constant 8000 : i32
    %add3A_255 = arith.addi %mul3A_2, %add3A_254 : i32
    %dma_start3A_256 = tpu.memref_slice %arg3[%add3A_255] : memref<320000xi32, #tpu.memory_space<hbm>> -> memref<2000xi32, #tpu.memory_space<hbm>>
    %dma_start3A_257 = tpu.memref_slice %arg3[%add3A_255] : memref<320000xi32, #tpu.memory_space<hbm>> -> memref<2000xi32, #tpu.memory_space<hbm>>
    tpu.enqueue_dma source(%dma_start3A_257 : memref<2000xi32, #tpu.memory_space<hbm>>) target(%arg6 : memref<2000xi32, #tpu.memory_space<vmem>>) target_semaphore(%arg20 : memref<!tpu.dma_semaphore, #tpu.memory_space<semaphore_mem>>)
    %scan3A_258 = arith.constant 0 : i32
    %scan3A_259 = arith.constant 0 : i32
    %scan3A_260 = arith.constant 25 : i32
    %scan3A_261 = arith.addi %scan3A_259, %scan3A_260 : i32
    %scan3A_262 = arith.constant 1 : i32
    scf.for %scan3A_389 = %scan3A_259 to %scan3A_261 step %scan3A_262  : i32 {
      %mul3A_390 = arith.constant 80 : i32
      %mul3A_391 = arith.muli %scan3A_389, %mul3A_390 : i32
      %add3A_392 = arith.addi %add3A_255, %mul3A_391 : i32
      %dma_start3A_393 = arith.constant 0 : i32
      %dma_start3A_394 = tpu.memref_slice %arg8[%scan3A_389, %dma_start3A_393] : memref<25x80xi32, #tpu.memory_space<vmem>> -> memref<1x80xi32, #tpu.memory_space<vmem>>
      %dma_start3A_395 = tpu.memref_squeeze %dma_start3A_394 : memref<1x80xi32, #tpu.memory_space<vmem>> -> memref<80xi32, #tpu.memory_space<vmem>>
      %dma_start3A_396 = tpu.memref_slice %arg4[%add3A_392] : memref<320000xi32, #tpu.memory_space<hbm>> -> memref<80xi32, #tpu.memory_space<hbm>>
      %dma_start3A_397 = arith.constant 0 : i32
      %dma_start3A_398 = tpu.memref_slice %arg8[%scan3A_389, %dma_start3A_397] : memref<25x80xi32, #tpu.memory_space<vmem>> -> memref<1x80xi32, #tpu.memory_space<vmem>>
      %dma_start3A_399 = tpu.memref_squeeze %dma_start3A_398 : memref<1x80xi32, #tpu.memory_space<vmem>> -> memref<80xi32, #tpu.memory_space<vmem>>
      %dma_start3A_400 = tpu.memref_slice %arg4[%add3A_392] : memref<320000xi32, #tpu.memory_space<hbm>> -> memref<80xi32, #tpu.memory_space<hbm>>
      tpu.enqueue_dma source(%dma_start3A_400 : memref<80xi32, #tpu.memory_space<hbm>>) target(%dma_start3A_399 : memref<80xi32, #tpu.memory_space<vmem>>) target_semaphore(%arg20 : memref<!tpu.dma_semaphore, #tpu.memory_space<semaphore_mem>>)
    }
    %scan3A_263 = arith.constant 25 : i32
    %dma_start3A_264 = arith.constant 0 : i32
    %dma_start3A_265 = tpu.memref_slice %arg7[%dma_start3A_264] : memref<2000xi32, #tpu.memory_space<vmem>> -> memref<80xi32, #tpu.memory_space<vmem>>
    %dma_start3A_266 = arith.constant 0 : i32
    %dma_start3A_267 = arith.constant 0 : i32
    %dma_start3A_268 = tpu.memref_slice %arg2[%dma_start3A_266, %dma_start3A_267] : memref<160000x128xf32, #tpu.memory_space<hbm>> -> memref<160000x128xf32, #tpu.memory_space<hbm>>
    tpu.enqueue_indirect_dma source(%dma_start3A_268 : memref<160000x128xf32, #tpu.memory_space<hbm>>) target(%arg10 : memref<80x128xf32, #tpu.memory_space<vmem>>) offsets(%dma_start3A_265 : memref<80xi32, #tpu.memory_space<vmem>>) semaphore(%arg14 : memref<!tpu.dma_semaphore, #tpu.memory_space<semaphore_mem>>)
    %dma_start3A_269 = arith.constant 80 : i32
    %dma_start3A_270 = tpu.memref_slice %arg7[%dma_start3A_269] : memref<2000xi32, #tpu.memory_space<vmem>> -> memref<80xi32, #tpu.memory_space<vmem>>
    %dma_start3A_271 = arith.constant 0 : i32
    %dma_start3A_272 = arith.constant 0 : i32
    %dma_start3A_273 = tpu.memref_slice %arg2[%dma_start3A_271, %dma_start3A_272] : memref<160000x128xf32, #tpu.memory_space<hbm>> -> memref<160000x128xf32, #tpu.memory_space<hbm>>
    tpu.enqueue_indirect_dma source(%dma_start3A_273 : memref<160000x128xf32, #tpu.memory_space<hbm>>) target(%arg11 : memref<80x128xf32, #tpu.memory_space<vmem>>) offsets(%dma_start3A_270 : memref<80xi32, #tpu.memory_space<vmem>>) semaphore(%arg15 : memref<!tpu.dma_semaphore, #tpu.memory_space<semaphore_mem>>)
    %dma_start3A_274 = arith.constant 160 : i32
    %dma_start3A_275 = tpu.memref_slice %arg7[%dma_start3A_274] : memref<2000xi32, #tpu.memory_space<vmem>> -> memref<80xi32, #tpu.memory_space<vmem>>
    %dma_start3A_276 = arith.constant 0 : i32
    %dma_start3A_277 = arith.constant 0 : i32
    %dma_start3A_278 = tpu.memref_slice %arg2[%dma_start3A_276, %dma_start3A_277] : memref<160000x128xf32, #tpu.memory_space<hbm>> -> memref<160000x128xf32, #tpu.memory_space<hbm>>
    tpu.enqueue_indirect_dma source(%dma_start3A_278 : memref<160000x128xf32, #tpu.memory_space<hbm>>) target(%arg12 : memref<80x128xf32, #tpu.memory_space<vmem>>) offsets(%dma_start3A_275 : memref<80xi32, #tpu.memory_space<vmem>>) semaphore(%arg16 : memref<!tpu.dma_semaphore, #tpu.memory_space<semaphore_mem>>)
    %scan3A_279 = arith.constant 0 : i32
    %scan3A_280 = arith.constant 0 : i32
    %scan3A_281 = arith.constant 8 : i32
    %scan3A_282 = arith.addi %scan3A_280, %scan3A_281 : i32
    %scan3A_283 = arith.constant 1 : i32
    scf.for %scan3A_389 = %scan3A_280 to %scan3A_282 step %scan3A_283  : i32 {
      %mul3A_390 = arith.constant 3 : i32
      %mul3A_391 = arith.muli %mul3A_390, %scan3A_389 : i32
      %add3A_392 = arith.constant 0 : i32
      %add3A_393 = arith.addi %mul3A_391, %add3A_392 : i32
      %mul3A_394 = arith.constant 80 : i32
      %mul3A_395 = arith.muli %add3A_393, %mul3A_394 : i32
      %dma_wait3A_396 = tpu.memref_slice %arg7[%mul3A_395] : memref<2000xi32, #tpu.memory_space<vmem>> -> memref<80xi32, #tpu.memory_space<vmem>>
      %dma_wait3A_397 = arith.constant 0 : i32
      %dma_wait3A_398 = arith.constant 0 : i32
      %dma_wait3A_399 = tpu.memref_slice %arg2[%dma_wait3A_397, %dma_wait3A_398] : memref<160000x128xf32, #tpu.memory_space<hbm>> -> memref<160000x128xf32, #tpu.memory_space<hbm>>
      tpu.wait_indirect_dma semaphore(%arg14 : memref<!tpu.dma_semaphore, #tpu.memory_space<semaphore_mem>>) src(%dma_wait3A_399 : memref<160000x128xf32, #tpu.memory_space<hbm>>) dst(%arg10 : memref<80x128xf32, #tpu.memory_space<vmem>>)
      %mul3A_400 = arith.constant 3 : i32
      %mul3A_401 = arith.muli %mul3A_400, %scan3A_389 : i32
      %add3A_402 = arith.constant 0 : i32
      %add3A_403 = arith.addi %mul3A_401, %add3A_402 : i32
      %dma_start3A_404 = arith.constant 0 : i32
      %dma_start3A_405 = tpu.memref_slice %arg9[%add3A_403, %dma_start3A_404] : memref<25x80xi32, #tpu.memory_space<vmem>> -> memref<1x80xi32, #tpu.memory_space<vmem>>
      %dma_start3A_406 = tpu.memref_squeeze %dma_start3A_405 : memref<1x80xi32, #tpu.memory_space<vmem>> -> memref<80xi32, #tpu.memory_space<vmem>>
      %dma_start3A_407 = arith.constant 0 : i32
      %dma_start3A_408 = arith.constant 0 : i32
      %dma_start3A_409 = tpu.memref_slice %arg13[%dma_start3A_407, %dma_start3A_408] : memref<10000x128xf32, #tpu.memory_space<vmem_shared>> -> memref<10000x128xf32, #tpu.memory_space<vmem_shared>>
      tpu.enqueue_indirect_dma source(%arg10 : memref<80x128xf32, #tpu.memory_space<vmem>>) target(%dma_start3A_409 : memref<10000x128xf32, #tpu.memory_space<vmem_shared>>) offsets(%dma_start3A_406 : memref<80xi32, #tpu.memory_space<vmem>>) semaphore(%arg17 : memref<!tpu.dma_semaphore, #tpu.memory_space<semaphore_mem>>) {add = true}
      %mul3A_410 = arith.constant 3 : i32
      %mul3A_411 = arith.muli %mul3A_410, %scan3A_389 : i32
      %add3A_412 = arith.constant 1 : i32
      %add3A_413 = arith.addi %mul3A_411, %add3A_412 : i32
      %mul3A_414 = arith.constant 80 : i32
      %mul3A_415 = arith.muli %add3A_413, %mul3A_414 : i32
      %dma_wait3A_416 = tpu.memref_slice %arg7[%mul3A_415] : memref<2000xi32, #tpu.memory_space<vmem>> -> memref<80xi32, #tpu.memory_space<vmem>>
      %dma_wait3A_417 = arith.constant 0 : i32
      %dma_wait3A_418 = arith.constant 0 : i32
      %dma_wait3A_419 = tpu.memref_slice %arg2[%dma_wait3A_417, %dma_wait3A_418] : memref<160000x128xf32, #tpu.memory_space<hbm>> -> memref<160000x128xf32, #tpu.memory_space<hbm>>
      tpu.wait_indirect_dma semaphore(%arg15 : memref<!tpu.dma_semaphore, #tpu.memory_space<semaphore_mem>>) src(%dma_wait3A_419 : memref<160000x128xf32, #tpu.memory_space<hbm>>) dst(%arg11 : memref<80x128xf32, #tpu.memory_space<vmem>>)
      %mul3A_420 = arith.constant 3 : i32
      %mul3A_421 = arith.muli %mul3A_420, %scan3A_389 : i32
      %add3A_422 = arith.constant 1 : i32
      %add3A_423 = arith.addi %mul3A_421, %add3A_422 : i32
      %dma_start3A_424 = arith.constant 0 : i32
      %dma_start3A_425 = tpu.memref_slice %arg9[%add3A_423, %dma_start3A_424] : memref<25x80xi32, #tpu.memory_space<vmem>> -> memref<1x80xi32, #tpu.memory_space<vmem>>
      %dma_start3A_426 = tpu.memref_squeeze %dma_start3A_425 : memref<1x80xi32, #tpu.memory_space<vmem>> -> memref<80xi32, #tpu.memory_space<vmem>>
      %dma_start3A_427 = arith.constant 0 : i32
      %dma_start3A_428 = arith.constant 0 : i32
      %dma_start3A_429 = tpu.memref_slice %arg13[%dma_start3A_427, %dma_start3A_428] : memref<10000x128xf32, #tpu.memory_space<vmem_shared>> -> memref<10000x128xf32, #tpu.memory_space<vmem_shared>>
      tpu.enqueue_indirect_dma source(%arg11 : memref<80x128xf32, #tpu.memory_space<vmem>>) target(%dma_start3A_429 : memref<10000x128xf32, #tpu.memory_space<vmem_shared>>) offsets(%dma_start3A_426 : memref<80xi32, #tpu.memory_space<vmem>>) semaphore(%arg18 : memref<!tpu.dma_semaphore, #tpu.memory_space<semaphore_mem>>) {add = true}
      %mul3A_430 = arith.constant 3 : i32
      %mul3A_431 = arith.muli %mul3A_430, %scan3A_389 : i32
      %add3A_432 = arith.constant 2 : i32
      %add3A_433 = arith.addi %mul3A_431, %add3A_432 : i32
      %mul3A_434 = arith.constant 80 : i32
      %mul3A_435 = arith.muli %add3A_433, %mul3A_434 : i32
      %dma_wait3A_436 = tpu.memref_slice %arg7[%mul3A_435] : memref<2000xi32, #tpu.memory_space<vmem>> -> memref<80xi32, #tpu.memory_space<vmem>>
      %dma_wait3A_437 = arith.constant 0 : i32
      %dma_wait3A_438 = arith.constant 0 : i32
      %dma_wait3A_439 = tpu.memref_slice %arg2[%dma_wait3A_437, %dma_wait3A_438] : memref<160000x128xf32, #tpu.memory_space<hbm>> -> memref<160000x128xf32, #tpu.memory_space<hbm>>
      tpu.wait_indirect_dma semaphore(%arg16 : memref<!tpu.dma_semaphore, #tpu.memory_space<semaphore_mem>>) src(%dma_wait3A_439 : memref<160000x128xf32, #tpu.memory_space<hbm>>) dst(%arg12 : memref<80x128xf32, #tpu.memory_space<vmem>>)
      %mul3A_440 = arith.constant 3 : i32
      %mul3A_441 = arith.muli %mul3A_440, %scan3A_389 : i32
      %add3A_442 = arith.constant 2 : i32
      %add3A_443 = arith.addi %mul3A_441, %add3A_442 : i32
      %dma_start3A_444 = arith.constant 0 : i32
      %dma_start3A_445 = tpu.memref_slice %arg9[%add3A_443, %dma_start3A_444] : memref<25x80xi32, #tpu.memory_space<vmem>> -> memref<1x80xi32, #tpu.memory_space<vmem>>
      %dma_start3A_446 = tpu.memref_squeeze %dma_start3A_445 : memref<1x80xi32, #tpu.memory_space<vmem>> -> memref<80xi32, #tpu.memory_space<vmem>>
      %dma_start3A_447 = arith.constant 0 : i32
      %dma_start3A_448 = arith.constant 0 : i32
      %dma_start3A_449 = tpu.memref_slice %arg13[%dma_start3A_447, %dma_start3A_448] : memref<10000x128xf32, #tpu.memory_space<vmem_shared>> -> memref<10000x128xf32, #tpu.memory_space<vmem_shared>>
      tpu.enqueue_indirect_dma source(%arg12 : memref<80x128xf32, #tpu.memory_space<vmem>>) target(%dma_start3A_449 : memref<10000x128xf32, #tpu.memory_space<vmem_shared>>) offsets(%dma_start3A_446 : memref<80xi32, #tpu.memory_space<vmem>>) semaphore(%arg19 : memref<!tpu.dma_semaphore, #tpu.memory_space<semaphore_mem>>) {add = true}
      %mul3A_450 = arith.constant 3 : i32
      %mul3A_451 = arith.muli %mul3A_450, %scan3A_389 : i32
      %add3A_452 = arith.constant 3 : i32
      %add3A_453 = arith.addi %mul3A_451, %add3A_452 : i32
      %add3A_454 = arith.constant 0 : i32
      %add3A_455 = arith.addi %add3A_453, %add3A_454 : i32
      %lt3A = arith.constant 25 : i32
      %lt3A_456 = arith.cmpi slt, %add3A_455, %lt3A : i32
      %convert_element_type3A = arith.extui %lt3A_456 : i1 to i32
      %cond3A = arith.constant 0 : i32
      %cond3A_457 = arith.cmpi ne, %convert_element_type3A, %cond3A : i32
      scf.if %cond3A_457 {
        %dma_wait3A_480 = arith.constant 0 : i32
        %dma_wait3A_481 = arith.constant 0 : i32
        %dma_wait3A_482 = tpu.memref_slice %arg9[%dma_wait3A_480, %dma_wait3A_481] : memref<25x80xi32, #tpu.memory_space<vmem>> -> memref<1x80xi32, #tpu.memory_space<vmem>>
        %dma_wait3A_483 = tpu.memref_squeeze %dma_wait3A_482 : memref<1x80xi32, #tpu.memory_space<vmem>> -> memref<80xi32, #tpu.memory_space<vmem>>
        %dma_wait3A_484 = arith.constant 0 : i32
        %dma_wait3A_485 = arith.constant 0 : i32
        %dma_wait3A_486 = tpu.memref_slice %arg13[%dma_wait3A_484, %dma_wait3A_485] : memref<10000x128xf32, #tpu.memory_space<vmem_shared>> -> memref<10000x128xf32, #tpu.memory_space<vmem_shared>>
        tpu.wait_indirect_dma semaphore(%arg17 : memref<!tpu.dma_semaphore, #tpu.memory_space<semaphore_mem>>) src(%arg10 : memref<80x128xf32, #tpu.memory_space<vmem>>) dst(%dma_wait3A_486 : memref<10000x128xf32, #tpu.memory_space<vmem_shared>>)
        %mul3A_487 = arith.constant 80 : i32
        %mul3A_488 = arith.muli %add3A_455, %mul3A_487 : i32
        %dma_start3A_489 = tpu.memref_slice %arg7[%mul3A_488] : memref<2000xi32, #tpu.memory_space<vmem>> -> memref<80xi32, #tpu.memory_space<vmem>>
        %dma_start3A_490 = arith.constant 0 : i32
        %dma_start3A_491 = arith.constant 0 : i32
        %dma_start3A_492 = tpu.memref_slice %arg2[%dma_start3A_490, %dma_start3A_491] : memref<160000x128xf32, #tpu.memory_space<hbm>> -> memref<160000x128xf32, #tpu.memory_space<hbm>>
        tpu.enqueue_indirect_dma source(%dma_start3A_492 : memref<160000x128xf32, #tpu.memory_space<hbm>>) target(%arg10 : memref<80x128xf32, #tpu.memory_space<vmem>>) offsets(%dma_start3A_489 : memref<80xi32, #tpu.memory_space<vmem>>) semaphore(%arg14 : memref<!tpu.dma_semaphore, #tpu.memory_space<semaphore_mem>>)
      } else {
      }
      %mul3A_458 = arith.constant 3 : i32
      %mul3A_459 = arith.muli %mul3A_458, %scan3A_389 : i32
      %add3A_460 = arith.constant 3 : i32
      %add3A_461 = arith.addi %mul3A_459, %add3A_460 : i32
      %add3A_462 = arith.constant 1 : i32
      %add3A_463 = arith.addi %add3A_461, %add3A_462 : i32
      %lt3A_464 = arith.constant 25 : i32
      %lt3A_465 = arith.cmpi slt, %add3A_463, %lt3A_464 : i32
      %convert_element_type3A_466 = arith.extui %lt3A_465 : i1 to i32
      %cond3A_467 = arith.constant 0 : i32
      %cond3A_468 = arith.cmpi ne, %convert_element_type3A_466, %cond3A_467 : i32
      scf.if %cond3A_468 {
        %dma_wait3A_480 = arith.constant 0 : i32
        %dma_wait3A_481 = arith.constant 0 : i32
        %dma_wait3A_482 = tpu.memref_slice %arg9[%dma_wait3A_480, %dma_wait3A_481] : memref<25x80xi32, #tpu.memory_space<vmem>> -> memref<1x80xi32, #tpu.memory_space<vmem>>
        %dma_wait3A_483 = tpu.memref_squeeze %dma_wait3A_482 : memref<1x80xi32, #tpu.memory_space<vmem>> -> memref<80xi32, #tpu.memory_space<vmem>>
        %dma_wait3A_484 = arith.constant 0 : i32
        %dma_wait3A_485 = arith.constant 0 : i32
        %dma_wait3A_486 = tpu.memref_slice %arg13[%dma_wait3A_484, %dma_wait3A_485] : memref<10000x128xf32, #tpu.memory_space<vmem_shared>> -> memref<10000x128xf32, #tpu.memory_space<vmem_shared>>
        tpu.wait_indirect_dma semaphore(%arg18 : memref<!tpu.dma_semaphore, #tpu.memory_space<semaphore_mem>>) src(%arg11 : memref<80x128xf32, #tpu.memory_space<vmem>>) dst(%dma_wait3A_486 : memref<10000x128xf32, #tpu.memory_space<vmem_shared>>)
        %mul3A_487 = arith.constant 80 : i32
        %mul3A_488 = arith.muli %add3A_463, %mul3A_487 : i32
        %dma_start3A_489 = tpu.memref_slice %arg7[%mul3A_488] : memref<2000xi32, #tpu.memory_space<vmem>> -> memref<80xi32, #tpu.memory_space<vmem>>
        %dma_start3A_490 = arith.constant 0 : i32
        %dma_start3A_491 = arith.constant 0 : i32
        %dma_start3A_492 = tpu.memref_slice %arg2[%dma_start3A_490, %dma_start3A_491] : memref<160000x128xf32, #tpu.memory_space<hbm>> -> memref<160000x128xf32, #tpu.memory_space<hbm>>
        tpu.enqueue_indirect_dma source(%dma_start3A_492 : memref<160000x128xf32, #tpu.memory_space<hbm>>) target(%arg11 : memref<80x128xf32, #tpu.memory_space<vmem>>) offsets(%dma_start3A_489 : memref<80xi32, #tpu.memory_space<vmem>>) semaphore(%arg15 : memref<!tpu.dma_semaphore, #tpu.memory_space<semaphore_mem>>)
      } else {
      }
      %mul3A_469 = arith.constant 3 : i32
      %mul3A_470 = arith.muli %mul3A_469, %scan3A_389 : i32
      %add3A_471 = arith.constant 3 : i32
      %add3A_472 = arith.addi %mul3A_470, %add3A_471 : i32
      %add3A_473 = arith.constant 2 : i32
      %add3A_474 = arith.addi %add3A_472, %add3A_473 : i32
      %lt3A_475 = arith.constant 25 : i32
      %lt3A_476 = arith.cmpi slt, %add3A_474, %lt3A_475 : i32
      %convert_element_type3A_477 = arith.extui %lt3A_476 : i1 to i32
      %cond3A_478 = arith.constant 0 : i32
      %cond3A_479 = arith.cmpi ne, %convert_element_type3A_477, %cond3A_478 : i32
      scf.if %cond3A_479 {
        %dma_wait3A_480 = arith.constant 0 : i32
        %dma_wait3A_481 = arith.constant 0 : i32
        %dma_wait3A_482 = tpu.memref_slice %arg9[%dma_wait3A_480, %dma_wait3A_481] : memref<25x80xi32, #tpu.memory_space<vmem>> -> memref<1x80xi32, #tpu.memory_space<vmem>>
        %dma_wait3A_483 = tpu.memref_squeeze %dma_wait3A_482 : memref<1x80xi32, #tpu.memory_space<vmem>> -> memref<80xi32, #tpu.memory_space<vmem>>
        %dma_wait3A_484 = arith.constant 0 : i32
        %dma_wait3A_485 = arith.constant 0 : i32
        %dma_wait3A_486 = tpu.memref_slice %arg13[%dma_wait3A_484, %dma_wait3A_485] : memref<10000x128xf32, #tpu.memory_space<vmem_shared>> -> memref<10000x128xf32, #tpu.memory_space<vmem_shared>>
        tpu.wait_indirect_dma semaphore(%arg19 : memref<!tpu.dma_semaphore, #tpu.memory_space<semaphore_mem>>) src(%arg12 : memref<80x128xf32, #tpu.memory_space<vmem>>) dst(%dma_wait3A_486 : memref<10000x128xf32, #tpu.memory_space<vmem_shared>>)
        %mul3A_487 = arith.constant 80 : i32
        %mul3A_488 = arith.muli %add3A_474, %mul3A_487 : i32
        %dma_start3A_489 = tpu.memref_slice %arg7[%mul3A_488] : memref<2000xi32, #tpu.memory_space<vmem>> -> memref<80xi32, #tpu.memory_space<vmem>>
        %dma_start3A_490 = arith.constant 0 : i32
        %dma_start3A_491 = arith.constant 0 : i32
        %dma_start3A_492 = tpu.memref_slice %arg2[%dma_start3A_490, %dma_start3A_491] : memref<160000x128xf32, #tpu.memory_space<hbm>> -> memref<160000x128xf32, #tpu.memory_space<hbm>>
        tpu.enqueue_indirect_dma source(%dma_start3A_492 : memref<160000x128xf32, #tpu.memory_space<hbm>>) target(%arg12 : memref<80x128xf32, #tpu.memory_space<vmem>>) offsets(%dma_start3A_489 : memref<80xi32, #tpu.memory_space<vmem>>) semaphore(%arg16 : memref<!tpu.dma_semaphore, #tpu.memory_space<semaphore_mem>>)
      } else {
      }
    }
    %scan3A_284 = arith.constant 8 : i32
    %dma_wait3A_285 = arith.constant 1920 : i32
    %dma_wait3A_286 = tpu.memref_slice %arg7[%dma_wait3A_285] : memref<2000xi32, #tpu.memory_space<vmem>> -> memref<80xi32, #tpu.memory_space<vmem>>
    %dma_wait3A_287 = arith.constant 0 : i32
    %dma_wait3A_288 = arith.constant 0 : i32
    %dma_wait3A_289 = tpu.memref_slice %arg2[%dma_wait3A_287, %dma_wait3A_288] : memref<160000x128xf32, #tpu.memory_space<hbm>> -> memref<160000x128xf32, #tpu.memory_space<hbm>>
    tpu.wait_indirect_dma semaphore(%arg14 : memref<!tpu.dma_semaphore, #tpu.memory_space<semaphore_mem>>) src(%dma_wait3A_289 : memref<160000x128xf32, #tpu.memory_space<hbm>>) dst(%arg10 : memref<80x128xf32, #tpu.memory_space<vmem>>)
    %dma_start3A_290 = arith.constant 24 : i32
    %dma_start3A_291 = arith.constant 0 : i32
    %dma_start3A_292 = tpu.memref_slice %arg9[%dma_start3A_290, %dma_start3A_291] : memref<25x80xi32, #tpu.memory_space<vmem>> -> memref<1x80xi32, #tpu.memory_space<vmem>>
    %dma_start3A_293 = tpu.memref_squeeze %dma_start3A_292 : memref<1x80xi32, #tpu.memory_space<vmem>> -> memref<80xi32, #tpu.memory_space<vmem>>
    %dma_start3A_294 = arith.constant 0 : i32
    %dma_start3A_295 = arith.constant 0 : i32
    %dma_start3A_296 = tpu.memref_slice %arg13[%dma_start3A_294, %dma_start3A_295] : memref<10000x128xf32, #tpu.memory_space<vmem_shared>> -> memref<10000x128xf32, #tpu.memory_space<vmem_shared>>
    tpu.enqueue_indirect_dma source(%arg10 : memref<80x128xf32, #tpu.memory_space<vmem>>) target(%dma_start3A_296 : memref<10000x128xf32, #tpu.memory_space<vmem_shared>>) offsets(%dma_start3A_293 : memref<80xi32, #tpu.memory_space<vmem>>) semaphore(%arg17 : memref<!tpu.dma_semaphore, #tpu.memory_space<semaphore_mem>>) {add = true}
    %dma_wait3A_297 = arith.constant 0 : i32
    %dma_wait3A_298 = arith.constant 0 : i32
    %dma_wait3A_299 = tpu.memref_slice %arg9[%dma_wait3A_297, %dma_wait3A_298] : memref<25x80xi32, #tpu.memory_space<vmem>> -> memref<1x80xi32, #tpu.memory_space<vmem>>
    %dma_wait3A_300 = tpu.memref_squeeze %dma_wait3A_299 : memref<1x80xi32, #tpu.memory_space<vmem>> -> memref<80xi32, #tpu.memory_space<vmem>>
    %dma_wait3A_301 = arith.constant 0 : i32
    %dma_wait3A_302 = arith.constant 0 : i32
    %dma_wait3A_303 = tpu.memref_slice %arg13[%dma_wait3A_301, %dma_wait3A_302] : memref<10000x128xf32, #tpu.memory_space<vmem_shared>> -> memref<10000x128xf32, #tpu.memory_space<vmem_shared>>
    tpu.wait_indirect_dma semaphore(%arg17 : memref<!tpu.dma_semaphore, #tpu.memory_space<semaphore_mem>>) src(%arg10 : memref<80x128xf32, #tpu.memory_space<vmem>>) dst(%dma_wait3A_303 : memref<10000x128xf32, #tpu.memory_space<vmem_shared>>)
    %dma_wait3A_304 = arith.constant 0 : i32
    %dma_wait3A_305 = arith.constant 0 : i32
    %dma_wait3A_306 = tpu.memref_slice %arg9[%dma_wait3A_304, %dma_wait3A_305] : memref<25x80xi32, #tpu.memory_space<vmem>> -> memref<1x80xi32, #tpu.memory_space<vmem>>
    %dma_wait3A_307 = tpu.memref_squeeze %dma_wait3A_306 : memref<1x80xi32, #tpu.memory_space<vmem>> -> memref<80xi32, #tpu.memory_space<vmem>>
    %dma_wait3A_308 = arith.constant 0 : i32
    %dma_wait3A_309 = arith.constant 0 : i32
    %dma_wait3A_310 = tpu.memref_slice %arg13[%dma_wait3A_308, %dma_wait3A_309] : memref<10000x128xf32, #tpu.memory_space<vmem_shared>> -> memref<10000x128xf32, #tpu.memory_space<vmem_shared>>
    tpu.wait_indirect_dma semaphore(%arg18 : memref<!tpu.dma_semaphore, #tpu.memory_space<semaphore_mem>>) src(%arg11 : memref<80x128xf32, #tpu.memory_space<vmem>>) dst(%dma_wait3A_310 : memref<10000x128xf32, #tpu.memory_space<vmem_shared>>)
    %dma_wait3A_311 = arith.constant 0 : i32
    %dma_wait3A_312 = arith.constant 0 : i32
    %dma_wait3A_313 = tpu.memref_slice %arg9[%dma_wait3A_311, %dma_wait3A_312] : memref<25x80xi32, #tpu.memory_space<vmem>> -> memref<1x80xi32, #tpu.memory_space<vmem>>
    %dma_wait3A_314 = tpu.memref_squeeze %dma_wait3A_313 : memref<1x80xi32, #tpu.memory_space<vmem>> -> memref<80xi32, #tpu.memory_space<vmem>>
    %dma_wait3A_315 = arith.constant 0 : i32
    %dma_wait3A_316 = arith.constant 0 : i32
    %dma_wait3A_317 = tpu.memref_slice %arg13[%dma_wait3A_315, %dma_wait3A_316] : memref<10000x128xf32, #tpu.memory_space<vmem_shared>> -> memref<10000x128xf32, #tpu.memory_space<vmem_shared>>
    tpu.wait_indirect_dma semaphore(%arg19 : memref<!tpu.dma_semaphore, #tpu.memory_space<semaphore_mem>>) src(%arg12 : memref<80x128xf32, #tpu.memory_space<vmem>>) dst(%dma_wait3A_317 : memref<10000x128xf32, #tpu.memory_space<vmem_shared>>)
    %add3A_318 = arith.constant 8000 : i32
    %add3A_319 = arith.addi %mul3A_2, %add3A_318 : i32
    %dma_wait3A_320 = tpu.memref_slice %arg3[%add3A_319] : memref<320000xi32, #tpu.memory_space<hbm>> -> memref<2000xi32, #tpu.memory_space<hbm>>
    %dma_wait3A_321 = tpu.memref_slice %arg3[%add3A_319] : memref<320000xi32, #tpu.memory_space<hbm>> -> memref<2000xi32, #tpu.memory_space<hbm>>
    tpu.wait_dma2 semaphore(%arg20 : memref<!tpu.dma_semaphore, #tpu.memory_space<semaphore_mem>>) src(%dma_wait3A_321 : memref<2000xi32, #tpu.memory_space<hbm>>) dst(%arg6 : memref<2000xi32, #tpu.memory_space<vmem>>)
    %scan3A_322 = arith.constant 0 : i32
    %scan3A_323 = arith.constant 0 : i32
    %scan3A_324 = arith.constant 25 : i32
    %scan3A_325 = arith.addi %scan3A_323, %scan3A_324 : i32
    %scan3A_326 = arith.constant 1 : i32
    scf.for %scan3A_389 = %scan3A_323 to %scan3A_325 step %scan3A_326  : i32 {
      %mul3A_390 = arith.constant 80 : i32
      %mul3A_391 = arith.muli %scan3A_389, %mul3A_390 : i32
      %add3A_392 = arith.addi %add3A_319, %mul3A_391 : i32
      %dma_wait3A_393 = arith.constant 0 : i32
      %dma_wait3A_394 = tpu.memref_slice %arg8[%scan3A_389, %dma_wait3A_393] : memref<25x80xi32, #tpu.memory_space<vmem>> -> memref<1x80xi32, #tpu.memory_space<vmem>>
      %dma_wait3A_395 = tpu.memref_squeeze %dma_wait3A_394 : memref<1x80xi32, #tpu.memory_space<vmem>> -> memref<80xi32, #tpu.memory_space<vmem>>
      %dma_wait3A_396 = tpu.memref_slice %arg4[%add3A_392] : memref<320000xi32, #tpu.memory_space<hbm>> -> memref<80xi32, #tpu.memory_space<hbm>>
      %dma_wait3A_397 = arith.constant 0 : i32
      %dma_wait3A_398 = tpu.memref_slice %arg8[%scan3A_389, %dma_wait3A_397] : memref<25x80xi32, #tpu.memory_space<vmem>> -> memref<1x80xi32, #tpu.memory_space<vmem>>
      %dma_wait3A_399 = tpu.memref_squeeze %dma_wait3A_398 : memref<1x80xi32, #tpu.memory_space<vmem>> -> memref<80xi32, #tpu.memory_space<vmem>>
      %dma_wait3A_400 = tpu.memref_slice %arg4[%add3A_392] : memref<320000xi32, #tpu.memory_space<hbm>> -> memref<80xi32, #tpu.memory_space<hbm>>
      tpu.wait_dma2 semaphore(%arg20 : memref<!tpu.dma_semaphore, #tpu.memory_space<semaphore_mem>>) src(%dma_wait3A_400 : memref<80xi32, #tpu.memory_space<hbm>>) dst(%dma_wait3A_399 : memref<80xi32, #tpu.memory_space<vmem>>)
    }
    %scan3A_327 = arith.constant 25 : i32
    %dma_start3A_328 = arith.constant 0 : i32
    %dma_start3A_329 = tpu.memref_slice %arg6[%dma_start3A_328] : memref<2000xi32, #tpu.memory_space<vmem>> -> memref<80xi32, #tpu.memory_space<vmem>>
    %dma_start3A_330 = arith.constant 0 : i32
    %dma_start3A_331 = arith.constant 0 : i32
    %dma_start3A_332 = tpu.memref_slice %arg2[%dma_start3A_330, %dma_start3A_331] : memref<160000x128xf32, #tpu.memory_space<hbm>> -> memref<160000x128xf32, #tpu.memory_space<hbm>>
    tpu.enqueue_indirect_dma source(%dma_start3A_332 : memref<160000x128xf32, #tpu.memory_space<hbm>>) target(%arg10 : memref<80x128xf32, #tpu.memory_space<vmem>>) offsets(%dma_start3A_329 : memref<80xi32, #tpu.memory_space<vmem>>) semaphore(%arg14 : memref<!tpu.dma_semaphore, #tpu.memory_space<semaphore_mem>>)
    %dma_start3A_333 = arith.constant 80 : i32
    %dma_start3A_334 = tpu.memref_slice %arg6[%dma_start3A_333] : memref<2000xi32, #tpu.memory_space<vmem>> -> memref<80xi32, #tpu.memory_space<vmem>>
    %dma_start3A_335 = arith.constant 0 : i32
    %dma_start3A_336 = arith.constant 0 : i32
    %dma_start3A_337 = tpu.memref_slice %arg2[%dma_start3A_335, %dma_start3A_336] : memref<160000x128xf32, #tpu.memory_space<hbm>> -> memref<160000x128xf32, #tpu.memory_space<hbm>>
    tpu.enqueue_indirect_dma source(%dma_start3A_337 : memref<160000x128xf32, #tpu.memory_space<hbm>>) target(%arg11 : memref<80x128xf32, #tpu.memory_space<vmem>>) offsets(%dma_start3A_334 : memref<80xi32, #tpu.memory_space<vmem>>) semaphore(%arg15 : memref<!tpu.dma_semaphore, #tpu.memory_space<semaphore_mem>>)
    %dma_start3A_338 = arith.constant 160 : i32
    %dma_start3A_339 = tpu.memref_slice %arg6[%dma_start3A_338] : memref<2000xi32, #tpu.memory_space<vmem>> -> memref<80xi32, #tpu.memory_space<vmem>>
    %dma_start3A_340 = arith.constant 0 : i32
    %dma_start3A_341 = arith.constant 0 : i32
    %dma_start3A_342 = tpu.memref_slice %arg2[%dma_start3A_340, %dma_start3A_341] : memref<160000x128xf32, #tpu.memory_space<hbm>> -> memref<160000x128xf32, #tpu.memory_space<hbm>>
    tpu.enqueue_indirect_dma source(%dma_start3A_342 : memref<160000x128xf32, #tpu.memory_space<hbm>>) target(%arg12 : memref<80x128xf32, #tpu.memory_space<vmem>>) offsets(%dma_start3A_339 : memref<80xi32, #tpu.memory_space<vmem>>) semaphore(%arg16 : memref<!tpu.dma_semaphore, #tpu.memory_space<semaphore_mem>>)
    %scan3A_343 = arith.constant 0 : i32
    %scan3A_344 = arith.constant 0 : i32
    %scan3A_345 = arith.constant 8 : i32
    %scan3A_346 = arith.addi %scan3A_344, %scan3A_345 : i32
    %scan3A_347 = arith.constant 1 : i32
    scf.for %scan3A_389 = %scan3A_344 to %scan3A_346 step %scan3A_347  : i32 {
      %mul3A_390 = arith.constant 3 : i32
      %mul3A_391 = arith.muli %mul3A_390, %scan3A_389 : i32
      %add3A_392 = arith.constant 0 : i32
      %add3A_393 = arith.addi %mul3A_391, %add3A_392 : i32
      %mul3A_394 = arith.constant 80 : i32
      %mul3A_395 = arith.muli %add3A_393, %mul3A_394 : i32
      %dma_wait3A_396 = tpu.memref_slice %arg6[%mul3A_395] : memref<2000xi32, #tpu.memory_space<vmem>> -> memref<80xi32, #tpu.memory_space<vmem>>
      %dma_wait3A_397 = arith.constant 0 : i32
      %dma_wait3A_398 = arith.constant 0 : i32
      %dma_wait3A_399 = tpu.memref_slice %arg2[%dma_wait3A_397, %dma_wait3A_398] : memref<160000x128xf32, #tpu.memory_space<hbm>> -> memref<160000x128xf32, #tpu.memory_space<hbm>>
      tpu.wait_indirect_dma semaphore(%arg14 : memref<!tpu.dma_semaphore, #tpu.memory_space<semaphore_mem>>) src(%dma_wait3A_399 : memref<160000x128xf32, #tpu.memory_space<hbm>>) dst(%arg10 : memref<80x128xf32, #tpu.memory_space<vmem>>)
      %mul3A_400 = arith.constant 3 : i32
      %mul3A_401 = arith.muli %mul3A_400, %scan3A_389 : i32
      %add3A_402 = arith.constant 0 : i32
      %add3A_403 = arith.addi %mul3A_401, %add3A_402 : i32
      %dma_start3A_404 = arith.constant 0 : i32
      %dma_start3A_405 = tpu.memref_slice %arg8[%add3A_403, %dma_start3A_404] : memref<25x80xi32, #tpu.memory_space<vmem>> -> memref<1x80xi32, #tpu.memory_space<vmem>>
      %dma_start3A_406 = tpu.memref_squeeze %dma_start3A_405 : memref<1x80xi32, #tpu.memory_space<vmem>> -> memref<80xi32, #tpu.memory_space<vmem>>
      %dma_start3A_407 = arith.constant 0 : i32
      %dma_start3A_408 = arith.constant 0 : i32
      %dma_start3A_409 = tpu.memref_slice %arg13[%dma_start3A_407, %dma_start3A_408] : memref<10000x128xf32, #tpu.memory_space<vmem_shared>> -> memref<10000x128xf32, #tpu.memory_space<vmem_shared>>
      tpu.enqueue_indirect_dma source(%arg10 : memref<80x128xf32, #tpu.memory_space<vmem>>) target(%dma_start3A_409 : memref<10000x128xf32, #tpu.memory_space<vmem_shared>>) offsets(%dma_start3A_406 : memref<80xi32, #tpu.memory_space<vmem>>) semaphore(%arg17 : memref<!tpu.dma_semaphore, #tpu.memory_space<semaphore_mem>>) {add = true}
      %mul3A_410 = arith.constant 3 : i32
      %mul3A_411 = arith.muli %mul3A_410, %scan3A_389 : i32
      %add3A_412 = arith.constant 1 : i32
      %add3A_413 = arith.addi %mul3A_411, %add3A_412 : i32
      %mul3A_414 = arith.constant 80 : i32
      %mul3A_415 = arith.muli %add3A_413, %mul3A_414 : i32
      %dma_wait3A_416 = tpu.memref_slice %arg6[%mul3A_415] : memref<2000xi32, #tpu.memory_space<vmem>> -> memref<80xi32, #tpu.memory_space<vmem>>
      %dma_wait3A_417 = arith.constant 0 : i32
      %dma_wait3A_418 = arith.constant 0 : i32
      %dma_wait3A_419 = tpu.memref_slice %arg2[%dma_wait3A_417, %dma_wait3A_418] : memref<160000x128xf32, #tpu.memory_space<hbm>> -> memref<160000x128xf32, #tpu.memory_space<hbm>>
      tpu.wait_indirect_dma semaphore(%arg15 : memref<!tpu.dma_semaphore, #tpu.memory_space<semaphore_mem>>) src(%dma_wait3A_419 : memref<160000x128xf32, #tpu.memory_space<hbm>>) dst(%arg11 : memref<80x128xf32, #tpu.memory_space<vmem>>)
      %mul3A_420 = arith.constant 3 : i32
      %mul3A_421 = arith.muli %mul3A_420, %scan3A_389 : i32
      %add3A_422 = arith.constant 1 : i32
      %add3A_423 = arith.addi %mul3A_421, %add3A_422 : i32
      %dma_start3A_424 = arith.constant 0 : i32
      %dma_start3A_425 = tpu.memref_slice %arg8[%add3A_423, %dma_start3A_424] : memref<25x80xi32, #tpu.memory_space<vmem>> -> memref<1x80xi32, #tpu.memory_space<vmem>>
      %dma_start3A_426 = tpu.memref_squeeze %dma_start3A_425 : memref<1x80xi32, #tpu.memory_space<vmem>> -> memref<80xi32, #tpu.memory_space<vmem>>
      %dma_start3A_427 = arith.constant 0 : i32
      %dma_start3A_428 = arith.constant 0 : i32
      %dma_start3A_429 = tpu.memref_slice %arg13[%dma_start3A_427, %dma_start3A_428] : memref<10000x128xf32, #tpu.memory_space<vmem_shared>> -> memref<10000x128xf32, #tpu.memory_space<vmem_shared>>
      tpu.enqueue_indirect_dma source(%arg11 : memref<80x128xf32, #tpu.memory_space<vmem>>) target(%dma_start3A_429 : memref<10000x128xf32, #tpu.memory_space<vmem_shared>>) offsets(%dma_start3A_426 : memref<80xi32, #tpu.memory_space<vmem>>) semaphore(%arg18 : memref<!tpu.dma_semaphore, #tpu.memory_space<semaphore_mem>>) {add = true}
      %mul3A_430 = arith.constant 3 : i32
      %mul3A_431 = arith.muli %mul3A_430, %scan3A_389 : i32
      %add3A_432 = arith.constant 2 : i32
      %add3A_433 = arith.addi %mul3A_431, %add3A_432 : i32
      %mul3A_434 = arith.constant 80 : i32
      %mul3A_435 = arith.muli %add3A_433, %mul3A_434 : i32
      %dma_wait3A_436 = tpu.memref_slice %arg6[%mul3A_435] : memref<2000xi32, #tpu.memory_space<vmem>> -> memref<80xi32, #tpu.memory_space<vmem>>
      %dma_wait3A_437 = arith.constant 0 : i32
      %dma_wait3A_438 = arith.constant 0 : i32
      %dma_wait3A_439 = tpu.memref_slice %arg2[%dma_wait3A_437, %dma_wait3A_438] : memref<160000x128xf32, #tpu.memory_space<hbm>> -> memref<160000x128xf32, #tpu.memory_space<hbm>>
      tpu.wait_indirect_dma semaphore(%arg16 : memref<!tpu.dma_semaphore, #tpu.memory_space<semaphore_mem>>) src(%dma_wait3A_439 : memref<160000x128xf32, #tpu.memory_space<hbm>>) dst(%arg12 : memref<80x128xf32, #tpu.memory_space<vmem>>)
      %mul3A_440 = arith.constant 3 : i32
      %mul3A_441 = arith.muli %mul3A_440, %scan3A_389 : i32
      %add3A_442 = arith.constant 2 : i32
      %add3A_443 = arith.addi %mul3A_441, %add3A_442 : i32
      %dma_start3A_444 = arith.constant 0 : i32
      %dma_start3A_445 = tpu.memref_slice %arg8[%add3A_443, %dma_start3A_444] : memref<25x80xi32, #tpu.memory_space<vmem>> -> memref<1x80xi32, #tpu.memory_space<vmem>>
      %dma_start3A_446 = tpu.memref_squeeze %dma_start3A_445 : memref<1x80xi32, #tpu.memory_space<vmem>> -> memref<80xi32, #tpu.memory_space<vmem>>
      %dma_start3A_447 = arith.constant 0 : i32
      %dma_start3A_448 = arith.constant 0 : i32
      %dma_start3A_449 = tpu.memref_slice %arg13[%dma_start3A_447, %dma_start3A_448] : memref<10000x128xf32, #tpu.memory_space<vmem_shared>> -> memref<10000x128xf32, #tpu.memory_space<vmem_shared>>
      tpu.enqueue_indirect_dma source(%arg12 : memref<80x128xf32, #tpu.memory_space<vmem>>) target(%dma_start3A_449 : memref<10000x128xf32, #tpu.memory_space<vmem_shared>>) offsets(%dma_start3A_446 : memref<80xi32, #tpu.memory_space<vmem>>) semaphore(%arg19 : memref<!tpu.dma_semaphore, #tpu.memory_space<semaphore_mem>>) {add = true}
      %mul3A_450 = arith.constant 3 : i32
      %mul3A_451 = arith.muli %mul3A_450, %scan3A_389 : i32
      %add3A_452 = arith.constant 3 : i32
      %add3A_453 = arith.addi %mul3A_451, %add3A_452 : i32
      %add3A_454 = arith.constant 0 : i32
      %add3A_455 = arith.addi %add3A_453, %add3A_454 : i32
      %lt3A = arith.constant 25 : i32
      %lt3A_456 = arith.cmpi slt, %add3A_455, %lt3A : i32
      %convert_element_type3A = arith.extui %lt3A_456 : i1 to i32
      %cond3A = arith.constant 0 : i32
      %cond3A_457 = arith.cmpi ne, %convert_element_type3A, %cond3A : i32
      scf.if %cond3A_457 {
        %dma_wait3A_480 = arith.constant 0 : i32
        %dma_wait3A_481 = arith.constant 0 : i32
        %dma_wait3A_482 = tpu.memref_slice %arg8[%dma_wait3A_480, %dma_wait3A_481] : memref<25x80xi32, #tpu.memory_space<vmem>> -> memref<1x80xi32, #tpu.memory_space<vmem>>
        %dma_wait3A_483 = tpu.memref_squeeze %dma_wait3A_482 : memref<1x80xi32, #tpu.memory_space<vmem>> -> memref<80xi32, #tpu.memory_space<vmem>>
        %dma_wait3A_484 = arith.constant 0 : i32
        %dma_wait3A_485 = arith.constant 0 : i32
        %dma_wait3A_486 = tpu.memref_slice %arg13[%dma_wait3A_484, %dma_wait3A_485] : memref<10000x128xf32, #tpu.memory_space<vmem_shared>> -> memref<10000x128xf32, #tpu.memory_space<vmem_shared>>
        tpu.wait_indirect_dma semaphore(%arg17 : memref<!tpu.dma_semaphore, #tpu.memory_space<semaphore_mem>>) src(%arg10 : memref<80x128xf32, #tpu.memory_space<vmem>>) dst(%dma_wait3A_486 : memref<10000x128xf32, #tpu.memory_space<vmem_shared>>)
        %mul3A_487 = arith.constant 80 : i32
        %mul3A_488 = arith.muli %add3A_455, %mul3A_487 : i32
        %dma_start3A_489 = tpu.memref_slice %arg6[%mul3A_488] : memref<2000xi32, #tpu.memory_space<vmem>> -> memref<80xi32, #tpu.memory_space<vmem>>
        %dma_start3A_490 = arith.constant 0 : i32
        %dma_start3A_491 = arith.constant 0 : i32
        %dma_start3A_492 = tpu.memref_slice %arg2[%dma_start3A_490, %dma_start3A_491] : memref<160000x128xf32, #tpu.memory_space<hbm>> -> memref<160000x128xf32, #tpu.memory_space<hbm>>
        tpu.enqueue_indirect_dma source(%dma_start3A_492 : memref<160000x128xf32, #tpu.memory_space<hbm>>) target(%arg10 : memref<80x128xf32, #tpu.memory_space<vmem>>) offsets(%dma_start3A_489 : memref<80xi32, #tpu.memory_space<vmem>>) semaphore(%arg14 : memref<!tpu.dma_semaphore, #tpu.memory_space<semaphore_mem>>)
      } else {
      }
      %mul3A_458 = arith.constant 3 : i32
      %mul3A_459 = arith.muli %mul3A_458, %scan3A_389 : i32
      %add3A_460 = arith.constant 3 : i32
      %add3A_461 = arith.addi %mul3A_459, %add3A_460 : i32
      %add3A_462 = arith.constant 1 : i32
      %add3A_463 = arith.addi %add3A_461, %add3A_462 : i32
      %lt3A_464 = arith.constant 25 : i32
      %lt3A_465 = arith.cmpi slt, %add3A_463, %lt3A_464 : i32
      %convert_element_type3A_466 = arith.extui %lt3A_465 : i1 to i32
      %cond3A_467 = arith.constant 0 : i32
      %cond3A_468 = arith.cmpi ne, %convert_element_type3A_466, %cond3A_467 : i32
      scf.if %cond3A_468 {
        %dma_wait3A_480 = arith.constant 0 : i32
        %dma_wait3A_481 = arith.constant 0 : i32
        %dma_wait3A_482 = tpu.memref_slice %arg8[%dma_wait3A_480, %dma_wait3A_481] : memref<25x80xi32, #tpu.memory_space<vmem>> -> memref<1x80xi32, #tpu.memory_space<vmem>>
        %dma_wait3A_483 = tpu.memref_squeeze %dma_wait3A_482 : memref<1x80xi32, #tpu.memory_space<vmem>> -> memref<80xi32, #tpu.memory_space<vmem>>
        %dma_wait3A_484 = arith.constant 0 : i32
        %dma_wait3A_485 = arith.constant 0 : i32
        %dma_wait3A_486 = tpu.memref_slice %arg13[%dma_wait3A_484, %dma_wait3A_485] : memref<10000x128xf32, #tpu.memory_space<vmem_shared>> -> memref<10000x128xf32, #tpu.memory_space<vmem_shared>>
        tpu.wait_indirect_dma semaphore(%arg18 : memref<!tpu.dma_semaphore, #tpu.memory_space<semaphore_mem>>) src(%arg11 : memref<80x128xf32, #tpu.memory_space<vmem>>) dst(%dma_wait3A_486 : memref<10000x128xf32, #tpu.memory_space<vmem_shared>>)
        %mul3A_487 = arith.constant 80 : i32
        %mul3A_488 = arith.muli %add3A_463, %mul3A_487 : i32
        %dma_start3A_489 = tpu.memref_slice %arg6[%mul3A_488] : memref<2000xi32, #tpu.memory_space<vmem>> -> memref<80xi32, #tpu.memory_space<vmem>>
        %dma_start3A_490 = arith.constant 0 : i32
        %dma_start3A_491 = arith.constant 0 : i32
        %dma_start3A_492 = tpu.memref_slice %arg2[%dma_start3A_490, %dma_start3A_491] : memref<160000x128xf32, #tpu.memory_space<hbm>> -> memref<160000x128xf32, #tpu.memory_space<hbm>>
        tpu.enqueue_indirect_dma source(%dma_start3A_492 : memref<160000x128xf32, #tpu.memory_space<hbm>>) target(%arg11 : memref<80x128xf32, #tpu.memory_space<vmem>>) offsets(%dma_start3A_489 : memref<80xi32, #tpu.memory_space<vmem>>) semaphore(%arg15 : memref<!tpu.dma_semaphore, #tpu.memory_space<semaphore_mem>>)
      } else {
      }
      %mul3A_469 = arith.constant 3 : i32
      %mul3A_470 = arith.muli %mul3A_469, %scan3A_389 : i32
      %add3A_471 = arith.constant 3 : i32
      %add3A_472 = arith.addi %mul3A_470, %add3A_471 : i32
      %add3A_473 = arith.constant 2 : i32
      %add3A_474 = arith.addi %add3A_472, %add3A_473 : i32
      %lt3A_475 = arith.constant 25 : i32
      %lt3A_476 = arith.cmpi slt, %add3A_474, %lt3A_475 : i32
      %convert_element_type3A_477 = arith.extui %lt3A_476 : i1 to i32
      %cond3A_478 = arith.constant 0 : i32
      %cond3A_479 = arith.cmpi ne, %convert_element_type3A_477, %cond3A_478 : i32
      scf.if %cond3A_479 {
        %dma_wait3A_480 = arith.constant 0 : i32
        %dma_wait3A_481 = arith.constant 0 : i32
        %dma_wait3A_482 = tpu.memref_slice %arg8[%dma_wait3A_480, %dma_wait3A_481] : memref<25x80xi32, #tpu.memory_space<vmem>> -> memref<1x80xi32, #tpu.memory_space<vmem>>
        %dma_wait3A_483 = tpu.memref_squeeze %dma_wait3A_482 : memref<1x80xi32, #tpu.memory_space<vmem>> -> memref<80xi32, #tpu.memory_space<vmem>>
        %dma_wait3A_484 = arith.constant 0 : i32
        %dma_wait3A_485 = arith.constant 0 : i32
        %dma_wait3A_486 = tpu.memref_slice %arg13[%dma_wait3A_484, %dma_wait3A_485] : memref<10000x128xf32, #tpu.memory_space<vmem_shared>> -> memref<10000x128xf32, #tpu.memory_space<vmem_shared>>
        tpu.wait_indirect_dma semaphore(%arg19 : memref<!tpu.dma_semaphore, #tpu.memory_space<semaphore_mem>>) src(%arg12 : memref<80x128xf32, #tpu.memory_space<vmem>>) dst(%dma_wait3A_486 : memref<10000x128xf32, #tpu.memory_space<vmem_shared>>)
        %mul3A_487 = arith.constant 80 : i32
        %mul3A_488 = arith.muli %add3A_474, %mul3A_487 : i32
        %dma_start3A_489 = tpu.memref_slice %arg6[%mul3A_488] : memref<2000xi32, #tpu.memory_space<vmem>> -> memref<80xi32, #tpu.memory_space<vmem>>
        %dma_start3A_490 = arith.constant 0 : i32
        %dma_start3A_491 = arith.constant 0 : i32
        %dma_start3A_492 = tpu.memref_slice %arg2[%dma_start3A_490, %dma_start3A_491] : memref<160000x128xf32, #tpu.memory_space<hbm>> -> memref<160000x128xf32, #tpu.memory_space<hbm>>
        tpu.enqueue_indirect_dma source(%dma_start3A_492 : memref<160000x128xf32, #tpu.memory_space<hbm>>) target(%arg12 : memref<80x128xf32, #tpu.memory_space<vmem>>) offsets(%dma_start3A_489 : memref<80xi32, #tpu.memory_space<vmem>>) semaphore(%arg16 : memref<!tpu.dma_semaphore, #tpu.memory_space<semaphore_mem>>)
      } else {
      }
    }
    %scan3A_348 = arith.constant 8 : i32
    %dma_wait3A_349 = arith.constant 1920 : i32
    %dma_wait3A_350 = tpu.memref_slice %arg6[%dma_wait3A_349] : memref<2000xi32, #tpu.memory_space<vmem>> -> memref<80xi32, #tpu.memory_space<vmem>>
    %dma_wait3A_351 = arith.constant 0 : i32
    %dma_wait3A_352 = arith.constant 0 : i32
    %dma_wait3A_353 = tpu.memref_slice %arg2[%dma_wait3A_351, %dma_wait3A_352] : memref<160000x128xf32, #tpu.memory_space<hbm>> -> memref<160000x128xf32, #tpu.memory_space<hbm>>
    tpu.wait_indirect_dma semaphore(%arg14 : memref<!tpu.dma_semaphore, #tpu.memory_space<semaphore_mem>>) src(%dma_wait3A_353 : memref<160000x128xf32, #tpu.memory_space<hbm>>) dst(%arg10 : memref<80x128xf32, #tpu.memory_space<vmem>>)
    %dma_start3A_354 = arith.constant 24 : i32
    %dma_start3A_355 = arith.constant 0 : i32
    %dma_start3A_356 = tpu.memref_slice %arg8[%dma_start3A_354, %dma_start3A_355] : memref<25x80xi32, #tpu.memory_space<vmem>> -> memref<1x80xi32, #tpu.memory_space<vmem>>
    %dma_start3A_357 = tpu.memref_squeeze %dma_start3A_356 : memref<1x80xi32, #tpu.memory_space<vmem>> -> memref<80xi32, #tpu.memory_space<vmem>>
    %dma_start3A_358 = arith.constant 0 : i32
    %dma_start3A_359 = arith.constant 0 : i32
    %dma_start3A_360 = tpu.memref_slice %arg13[%dma_start3A_358, %dma_start3A_359] : memref<10000x128xf32, #tpu.memory_space<vmem_shared>> -> memref<10000x128xf32, #tpu.memory_space<vmem_shared>>
    tpu.enqueue_indirect_dma source(%arg10 : memref<80x128xf32, #tpu.memory_space<vmem>>) target(%dma_start3A_360 : memref<10000x128xf32, #tpu.memory_space<vmem_shared>>) offsets(%dma_start3A_357 : memref<80xi32, #tpu.memory_space<vmem>>) semaphore(%arg17 : memref<!tpu.dma_semaphore, #tpu.memory_space<semaphore_mem>>) {add = true}
    %dma_wait3A_361 = arith.constant 0 : i32
    %dma_wait3A_362 = arith.constant 0 : i32
    %dma_wait3A_363 = tpu.memref_slice %arg8[%dma_wait3A_361, %dma_wait3A_362] : memref<25x80xi32, #tpu.memory_space<vmem>> -> memref<1x80xi32, #tpu.memory_space<vmem>>
    %dma_wait3A_364 = tpu.memref_squeeze %dma_wait3A_363 : memref<1x80xi32, #tpu.memory_space<vmem>> -> memref<80xi32, #tpu.memory_space<vmem>>
    %dma_wait3A_365 = arith.constant 0 : i32
    %dma_wait3A_366 = arith.constant 0 : i32
    %dma_wait3A_367 = tpu.memref_slice %arg13[%dma_wait3A_365, %dma_wait3A_366] : memref<10000x128xf32, #tpu.memory_space<vmem_shared>> -> memref<10000x128xf32, #tpu.memory_space<vmem_shared>>
    tpu.wait_indirect_dma semaphore(%arg17 : memref<!tpu.dma_semaphore, #tpu.memory_space<semaphore_mem>>) src(%arg10 : memref<80x128xf32, #tpu.memory_space<vmem>>) dst(%dma_wait3A_367 : memref<10000x128xf32, #tpu.memory_space<vmem_shared>>)
    %dma_wait3A_368 = arith.constant 0 : i32
    %dma_wait3A_369 = arith.constant 0 : i32
    %dma_wait3A_370 = tpu.memref_slice %arg8[%dma_wait3A_368, %dma_wait3A_369] : memref<25x80xi32, #tpu.memory_space<vmem>> -> memref<1x80xi32, #tpu.memory_space<vmem>>
    %dma_wait3A_371 = tpu.memref_squeeze %dma_wait3A_370 : memref<1x80xi32, #tpu.memory_space<vmem>> -> memref<80xi32, #tpu.memory_space<vmem>>
    %dma_wait3A_372 = arith.constant 0 : i32
    %dma_wait3A_373 = arith.constant 0 : i32
    %dma_wait3A_374 = tpu.memref_slice %arg13[%dma_wait3A_372, %dma_wait3A_373] : memref<10000x128xf32, #tpu.memory_space<vmem_shared>> -> memref<10000x128xf32, #tpu.memory_space<vmem_shared>>
    tpu.wait_indirect_dma semaphore(%arg18 : memref<!tpu.dma_semaphore, #tpu.memory_space<semaphore_mem>>) src(%arg11 : memref<80x128xf32, #tpu.memory_space<vmem>>) dst(%dma_wait3A_374 : memref<10000x128xf32, #tpu.memory_space<vmem_shared>>)
    %dma_wait3A_375 = arith.constant 0 : i32
    %dma_wait3A_376 = arith.constant 0 : i32
    %dma_wait3A_377 = tpu.memref_slice %arg8[%dma_wait3A_375, %dma_wait3A_376] : memref<25x80xi32, #tpu.memory_space<vmem>> -> memref<1x80xi32, #tpu.memory_space<vmem>>
    %dma_wait3A_378 = tpu.memref_squeeze %dma_wait3A_377 : memref<1x80xi32, #tpu.memory_space<vmem>> -> memref<80xi32, #tpu.memory_space<vmem>>
    %dma_wait3A_379 = arith.constant 0 : i32
    %dma_wait3A_380 = arith.constant 0 : i32
    %dma_wait3A_381 = tpu.memref_slice %arg13[%dma_wait3A_379, %dma_wait3A_380] : memref<10000x128xf32, #tpu.memory_space<vmem_shared>> -> memref<10000x128xf32, #tpu.memory_space<vmem_shared>>
    tpu.wait_indirect_dma semaphore(%arg19 : memref<!tpu.dma_semaphore, #tpu.memory_space<semaphore_mem>>) src(%arg12 : memref<80x128xf32, #tpu.memory_space<vmem>>) dst(%dma_wait3A_381 : memref<10000x128xf32, #tpu.memory_space<vmem_shared>>)
    %barrier3A_382 = arith.constant 0 : index
    tpu.barrier barrier_id(%barrier3A_382)
    %scan3A_383 = arith.constant 0 : i32
    %scan3A_384 = arith.constant 0 : i32
    %scan3A_385 = arith.constant 8 : i32
    %scan3A_386 = arith.addi %scan3A_384, %scan3A_385 : i32
    %scan3A_387 = arith.constant 1 : i32
    scf.for %scan3A_389 = %scan3A_384 to %scan3A_386 step %scan3A_387  : i32 {
      %mul3A_390 = arith.constant 16 : i32
      %mul3A_391 = arith.muli %scan3A_389, %mul3A_390 : i32
      %add3A_392 = arith.addi %mul3A_391, %arg1 : i32
      %lt3A = arith.constant 125 : i32
      %lt3A_393 = arith.cmpi slt, %add3A_392, %lt3A : i32
      %convert_element_type3A = arith.extui %lt3A_393 : i1 to i32
      %cond3A = arith.constant 0 : i32
      %cond3A_394 = arith.cmpi ne, %convert_element_type3A, %cond3A : i32
      scf.if %cond3A_394 {
        %mul3A_395 = arith.constant 80 : i32
        %mul3A_396 = arith.muli %add3A_392, %mul3A_395 : i32
        "tpu.region"() ({
          %run_scoped3A = tpu.sem_alloc : memref<!tpu.dma_semaphore, #tpu.memory_space<semaphore_mem>>
          %dma_start3A_397 = arith.constant 0 : i32
          %dma_start3A_398 = tpu.memref_slice %arg5[%arg0, %mul3A_396, %dma_start3A_397] : memref<2x10000x128xf32, #tpu.memory_space<hbm>> -> memref<1x80x128xf32, #tpu.memory_space<hbm>>
          %dma_start3A_399 = tpu.memref_squeeze %dma_start3A_398 : memref<1x80x128xf32, #tpu.memory_space<hbm>> -> memref<80x128xf32, #tpu.memory_space<hbm>>
          %dma_start3A_400 = arith.constant 0 : i32
          %dma_start3A_401 = tpu.memref_slice %arg13[%mul3A_396, %dma_start3A_400] : memref<10000x128xf32, #tpu.memory_space<vmem_shared>> -> memref<80x128xf32, #tpu.memory_space<vmem_shared>>
          tpu.enqueue_dma source(%dma_start3A_401 : memref<80x128xf32, #tpu.memory_space<vmem_shared>>) target(%dma_start3A_399 : memref<80x128xf32, #tpu.memory_space<hbm>>) target_semaphore(%run_scoped3A : memref<!tpu.dma_semaphore, #tpu.memory_space<semaphore_mem>>)
          %dma_wait3A_402 = arith.constant 0 : i32
          %dma_wait3A_403 = tpu.memref_slice %arg5[%arg0, %mul3A_396, %dma_wait3A_402] : memref<2x10000x128xf32, #tpu.memory_space<hbm>> -> memref<1x80x128xf32, #tpu.memory_space<hbm>>
          %dma_wait3A_404 = tpu.memref_squeeze %dma_wait3A_403 : memref<1x80x128xf32, #tpu.memory_space<hbm>> -> memref<80x128xf32, #tpu.memory_space<hbm>>
          %dma_wait3A_405 = arith.constant 0 : i32
          %dma_wait3A_406 = tpu.memref_slice %arg13[%mul3A_396, %dma_wait3A_405] : memref<10000x128xf32, #tpu.memory_space<vmem_shared>> -> memref<80x128xf32, #tpu.memory_space<vmem_shared>>
          tpu.wait_dma2 semaphore(%run_scoped3A : memref<!tpu.dma_semaphore, #tpu.memory_space<semaphore_mem>>) src(%dma_wait3A_406 : memref<80x128xf32, #tpu.memory_space<vmem_shared>>) dst(%dma_wait3A_404 : memref<80x128xf32, #tpu.memory_space<hbm>>)
          tpu.yield
        }) : () -> ()
      } else {
      }
    }
    %scan3A_388 = arith.constant 8 : i32
    return
  }
}

module attributes {stable_mosaic.version = 14 : i64} {
  func.func @_premul_body(%arg0: i32, %arg1: memref<1x128xf32, #tpu.memory_space<vmem>>, %arg2: memref<128x2048xf32, #tpu.memory_space<vmem>>, %arg3: memref<1x2048xf32, #tpu.memory_space<vmem>>, %arg4: memref<400x128xf32, #tpu.memory_space<vmem>>, %arg5: memref<16x400x128xf32, #tpu.memory_space<vmem>>, %arg6: memref<16x128xf32, #tpu.memory_space<vmem>>) attributes {dimension_semantics = [#tpu.dimension_semantics<arbitrary>], iteration_bounds = array<i64: 25>, scalar_prefetch = 0 : i64, scratch_operands = 1 : i64, tpu.core_type = #tpu.core_type<tc>, window_params = [{pipeline_mode = #tpu.pipeline_mode<synchronous>, transform_indices = @transform_0, window_bounds = array<i64: 1, 128>}, {pipeline_mode = #tpu.pipeline_mode<synchronous>, transform_indices = @transform_1, window_bounds = array<i64: 128, 2048>}, {pipeline_mode = #tpu.pipeline_mode<synchronous>, transform_indices = @transform_2, window_bounds = array<i64: 1, 2048>}, {transform_indices = @transform_3, window_bounds = array<i64: 400, 128>}, {transform_indices = @transform_4, window_bounds = array<i64: 16, 400, 128>}]} {
    %eq3A = arith.constant 0 : i32
    %eq3A_0 = arith.cmpi eq, %arg0, %eq3A : i32
    %convert_element_type3A = arith.extui %eq3A_0 : i1 to i32
    %cond3A = arith.constant 0 : i32
    %cond3A_1 = arith.cmpi ne, %convert_element_type3A, %cond3A : i32
    scf.if %cond3A_1 {
      %get3A_13 = arith.constant 0 : index
      %get3A_14 = arith.constant 0 : index
      %get3A_15 = vector.load %arg1[%get3A_13, %get3A_14] : memref<1x128xf32, #tpu.memory_space<vmem>>, vector<1x128xf32>
      %get3A_16 = arith.constant 0 : index
      %get3A_17 = arith.constant 0 : index
      %get3A_18 = vector.load %arg2[%get3A_16, %get3A_17] : memref<128x2048xf32, #tpu.memory_space<vmem>>, vector<128x2048xf32>
      %dot_general3A = arith.constant dense<0.000000e+00> : vector<1x2048xf32>
      %dot_general3A_19 = tpu.matmul %get3A_15, %get3A_18, %dot_general3A {dimension_numbers = #tpu.dot_dimension_numbers<[1], [0], [0], [1], [0, 0, 1, 1], [], []>, precision = #tpu.contract_precision<fp32>, transpose_lhs_hint = false} : vector<1x128xf32>, vector<128x2048xf32>, vector<1x2048xf32> -> vector<1x2048xf32>
      %get3A_20 = arith.constant 0 : index
      %get3A_21 = arith.constant 0 : index
      %get3A_22 = vector.load %arg3[%get3A_20, %get3A_21] : memref<1x2048xf32, #tpu.memory_space<vmem>>, vector<1x2048xf32>
      %add3A = arith.addf %dot_general3A_19, %get3A_22 : vector<1x2048xf32>
      %reshape3A = vector.shape_cast %add3A : vector<1x2048xf32> to vector<16x128xf32>
      %swap3A_23 = arith.constant 0 : index
      %swap3A_24 = arith.constant 0 : index
      %swap3A_25 = vector.load %arg6[%swap3A_23, %swap3A_24] : memref<16x128xf32, #tpu.memory_space<vmem>>, vector<16x128xf32>
      tpu.vector_store %arg6[%swap3A_23, %swap3A_24], %reshape3A {strides = array<i32>} : memref<16x128xf32, #tpu.memory_space<vmem>>, vector<16x128xf32>,
    } else {
    }
    %get3A = arith.constant 0 : index
    %get3A_2 = arith.constant 0 : index
    %get3A_3 = vector.load %arg6[%get3A, %get3A_2] : memref<16x128xf32, #tpu.memory_space<vmem>>, vector<16x128xf32>
    %get3A_4 = arith.constant 0 : index
    %get3A_5 = arith.constant 0 : index
    %get3A_6 = vector.load %arg4[%get3A_4, %get3A_5] : memref<400x128xf32, #tpu.memory_space<vmem>>, vector<400x128xf32>
    %broadcast_in_dim3A = vector.shape_cast %get3A_3 : vector<16x128xf32> to vector<16x1x128xf32>
    %broadcast_in_dim3A_7 = vector.shape_cast %get3A_6 : vector<400x128xf32> to vector<1x400x128xf32>
    %mul3A = vector.broadcast %broadcast_in_dim3A : vector<16x1x128xf32> to vector<16x400x128xf32>
    %mul3A_8 = vector.broadcast %broadcast_in_dim3A_7 : vector<1x400x128xf32> to vector<16x400x128xf32>
    %mul3A_9 = arith.mulf %mul3A, %mul3A_8 : vector<16x400x128xf32>
    %swap3A = arith.constant 0 : index
    %swap3A_10 = arith.constant 0 : index
    %swap3A_11 = arith.constant 0 : index
    %swap3A_12 = vector.load %arg5[%swap3A, %swap3A_10, %swap3A_11] : memref<16x400x128xf32, #tpu.memory_space<vmem>>, vector<16x400x128xf32>
    tpu.vector_store %arg5[%swap3A, %swap3A_10, %swap3A_11], %mul3A_9 {strides = array<i32>} : memref<16x400x128xf32, #tpu.memory_space<vmem>>, vector<16x400x128xf32>,
    return
  }
  func.func @transform_0(%arg0: i32) -> (i32, i32) {
    %c0_i32 = arith.constant 0 : i32
    %c0_i32_0 = arith.constant 0 : i32
    %c0_i32_1 = arith.constant 0 : i32
    return %c0_i32, %c0_i32_0 : i32, i32
  }
  func.func @transform_1(%arg0: i32) -> (i32, i32) {
    %c0_i32 = arith.constant 0 : i32
    %c0_i32_0 = arith.constant 0 : i32
    %c0_i32_1 = arith.constant 0 : i32
    return %c0_i32, %c0_i32_0 : i32, i32
  }
  func.func @transform_2(%arg0: i32) -> (i32, i32) {
    %c0_i32 = arith.constant 0 : i32
    %c0_i32_0 = arith.constant 0 : i32
    %c0_i32_1 = arith.constant 0 : i32
    return %c0_i32, %c0_i32_0 : i32, i32
  }
  func.func @transform_3(%arg0: i32) -> (i32, i32) {
    %c0_i32 = arith.constant 0 : i32
    %c0_i32_0 = arith.constant 0 : i32
    return %arg0, %c0_i32 : i32, i32
  }
  func.func @transform_4(%arg0: i32) -> (i32, i32, i32) {
    %c0_i32 = arith.constant 0 : i32
    %c0_i32_0 = arith.constant 0 : i32
    %c0_i32_1 = arith.constant 0 : i32
    return %c0_i32, %arg0, %c0_i32_0 : i32, i32, i32
  }
}

module attributes {stable_mosaic.version = 14 : i64} {
  func.func @_epi_body(%arg0: i32, %arg1: memref<2x2000x128xf32, #tpu.memory_space<vmem>>, %arg2: memref<2000x128xf32, #tpu.memory_space<vmem>>, %arg3: memref<1x128xf32, #tpu.memory_space<vmem>>, %arg4: memref<128x128xf32, #tpu.memory_space<vmem>>, %arg5: memref<1x128xf32, #tpu.memory_space<vmem>>, %arg6: memref<128x128xf32, #tpu.memory_space<vmem>>, %arg7: memref<1x128xf32, #tpu.memory_space<vmem>>, %arg8: memref<1x128xf32, #tpu.memory_space<vmem>>, %arg9: memref<1x128xf32, #tpu.memory_space<vmem>>, %arg10: memref<2000x128xf32, #tpu.memory_space<vmem>>) attributes {dimension_semantics = [#tpu.dimension_semantics<arbitrary>], iteration_bounds = array<i64: 5>, scalar_prefetch = 0 : i64, scratch_operands = 0 : i64, tpu.core_type = #tpu.core_type<tc>, window_params = [{transform_indices = @transform_0, window_bounds = array<i64: 2, 2000, 128>}, {transform_indices = @transform_1, window_bounds = array<i64: 2000, 128>}, {pipeline_mode = #tpu.pipeline_mode<synchronous>, transform_indices = @transform_2, window_bounds = array<i64: 1, 128>}, {pipeline_mode = #tpu.pipeline_mode<synchronous>, transform_indices = @transform_3, window_bounds = array<i64: 128, 128>}, {pipeline_mode = #tpu.pipeline_mode<synchronous>, transform_indices = @transform_4, window_bounds = array<i64: 1, 128>}, {pipeline_mode = #tpu.pipeline_mode<synchronous>, transform_indices = @transform_5, window_bounds = array<i64: 128, 128>}, {pipeline_mode = #tpu.pipeline_mode<synchronous>, transform_indices = @transform_6, window_bounds = array<i64: 1, 128>}, {pipeline_mode = #tpu.pipeline_mode<synchronous>, transform_indices = @transform_7, window_bounds = array<i64: 1, 128>}, {pipeline_mode = #tpu.pipeline_mode<synchronous>, transform_indices = @transform_8, window_bounds = array<i64: 1, 128>}, {transform_indices = @transform_9, window_bounds = array<i64: 2000, 128>}]} {
    %get3A = arith.constant 0 : index
    %get3A_0 = arith.constant 0 : index
    %get3A_1 = vector.load %arg2[%get3A, %get3A_0] : memref<2000x128xf32, #tpu.memory_space<vmem>>, vector<2000x128xf32>
    %get3A_2 = arith.constant 0 : index
    %get3A_3 = arith.constant 0 : index
    %get3A_4 = arith.constant 0 : index
    %get3A_5 = vector.load %arg1[%get3A_2, %get3A_3, %get3A_4] : memref<2x2000x128xf32, #tpu.memory_space<vmem>>, vector<1x2000x128xf32>
    %get3A_6 = vector.shape_cast %get3A_5 : vector<1x2000x128xf32> to vector<2000x128xf32>
    %get3A_7 = arith.constant 1 : index
    %get3A_8 = arith.constant 0 : index
    %get3A_9 = arith.constant 0 : index
    %get3A_10 = vector.load %arg1[%get3A_7, %get3A_8, %get3A_9] : memref<2x2000x128xf32, #tpu.memory_space<vmem>>, vector<1x2000x128xf32>
    %get3A_11 = vector.shape_cast %get3A_10 : vector<1x2000x128xf32> to vector<2000x128xf32>
    %add3A = arith.addf %get3A_6, %get3A_11 : vector<2000x128xf32>
    %get3A_12 = arith.constant 0 : index
    %get3A_13 = arith.constant 0 : index
    %get3A_14 = vector.load %arg3[%get3A_12, %get3A_13] : memref<1x128xf32, #tpu.memory_space<vmem>>, vector<1x128xf32>
    %mul3A = vector.broadcast %get3A_14 : vector<1x128xf32> to vector<2000x128xf32>
    %mul3A_15 = arith.mulf %mul3A, %get3A_1 : vector<2000x128xf32>
    %add3A_16 = arith.addf %add3A, %mul3A_15 : vector<2000x128xf32>
    %get3A_17 = arith.constant 0 : index
    %get3A_18 = arith.constant 0 : index
    %get3A_19 = vector.load %arg4[%get3A_17, %get3A_18] : memref<128x128xf32, #tpu.memory_space<vmem>>, vector<128x128xf32>
    %dot_general3A = arith.constant dense<0.000000e+00> : vector<2000x128xf32>
    %dot_general3A_20 = tpu.matmul %add3A_16, %get3A_19, %dot_general3A {dimension_numbers = #tpu.dot_dimension_numbers<[1], [0], [0], [1], [0, 0, 1, 1], [], []>, transpose_lhs_hint = false} : vector<2000x128xf32>, vector<128x128xf32>, vector<2000x128xf32> -> vector<2000x128xf32>
    %get3A_21 = arith.constant 0 : index
    %get3A_22 = arith.constant 0 : index
    %get3A_23 = vector.load %arg5[%get3A_21, %get3A_22] : memref<1x128xf32, #tpu.memory_space<vmem>>, vector<1x128xf32>
    %add3A_24 = vector.broadcast %get3A_23 : vector<1x128xf32> to vector<2000x128xf32>
    %add3A_25 = arith.addf %dot_general3A_20, %add3A_24 : vector<2000x128xf32>
    %max3A = arith.constant 0.000000e+00 : f32
    %max3A_26 = vector.broadcast %max3A : f32 to vector<2000x128xf32>
    %max3A_27 = arith.maximumf %add3A_25, %max3A_26 : vector<2000x128xf32>
    %get3A_28 = arith.constant 0 : index
    %get3A_29 = arith.constant 0 : index
    %get3A_30 = vector.load %arg6[%get3A_28, %get3A_29] : memref<128x128xf32, #tpu.memory_space<vmem>>, vector<128x128xf32>
    %dot_general3A_31 = arith.constant dense<0.000000e+00> : vector<2000x128xf32>
    %dot_general3A_32 = tpu.matmul %max3A_27, %get3A_30, %dot_general3A_31 {dimension_numbers = #tpu.dot_dimension_numbers<[1], [0], [0], [1], [0, 0, 1, 1], [], []>, transpose_lhs_hint = false} : vector<2000x128xf32>, vector<128x128xf32>, vector<2000x128xf32> -> vector<2000x128xf32>
    %get3A_33 = arith.constant 0 : index
    %get3A_34 = arith.constant 0 : index
    %get3A_35 = vector.load %arg7[%get3A_33, %get3A_34] : memref<1x128xf32, #tpu.memory_space<vmem>>, vector<1x128xf32>
    %add3A_36 = vector.broadcast %get3A_35 : vector<1x128xf32> to vector<2000x128xf32>
    %add3A_37 = arith.addf %dot_general3A_32, %add3A_36 : vector<2000x128xf32>
    %reduce_sum3A = arith.constant dense<0.000000e+00> : vector<2000xf32>
    %reduce_sum3A_38 = vector.multi_reduction <add>, %add3A_37, %reduce_sum3A [1] : vector<2000x128xf32> to vector<2000xf32>
    %broadcast_in_dim3A = vector.shape_cast %reduce_sum3A_38 : vector<2000xf32> to vector<2000x1xf32>
    %div3A = arith.constant 1.280000e+02 : f32
    %div3A_39 = vector.broadcast %div3A : f32 to vector<2000x1xf32>
    %div3A_40 = arith.divf %broadcast_in_dim3A, %div3A_39 : vector<2000x1xf32>
    %sub3A = vector.broadcast %div3A_40 : vector<2000x1xf32> to vector<2000x128xf32>
    %sub3A_41 = arith.subf %add3A_37, %sub3A : vector<2000x128xf32>
    %integer_pow3A = arith.mulf %sub3A_41, %sub3A_41 : vector<2000x128xf32>
    %reduce_sum3A_42 = arith.constant dense<0.000000e+00> : vector<2000xf32>
    %reduce_sum3A_43 = vector.multi_reduction <add>, %integer_pow3A, %reduce_sum3A_42 [1] : vector<2000x128xf32> to vector<2000xf32>
    %broadcast_in_dim3A_44 = vector.shape_cast %reduce_sum3A_43 : vector<2000xf32> to vector<2000x1xf32>
    %div3A_45 = arith.constant 1.280000e+02 : f32
    %div3A_46 = vector.broadcast %div3A_45 : f32 to vector<2000x1xf32>
    %div3A_47 = arith.divf %broadcast_in_dim3A_44, %div3A_46 : vector<2000x1xf32>
    %sub3A_48 = vector.broadcast %div3A_40 : vector<2000x1xf32> to vector<2000x128xf32>
    %sub3A_49 = arith.subf %add3A_37, %sub3A_48 : vector<2000x128xf32>
    %add3A_50 = arith.constant 9.99999974E-6 : f32
    %add3A_51 = vector.broadcast %add3A_50 : f32 to vector<2000x1xf32>
    %add3A_52 = arith.addf %div3A_47, %add3A_51 : vector<2000x1xf32>
    %rsqrt3A = math.rsqrt %add3A_52 : vector<2000x1xf32>
    %mul3A_53 = vector.broadcast %rsqrt3A : vector<2000x1xf32> to vector<2000x128xf32>
    %mul3A_54 = arith.mulf %sub3A_49, %mul3A_53 : vector<2000x128xf32>
    %get3A_55 = arith.constant 0 : index
    %get3A_56 = arith.constant 0 : index
    %get3A_57 = vector.load %arg8[%get3A_55, %get3A_56] : memref<1x128xf32, #tpu.memory_space<vmem>>, vector<1x128xf32>
    %mul3A_58 = vector.broadcast %get3A_57 : vector<1x128xf32> to vector<2000x128xf32>
    %mul3A_59 = arith.mulf %mul3A_54, %mul3A_58 : vector<2000x128xf32>
    %get3A_60 = arith.constant 0 : index
    %get3A_61 = arith.constant 0 : index
    %get3A_62 = vector.load %arg9[%get3A_60, %get3A_61] : memref<1x128xf32, #tpu.memory_space<vmem>>, vector<1x128xf32>
    %add3A_63 = vector.broadcast %get3A_62 : vector<1x128xf32> to vector<2000x128xf32>
    %add3A_64 = arith.addf %mul3A_59, %add3A_63 : vector<2000x128xf32>
    %add3A_65 = arith.addf %add3A_64, %get3A_1 : vector<2000x128xf32>
    %swap3A = arith.constant 0 : index
    %swap3A_66 = arith.constant 0 : index
    %swap3A_67 = vector.load %arg10[%swap3A, %swap3A_66] : memref<2000x128xf32, #tpu.memory_space<vmem>>, vector<2000x128xf32>
    tpu.vector_store %arg10[%swap3A, %swap3A_66], %add3A_65 {strides = array<i32>} : memref<2000x128xf32, #tpu.memory_space<vmem>>, vector<2000x128xf32>,
    return
  }
  func.func @transform_0(%arg0: i32) -> (i32, i32, i32) {
    %c0_i32 = arith.constant 0 : i32
    %c0_i32_0 = arith.constant 0 : i32
    %c0_i32_1 = arith.constant 0 : i32
    return %c0_i32, %arg0, %c0_i32_0 : i32, i32, i32
  }
  func.func @transform_1(%arg0: i32) -> (i32, i32) {
    %c0_i32 = arith.constant 0 : i32
    %c0_i32_0 = arith.constant 0 : i32
    return %arg0, %c0_i32 : i32, i32
  }
  func.func @transform_2(%arg0: i32) -> (i32, i32) {
    %c0_i32 = arith.constant 0 : i32
    %c0_i32_0 = arith.constant 0 : i32
    %c0_i32_1 = arith.constant 0 : i32
    return %c0_i32, %c0_i32_0 : i32, i32
  }
  func.func @transform_3(%arg0: i32) -> (i32, i32) {
    %c0_i32 = arith.constant 0 : i32
    %c0_i32_0 = arith.constant 0 : i32
    %c0_i32_1 = arith.constant 0 : i32
    return %c0_i32, %c0_i32_0 : i32, i32
  }
  func.func @transform_4(%arg0: i32) -> (i32, i32) {
    %c0_i32 = arith.constant 0 : i32
    %c0_i32_0 = arith.constant 0 : i32
    %c0_i32_1 = arith.constant 0 : i32
    return %c0_i32, %c0_i32_0 : i32, i32
  }
  func.func @transform_5(%arg0: i32) -> (i32, i32) {
    %c0_i32 = arith.constant 0 : i32
    %c0_i32_0 = arith.constant 0 : i32
    %c0_i32_1 = arith.constant 0 : i32
    return %c0_i32, %c0_i32_0 : i32, i32
  }
  func.func @transform_6(%arg0: i32) -> (i32, i32) {
    %c0_i32 = arith.constant 0 : i32
    %c0_i32_0 = arith.constant 0 : i32
    %c0_i32_1 = arith.constant 0 : i32
    return %c0_i32, %c0_i32_0 : i32, i32
  }
  func.func @transform_7(%arg0: i32) -> (i32, i32) {
    %c0_i32 = arith.constant 0 : i32
    %c0_i32_0 = arith.constant 0 : i32
    %c0_i32_1 = arith.constant 0 : i32
    return %c0_i32, %c0_i32_0 : i32, i32
  }
  func.func @transform_8(%arg0: i32) -> (i32, i32) {
    %c0_i32 = arith.constant 0 : i32
    %c0_i32_0 = arith.constant 0 : i32
    %c0_i32_1 = arith.constant 0 : i32
    return %c0_i32, %c0_i32_0 : i32, i32
  }
  func.func @transform_9(%arg0: i32) -> (i32, i32) {
    %c0_i32 = arith.constant 0 : i32
    %c0_i32_0 = arith.constant 0 : i32
    return %arg0, %c0_i32 : i32, i32
  }
}

</mosaic_0001>

<sc_bundles>
// kernel: kernel.5.cloned.1.call-start
scs
__scs_entry_jumppad:
0x0: {  	(pc) =	sbr.rel $0x88, $3  }
0x1: {  	(tag) =	ssettag $0x0;
	lr =	simm.s32 $0x1  }
0x2: {  	[smem:$0x3F95] =	sst lr;
	_ =	strace $0xD0000000  }
0x3: {  	_ = 	snop  }
0x4: {  	_ = 	snop  }
0x5: {  	_ = 	snop  }
0x6: {  	_ = 	snop  }
0x7: {  	_ = 	snop  }
__scs_overlays_trampoline_lowered:
0x8: {  	[smem:$0x3FA4] =	sst s0  }
0x9: {  	[smem:$0x3FA5] =	sst s1  }
0xa: {  	[smem:$0x3FA6] =	sst s2  }
0xb: {  	[smem:$0x3FA7] =	sst s3  }
0xc: {  	[smem:$0x3FA8] =	sst s4  }
0xd: {  	[smem:$0x3FA9] =	sst s5  }
0xe: {  	[smem:$0x3FAA] =	sst s6  }
0xf: {  	[smem:$0x3FAB] =	sst s7  }
0x10: {  	[smem:$0x3FAC] =	sst s8  }
0x11: {  	[smem:$0x3FAD] =	sst s9;
	s0 =	simm.s32 @!p0 $0x0  }
0x12: {  	s1 =	sld [smem:$0x3F93];
	s0 =	simm.s32 @p0 $0x1  }
0x13: {  	[smem:$0x3FAE] =	sst s0;
	s0 =	simm.s32 @!p1 $0x0  }
0x14: {  	s2 =	sld [smem:$0x3F92];
	s0 =	simm.s32 @p1 $0x1  }
0x15: {  	[smem:$0x3FAF] =	sst s0;
	s0 =	simm.s32 @!p2 $0x0  }
0x16: {  	s3 =	sld [smem:$0x3FDB];
	s0 =	simm.s32 @p2 $0x1  }
0x17: {  	s4 =	simm.s32 $0x1BF5;
	[smem:$0x3FB1] =	sst s0  }
0x18: {  	s0 =	sld [smem:$0x3F94];
	_ =	swait.ge [sflag:s4], $0x0  }
0x19: {  	s7 =	sld [smem:$0x3F95]  }
0x1a: {  	s8 =	sadd.s32 $0xFFFFE003, lr  }
0x1b: {  	s9 =	sadd.s32 $0xFFFFFEF7, lr;
	s5 =	simm.s32 $0xFFFFFFFF;
	p2 =	slt.u32 s8, $0xFFFFF086  }
0x1c: {  	p1 =	slt.u32 s9, $0xF7A;
	s5 =	simm.s32 @!p2 $0x0  }
0x1d: {  	s5 =	simm.s32 @p1 $0x1;
	p0 =	seq.s32 s7, s2  }
0x1e: {  	s7 =	smul.u32 @!p0 $0xF7A, s2;
	p2 =	seq.s32 @!p0 s5, $0x0  }
0x1f: {  	s9 =	smul.u32 $0xF7A, s1;
	s8 =	simm.s32 @!p0 $0x1BF5;
	p2 =	por !p2, p0  }
0x20: {  	[sflag:s8] =	ssyncset.s32 @!p0 $0xFFFFF086;
	s6 =	sadd.s32 @!p0 s3, s7;
	s7 =	simm.s32 @!p0 $0x108  }
0x21: {  	s3 =	sadd.s32 s3, s9;
	s6 =	sadd.s32 @!p0 $0x88, s6;
	s7 =	simm.s32 @p2 $0x1082  }
0x22: {  	[simem:s7], [sflag:s8] =	dma.local @!p0 [hbm:s6], $0xF7A  }
0x23: {  	s9 =	sor.u32 $0xD0000000, s2;
	s6 =	simm.s32 $0x108;
	_ =	swait.ge @!p0 [sflag:s8], $0x0  }
0x24: {  	s3 =	sadd.s32 $0x88, s3;
	s6 =	simm.s32 @!p1 $0x1082;
	[sflag:s4] =	ssyncset.s32 $0xFFFFF086  }
0x25: {  	[simem:s6], [sflag:s4] =	dma.local [hbm:s3], $0xF7A  }
0x26: {  	[smem:$0x3F95] =	sst s1;
	(tag) =	ssettag s2;
	_ =	strace s9  }
0x27: {  	s1 =	sld [smem:$0x3FA5]  }
0x28: {  	s2 =	sld [smem:$0x3FA6]  }
0x29: {  	s4 =	sld [smem:$0x3FA8]  }
0x2a: {  	p0 =	seq.s32 s5, $0x0;
	s5 =	sld [smem:$0x3FA9]  }
0x2b: {  	s6 =	sld [smem:$0x3FAA]  }
0x2c: {  	s7 =	sld [smem:$0x3FAB]  }
0x2d: {  	s3 =	simm.s32 $0x108;
	s8 =	sld [smem:$0x3FAC]  }
0x2e: {  	s3 =	simm.s32 @!p0 $0x1082;
	s9 =	sld [smem:$0x3FAD]  }
0x2f: {  	lr =	sadd.s32 s0, s3;
	s0 =	sld [smem:$0x3FA4]  }
0x30: {  	s3 =	sld [smem:$0x3FA7]  }
0x31: {  	[smem:$0x3FB0] =	sst s10  }
0x32: {  	s10 =	sld [smem:$0x3FAE];
	_ =	sdelay $0x3  }
0x33: {  	p0 =	seq.s32 s10, $0x1;
	s10 =	sld [smem:$0x3FB0];
	_ =	sdelay $0x3  }
0x34: {  	[smem:$0x3FB0] =	sst s10  }
0x35: {  	s10 =	sld [smem:$0x3FAF];
	_ =	sdelay $0x3  }
0x36: {  	p1 =	seq.s32 s10, $0x1;
	s10 =	sld [smem:$0x3FB0];
	_ =	sdelay $0x3  }
0x37: {  	[smem:$0x3FB0] =	sst s10  }
0x38: {  	s10 =	sld [smem:$0x3FB1]  }
0x39: {  	_ = 	snop;
	(pc) =	sbr.ind lr, $3  }
0x3a: {  	_ = 	snop  }
0x3b: {  	_ = 	snop  }
0x3c: {  	p2 =	seq.s32 s10, $0x1;
	s10 =	sld [smem:$0x3FB0]  }
0x3d: {  	_ =	shalt  }
0x3e: {  	_ =	shalt  }
0x3f: {  	_ =	shalt  }
0x40: {  	_ =	shalt  }
0x41: {  	_ =	shalt  }
0x42: {  	_ =	shalt  }
0x43: {  	_ =	shalt  }
0x44: {  	_ =	shalt  }
0x45: {  	_ =	shalt  }
0x46: {  	_ =	shalt  }
0x47: {  	_ =	shalt  }
0x48: {  	_ =	shalt  }
0x49: {  	_ =	shalt  }
0x4a: {  	_ =	shalt  }
0x4b: {  	_ =	shalt  }
0x4c: {  	_ =	shalt  }
0x4d: {  	_ =	shalt  }
0x4e: {  	_ =	shalt  }
0x4f: {  	_ =	shalt  }
0x50: {  	_ =	shalt  }
0x51: {  	_ =	shalt  }
0x52: {  	_ =	shalt  }
0x53: {  	_ =	shalt  }
0x54: {  	_ =	shalt  }
0x55: {  	_ =	shalt  }
0x56: {  	_ =	shalt  }
0x57: {  	_ =	shalt  }
0x58: {  	_ =	shalt  }
0x59: {  	_ =	shalt  }
0x5a: {  	_ =	shalt  }
0x5b: {  	_ =	shalt  }
0x5c: {  	_ =	shalt  }
0x5d: {  	_ =	shalt  }
0x5e: {  	_ =	shalt  }
0x5f: {  	_ =	shalt  }
0x60: {  	_ =	shalt  }
0x61: {  	_ =	shalt  }
0x62: {  	_ =	shalt  }
0x63: {  	_ =	shalt  }
0x64: {  	_ =	shalt  }
0x65: {  	_ =	shalt  }
0x66: {  	_ =	shalt  }
0x67: {  	_ =	shalt  }
0x68: {  	_ =	shalt  }
0x69: {  	_ =	shalt  }
0x6a: {  	_ =	shalt  }
0x6b: {  	_ =	shalt  }
0x6c: {  	_ =	shalt  }
0x6d: {  	_ =	shalt  }
0x6e: {  	_ =	shalt  }
0x6f: {  	_ =	shalt  }
0x70: {  	_ =	shalt  }
0x71: {  	_ =	shalt  }
0x72: {  	_ =	shalt  }
0x73: {  	_ =	shalt  }
0x74: {  	_ =	shalt  }
0x75: {  	_ =	shalt  }
0x76: {  	_ =	shalt  }
0x77: {  	_ =	shalt  }
0x78: {  	_ =	shalt  }
0x79: {  	_ =	shalt  }
0x7a: {  	_ =	shalt  }
0x7b: {  	_ =	shalt  }
0x7c: {  	_ =	shalt  }
0x7d: {  	_ =	shalt  }
0x7e: {  	_ =	shalt  }
0x7f: {  	_ =	shalt  }
0x80: {  	_ =	shalt  }
0x81: {  	_ =	shalt  }
0x82: {  	_ =	shalt  }
0x83: {  	_ =	shalt  }
0x84: {  	_ =	shalt  }
0x85: {  	_ =	shalt  }
0x86: {  	_ =	shalt  }
0x87: {  	_ =	shalt  }
.Lfunc_end0:
.L_simem_size_0:
called_computation_lowered:
.L_overlay_start_0:
0x88: {  	s2 =	sld [smem:$0x3FD9]  }
0x89: {  	s3 =	sld [smem:$0x3FFE];
	_ =	sdelay $0x1  }
0x8a: {  	s1 =	srdreg.scid  }
0x8b: {  	s0 =	sand.u32 $0x1, s1  }
0x8c: {  	s17 =	sshll.u32 s0, $0xA;
	s2 =	sadd.s32 s3, s2  }
0x8d: {  	s2 =	sadd.s32 s2, s17  }
0x8e: {  	[smem:$0x3FBC] =	sst s2  }
0x8f: {  	_ = 	snop  }
0x90: {  	s2 =	sld [smem:$0x3FD0];
	(tm) =	ssettm $0x1  }
0x91: {  	s18 =	sld [smem:$0x3FFB];
	_ =	sdelay $0x3  }
0x92: {  	_ =	strace s18  }
0x93: {  	s3 =	sld [smem:$0x3FFC];
	_ =	sdelay $0x3  }
0x94: {  	_ =	strace s3  }
0x95: {  	s3 =	sld [smem:$0x3FFD];
	_ =	sdelay $0x3  }
0x96: {  	_ =	strace s3  }
0x97: {  	_ =	strace $0x8FFFFFFF  }
0x98: {  	s19 =	sld [smem:$0x3FDB];
	_ =	sdelay $0x1  }
0x99: {  	s4 =	simm.s32 $_scs_section_size  }
0x9a: {  	s5 =	simm.s32 $_size__tile_overlayer_lowered;
	s6 =	simm.s32 $_tile_overlayer_lowered  }
0x9b: {  	s22 =	simm.s32 $0x1BFF;
	s21 =	sshll.u32 s6, $0x1;
	s3 =	sadd.s32 s4, s19  }
0x9c: {  	s7 =	simm.s32 $0x0;
	s20 =	sshll.u32 s5, $0x1;
	s5 =	sadd.s32 s21, s3  }
0x9d: {  	[timem:s7], [sflag:s22] =	dma.local [hbm:s5], s20  }
0x9e: {  	_ =	swait.ge [sflag:s22], s20  }
0x9f: {  	s4 =	ssub.s32 $0x0, s20;
	[sflag:s22] =	ssyncset.done $0x0  }
0xa0: {  	[sflag:s22] =	ssyncadd.s32 s4;
	_ =	sdelay $0x1  }
0xa1: {  	s23 =	simm.s32 $0x1B8B  }
0xa2: {  	_ =	swait.ge [sflag:s23], $0x1  }
0xa3: {  	[sflag:s23] =	ssyncset.done $0x0  }
0xa4: {  	s25 =	simm.s32 $0x1B8E;
	s24 =	sld [smem:$0x3FFE];
	[sflag:s23] =	ssyncadd.s32 $0xFFFFFFFF  }
0xa5: {  	s26 =	simm.s32 $execute0_lowered;
	[smem:$0x3FD2] =	sst s25  }
0xa6: {  	s5 =	sshll.u32 s26, $0x1;
	_ =	strace $0x80000046;
	[dreg:$0x1] =	wrdreg $0xFFFFFFFF  }
0xa7: {  	s28 =	simm.s32 $_size_execute0_lowered;
	s3 =	sadd.s32 s3, s5;
	[dreg:$0x0] =	wrdreg $0x0  }
0xa8: {  	s5 =	sshll.u32 s28, $0x1;
	[dreg:$0x2] =	wrdreg s3  }
0xa9: {  	[dreg:$0x3] =	wrdreg s5  }
0xaa: {  	[dreg:$0x4] =	wrdreg $0xC0  }
0xab: {  	_ =	task [dreg:s7], $0x5FFFF  }
0xac: {  	[dreg:$0x1] =	wrdreg $0xFFFFFFFF  }
0xad: {  	[dreg:$0x0] =	wrdreg $0x60  }
0xae: {  	[dreg:$0x2] =	wrdreg s24  }
0xaf: {  	[dreg:$0x3] =	wrdreg s2  }
0xb0: {  	[dreg:$0x4] =	wrdreg $0xA8000  }
0xb1: {  	[dreg:$0x5] =	wrdreg $0x9  }
0xb2: {  	_ =	task.clear_ibuf [dreg:s7], $0x6FFFF;
	_ =	strace $0x90000046  }
0xb3: {  	s29 =	simm.s32 $0x9;
	_ =	strace $0x80000048  }
0xb4: {  	_ =	swait.ge [sflag:s29], $0x1  }
0xb5: {  	[sflag:s29] =	ssyncadd.s32 $0xFFFFFFFF  }
0xb6: {  	_ =	strace $0x90000048  }
0xb7: {  	_ =	sfence  }
0xb8: {  	s30 =	sld [smem:$0x0];
	_ =	sdelay $0x2  }
0xb9: {  	s31 =	sshll.u32 s1, $0xD;
	s1 =	sshrl.u32 s1, $0x2  }
0xba: {  	s3 =	sand.u32 $0x4000, s31;
	s1 =	sadd.s32 s1, s30  }
0xbb: {  	s0 =	sor.u32 s3, s0;
	s1 =	sshll.u32 s1, $0x11  }
0xbc: {  	s0 =	sor.u32 s1, s0  }
0xbd: {  	s0 =	sadd.s32 $0x8F2B, s0  }
0xbe: {  	[sflag:s0] =	ssyncadd.remote.s32 $0x1  }
0xbf: {  	_ =	sfence.sel $0xFFFF  }
0xc0: {  	[dreg:$0x0] =	wrdreg $0xFFFFFFFF;
	(pc) =	sbr.abs _section_cstart, $3  }
0xc1: {  	[dreg:$0x1] =	wrdreg $0xFFFFFFFF  }
0xc2: {  	_ =	task.clear_ibuf [dreg:s7], $0x2FFFF;
	_ =	strace $0x9FFFFFFF  }
0xc3: {  	(tm) =	ssettm $0x7FFFFFFF  }
tec
execute0_lowered:
.L_overlay_start_1:
0x0: {  	(tag) =	ssettag $0x1  }
0x1: {  	s0 =	srdreg.scid;
	s19 =	stileid.u32  }
0x2: {  	s10 =	sand.u32 $0x1, s0;
	s14 =	smul.u32 $0x2800, s19  }
0x3: {  	s13 =	sor.u32 $0x10, s19;
	s12 =	smul.u32 $0x138800, s10  }
0x4: {  	s18 =	sor.u32 $0x20, s19;
	s15 =	smul.u32 $0x2800, s13  }
0x5: {  	s2 =	rddreg [dreg:$0x0];
	s8 =	sor.u32 $0x30, s19;
	s16 =	smul.u32 $0x2800, s18  }
0x6: {  	s7 =	rddreg [dreg:$0x1];
	s6 =	sor.u32 $0x40, s19;
	s17 =	smul.u32 $0x2800, s8  }
0x7: {  	s1 =	simm.s32 $0x0;
	s5 =	sor.u32 $0x50, s19;
	s26 =	smul.u32 $0x2800, s6  }
0x8: {  	[smem:$0x7FF] =	sst s1;
	s20 =	smul.u32 $0x2800, s5  }
0x9: {  	s0 =	sshll.u32 s10, $0x4;
	s3 =	ssub.s32 $0x2, s10;
	s10 =	smul.u32 $0x27100, s10  }
0xa: {  	s6 =	smul.u32 $0xA000, s6;
	s0 =	sor.u32 s19, s0;
	s22 =	sshrl.u32 s3, $0x1  }
0xb: {  	s11 =	sadd.s32 $0x27C200, s2;
	s9 =	smul.u32 $0x2710, s0;
	s4 =	ssub.s32 s3, s22  }
0xc: {  	s3 =	sor.u32 $0x60, s19;
	s0 =	sor.u32 $0x70, s19;
	s14 =	sadd.s32 s12, s14  }
0xd: {  	s15 =	sadd.s32 s12, s15;
	s24 =	sadd.s32 s12, s16;
	s25 =	sadd.s32 s12, s17  }
0xe: {  	s21 =	sadd.s32 s12, s26;
	s26 =	smul.u32 $0x2710, s19;
	s6 =	sshrl.u32 s6, $0x2  }
0xf: {  	s14 =	sshrl.u32 s14, $0x3;
	s15 =	sshrl.u32 s15, $0x3;
	s22 =	smul.u32 $0x2800, s3  }
0x10: {  	s17 =	sshrl.u32 s25, $0x3;
	s4 =	smax.u32 s4, $0x1;
	s3 =	smul.u32 $0xA000, s3  }
0x11: {  	p0 =	sgt.u32 s0, $0x7C;
	s14 =	sadd.s32 s11, s14;
	s23 =	sadd.s32 s11, s15  }
0x12: {  	s15 =	sadd.s32 s12, s20;
	s20 =	sadd.s32 s26, s10;
	[dreg:$0x4] =	wrdreg s14  }
0x13: {  	[dreg:$0x5] =	wrdreg s23;
	s14 =	sshrl.u32 s24, $0x3;
	s23 =	smul.u32 $0x2800, s0  }
0x14: {  	s24 =	sshrl.u32 s15, $0x3;
	s25 =	sadd.s32 s12, s22;
	s10 =	sshrl.u32 s20, $0x3  }
0x15: {  	s22 =	sadd.s32 $0xFA0, s20;
	s16 =	sadd.s32 $0x1F40, s20;
	s0 =	smul.u32 $0xA000, s0  }
0x16: {  	s3 =	sshrl.u32 s3, $0x2;
	s14 =	sadd.s32 s11, s14;
	s10 =	sadd.s32 s10, s7  }
0x17: {  	s16 =	sshrl.u32 s16, $0x3;
	[dreg:$0x6] =	wrdreg s14;
	s14 =	sadd.s32 s11, s17  }
0x18: {  	s12 =	sadd.s32 s12, s23;
	s17 =	sshrl.u32 s25, $0x3;
	s23 =	sadd.s32 $0x1770, s20  }
0x19: {  	s16 =	sadd.s32 s16, s7;
	s25 =	smul.u32 $0xA000, s13;
	s0 =	sshrl.u32 s0, $0x2  }
0x1a: {  	[dreg:$0x7] =	wrdreg s14;
	s14 =	sshrl.u32 s21, $0x3;
	s12 =	sshrl.u32 s12, $0x3  }
0x1b: {  	s21 =	sadd.s32 $0x7D0, s20;
	s15 =	sshrl.u32 s23, $0x3;
	s23 =	smul.u32 $0xA000, s8  }
0x1c: {  	s8 =	simm.s32 $0x8000;
	s14 =	sadd.s32 s11, s14;
	s15 =	sadd.s32 s15, s7  }
0x1d: {  	[dreg:$0x8] =	wrdreg s14;
	s14 =	sadd.s32 s11, s24;
	s24 =	sshrl.u32 s9, $0x3  }
0x1e: {  	s9 =	smul.u32 $0xA000, s18;
	[dreg:$0x9] =	wrdreg s14;
	s14 =	sadd.s32 s11, s17  }
0x1f: {  	s11 =	sadd.s32 s11, s12;
	s12 =	sshrl.u32 s22, $0x3;
	[dreg:$0xa] =	wrdreg s14  }
0x20: {  	s17 =	sadd.s32 $0xB200, s2;
	s22 =	smul.u32 $0xA000, s19;
	[dreg:$0xb] =	wrdreg s11  }
0x21: {  	s11 =	sshrl.u32 s21, $0x3;
	s12 =	sadd.s32 s12, s7;
	s14 =	rddreg [dreg:$0x2]  }
0x22: {  	s11 =	sadd.s32 s11, s7;
	_ =	strace $0x80000047;
	s7 =	sadd.s32 s24, s2  }
0x23: {  	[dreg:$0x11] =	wrdreg s4;
	s24 =	sshrl.u32 s22, $0x2;
	s2 =	sshrl.u32 s25, $0x2  }
0x24: {  	s25 =	smul.u32 $0xA000, s5;
	s4 =	sshrl.u32 s23, $0x2;
	s29 =	sadd.s32 s6, s14  }
0x25: {  	s31 =	sadd.s32 s3, s14;
	s13 =	sadd.s32 s0, s14;
	s26 =	sadd.s32 $0x1400, s7  }
0x26: {  	s0 =	simm.s32 $0x3000;
	s18 =	sadd.s32 $0x14FA, s7;
	[dreg:$0xc] =	wrdreg s26  }
0x27: {  	s3 =	simm.s32 $0x7;
	s20 =	sadd.s32 $0x15F4, s7;
	[dreg:$0xd] =	wrdreg s18  }
0x28: {  	s6 =	simm.s32 $0x5800;
	s21 =	sadd.s32 $0x16EE, s7;
	[dreg:$0xe] =	wrdreg s20  }
0x29: {  	s22 =	simm.s32 $0x4;
	s7 =	sadd.s32 $0x17E8, s7;
	[dreg:$0xf] =	wrdreg s21  }
0x2a: {  	s23 =	simm.s32 $0x0;
	s2 =	sadd.s32 s2, s14;
	[dreg:$0x10] =	wrdreg s7  }
0x2b: {  	s28 =	sadd.s32 s4, s14;
	s7 =	sadd.s32 s24, s14;
	[dreg:$0x13] =	wrdreg s2  }
0x2c: {  	s26 =	sshrl.u32 s9, $0x2;
	s2 =	sshrl.u32 s25, $0x2;
	s9 =	simm.s32 $0x1  }
0x2d: {  	s18 =	simm.s32 $0x2;
	s20 =	simm.s32 $0x3;
	s21 =	simm.s32 $0x6  }
0x2e: {  	s25 =	simm.s32 $0x1000;
	[dreg:$0x12] =	wrdreg s7;
	s5 =	sadd.s32 s26, s14  }
0x2f: {  	s30 =	sadd.s32 s2, s14;
	s2 =	simm.s32 $0x8;
	s26 =	simm.s32 $0x800  }
0x30: {  	v0 =	vimm.f32 $0.0e+00;
	s7 =	simm.s32 $0x5;
	[dreg:$0x14] =	wrdreg s5;
	s5 =	simm.s32 $0x50  }
.LBB2_1:
0x31: {  	s4 =	rddreg [dreg:$0xc]  }
0x32: {  	[tilespmem:s1], [sflag:$0x7] =	stream.linear.gather [hbm4b:s4+s1], $0x7D0, $0x38;
	[tilespmem:$0x1E080] =	vst v63  }
0x33: {  	s24 =	sadd.s32 $0x0, s10  }
0x34: {  	[tilespmem:s25], [sflag:$0x7] =	stream.linear.gather [hbm4b:s24+s1], $0x50, $0x38;
	[tilespmem:$0x1E080] =	vst v63  }
0x35: {  	s19 =	simm.s32 $0xA;
	s24 =	simm.s32 $0x1000  }
.LBB2_2:
0x36: {  	p1 =	sne.s32 s19, $0xF0  }
.Ltmp0:
0x37: {  	_ = 	snop;
	(pc) =	sbr.rel @p1 .LBB2_2-.Ltmp0, $4  }
0x38: {  	_ = 	snop  }
0x39: {  	s4 =	sadd.s32 s19, s10;
	s24 =	sadd.s32 $0x80, s24  }
0x3a: {  	s25 =	simm.s32 $0x0;
	s19 =	sadd.s32 $0xA, s19  }
0x3b: {  	[tilespmem:s24], [sflag:$0x7] =	stream.linear.gather [hbm4b:s4+s25], $0x50, $0x38;
	[tilespmem:$0x1E080] =	vst v63  }
0x3c: {  	s19 =	simm.s32 $0x0;
	s24 =	simm.s32 $0x200  }
.LBB2_4:
0x3d: {  	p1 =	sne.s32 s24, $0x9E00;
	[tilespmem:s19+$0x3070] =	vst v0  }
0x3e: {  	[tilespmem:s19+$0x3000] =	vst v0  }
0x3f: {  	[tilespmem:s19+$0x3010] =	vst v0  }
.Ltmp1:
0x40: {  	[tilespmem:s19+$0x3020] =	vst v0;
	(pc) =	sbr.rel @p1 .LBB2_4-.Ltmp1, $4  }
0x41: {  	[tilespmem:s19+$0x3030] =	vst v0  }
0x42: {  	[tilespmem:s19+$0x3040] =	vst v0  }
0x43: {  	[tilespmem:s19+$0x3050] =	vst v0  }
0x44: {  	[tilespmem:s19+$0x3060] =	vst v0;
	s19 =	sshra.s32 s24, $0x2;
	s24 =	sadd.s32 $0x200, s24  }
0x45: {  	[tilespmem:s19+$0x3070] =	vst v0  }
0x46: {  	[tilespmem:s19+$0x3000] =	vst v0  }
0x47: {  	[tilespmem:s19+$0x3010] =	vst v0  }
0x48: {  	[tilespmem:s19+$0x3020] =	vst v0  }
0x49: {  	[tilespmem:s19+$0x3030] =	vst v0  }
0x4a: {  	[tilespmem:s19+$0x3040] =	vst v0  }
0x4b: {  	[tilespmem:s19+$0x3050] =	vst v0  }
0x4c: {  	[tilespmem:s19+$0x3060] =	vst v0;
	s4 =	rddreg [dreg:$0x12]  }
0x4d: {  	[spmem:s4] =	stream.linear.scatter [tilespmem:s0], [sflag:$0x8], $0x2800, $0x38;
	[tilespmem:$0x1E080] =	vst v63  }
0x4e: {  	_ =	swait.ge [sflag:s2], $0x2800  }
0x4f: {  	[sflag:s2] =	ssyncset.done $0x0  }
0x50: {  	s25 =	rddreg [dreg:$0x13];
	[sflag:s2] =	ssyncadd.s32 $0xFFFFD800  }
0x51: {  	[spmem:s25] =	stream.linear.scatter [tilespmem:s0], [sflag:$0x8], $0x2800, $0x38;
	[tilespmem:$0x1E080] =	vst v63  }
0x52: {  	_ =	swait.ge [sflag:s2], $0x2800  }
0x53: {  	[sflag:s2] =	ssyncset.done $0x0  }
0x54: {  	s19 =	rddreg [dreg:$0x14];
	[sflag:s2] =	ssyncadd.s32 $0xFFFFD800  }
0x55: {  	[spmem:s19] =	stream.linear.scatter [tilespmem:s0], [sflag:$0x8], $0x2800, $0x38;
	[tilespmem:$0x1E080] =	vst v63  }
0x56: {  	_ =	swait.ge [sflag:s2], $0x2800  }
0x57: {  	[sflag:s2] =	ssyncset.done $0x0  }
0x58: {  	[sflag:s2] =	ssyncadd.s32 $0xFFFFD800  }
0x59: {  	[spmem:s28] =	stream.linear.scatter [tilespmem:s0], [sflag:$0x8], $0x2800, $0x38;
	[tilespmem:$0x1E080] =	vst v63  }
0x5a: {  	_ =	swait.ge [sflag:s2], $0x2800  }
0x5b: {  	[sflag:s2] =	ssyncset.done $0x0  }
0x5c: {  	[sflag:s2] =	ssyncadd.s32 $0xFFFFD800  }
0x5d: {  	[spmem:s29] =	stream.linear.scatter [tilespmem:s0], [sflag:$0x8], $0x2800, $0x38;
	[tilespmem:$0x1E080] =	vst v63  }
0x5e: {  	_ =	swait.ge [sflag:s2], $0x2800  }
0x5f: {  	[sflag:s2] =	ssyncset.done $0x0  }
0x60: {  	[sflag:s2] =	ssyncadd.s32 $0xFFFFD800  }
0x61: {  	[spmem:s30] =	stream.linear.scatter [tilespmem:s0], [sflag:$0x8], $0x2800, $0x38;
	[tilespmem:$0x1E080] =	vst v63  }
0x62: {  	_ =	swait.ge [sflag:s2], $0x2800  }
0x63: {  	[sflag:s2] =	ssyncset.done $0x0  }
0x64: {  	[sflag:s2] =	ssyncadd.s32 $0xFFFFD800  }
0x65: {  	[spmem:s31] =	stream.linear.scatter [tilespmem:s0], [sflag:$0x8], $0x2800, $0x38;
	[tilespmem:$0x1E080] =	vst v63  }
0x66: {  	_ =	swait.ge [sflag:s2], $0x2800  }
0x67: {  	[sflag:s2] =	ssyncset.done $0x0  }
0x68: {  	s4 =	simm.s32 @!p0 $0x3000;
	[sflag:s2] =	ssyncadd.s32 $0xFFFFD800  }
0x69: {  	[spmem:s13] =	stream.linear.scatter @!p0 [tilespmem:s4], [sflag:$0x8], $0x2800, $0x38;
	[tilespmem:$0x1E080] =	vst v63  }
0x6a: {  	s4 =	simm.s32 @!p0 $0x8  }
0x6b: {  	_ =	swait.ge @!p0 [sflag:s4], $0x2800  }
0x6c: {  	[sflag:s4] =	ssyncset.done @!p0 $0x0  }
0x6d: {  	[sflag:s4] =	ssyncadd.s32 @!p0 $0xFFFFD800  }
0x6e: {  	[bflag:$0x0] =	sbarrier.arrive $0xFFFF  }
0x6f: {  	_ =	swait.ge [sflag:s3], $0x7D0  }
0x70: {  	[sflag:s3] =	ssyncset.done $0x0  }
0x71: {  	[sflag:s3] =	ssyncadd.s32 $0xFFFFF830  }
0x72: {  	_ =	swait.ge [sflag:s3], $0x50  }
0x73: {  	[sflag:s3] =	ssyncset.done $0x0  }
0x74: {  	[sflag:s3] =	ssyncadd.s32 $0xFFFFFFB0  }
0x75: {  	_ =	swait.ge [sflag:s3], $0x50  }
0x76: {  	[sflag:s3] =	ssyncset.done $0x0  }
0x77: {  	[sflag:s3] =	ssyncadd.s32 $0xFFFFFFB0  }
0x78: {  	_ =	swait.ge [sflag:s3], $0x50  }
0x79: {  	[sflag:s3] =	ssyncset.done $0x0  }
0x7a: {  	[sflag:s3] =	ssyncadd.s32 $0xFFFFFFB0  }
0x7b: {  	_ =	swait.ge [sflag:s3], $0x50  }
0x7c: {  	[sflag:s3] =	ssyncset.done $0x0  }
0x7d: {  	[sflag:s3] =	ssyncadd.s32 $0xFFFFFFB0  }
0x7e: {  	_ =	swait.ge [sflag:s3], $0x50  }
0x7f: {  	[sflag:s3] =	ssyncset.done $0x0  }
0x80: {  	[sflag:s3] =	ssyncadd.s32 $0xFFFFFFB0  }
0x81: {  	_ =	swait.ge [sflag:s3], $0x50  }
0x82: {  	[sflag:s3] =	ssyncset.done $0x0  }
0x83: {  	[sflag:s3] =	ssyncadd.s32 $0xFFFFFFB0  }
0x84: {  	_ =	swait.ge [sflag:s3], $0x50  }
0x85: {  	[sflag:s3] =	ssyncset.done $0x0  }
0x86: {  	[sflag:s3] =	ssyncadd.s32 $0xFFFFFFB0  }
0x87: {  	_ =	swait.ge [sflag:s3], $0x50  }
0x88: {  	[sflag:s3] =	ssyncset.done $0x0  }
0x89: {  	[sflag:s3] =	ssyncadd.s32 $0xFFFFFFB0  }
0x8a: {  	_ =	swait.ge [sflag:s3], $0x50  }
0x8b: {  	[sflag:s3] =	ssyncset.done $0x0  }
0x8c: {  	[sflag:s3] =	ssyncadd.s32 $0xFFFFFFB0  }
0x8d: {  	_ =	swait.ge [sflag:s3], $0x50  }
0x8e: {  	[sflag:s3] =	ssyncset.done $0x0  }
0x8f: {  	[sflag:s3] =	ssyncadd.s32 $0xFFFFFFB0  }
0x90: {  	_ =	swait.ge [sflag:s3], $0x50  }
0x91: {  	[sflag:s3] =	ssyncset.done $0x0  }
0x92: {  	[sflag:s3] =	ssyncadd.s32 $0xFFFFFFB0  }
0x93: {  	_ =	swait.ge [sflag:s3], $0x50  }
0x94: {  	[sflag:s3] =	ssyncset.done $0x0  }
0x95: {  	[sflag:s3] =	ssyncadd.s32 $0xFFFFFFB0  }
0x96: {  	_ =	swait.ge [sflag:s3], $0x50  }
0x97: {  	[sflag:s3] =	ssyncset.done $0x0  }
0x98: {  	[sflag:s3] =	ssyncadd.s32 $0xFFFFFFB0  }
0x99: {  	_ =	swait.ge [sflag:s3], $0x50  }
0x9a: {  	[sflag:s3] =	ssyncset.done $0x0  }
0x9b: {  	[sflag:s3] =	ssyncadd.s32 $0xFFFFFFB0  }
0x9c: {  	_ =	swait.ge [sflag:s3], $0x50  }
0x9d: {  	[sflag:s3] =	ssyncset.done $0x0  }
0x9e: {  	[sflag:s3] =	ssyncadd.s32 $0xFFFFFFB0  }
0x9f: {  	_ =	swait.ge [sflag:s3], $0x50  }
0xa0: {  	[sflag:s3] =	ssyncset.done $0x0  }
0xa1: {  	[sflag:s3] =	ssyncadd.s32 $0xFFFFFFB0  }
0xa2: {  	_ =	swait.ge [sflag:s3], $0x50  }
0xa3: {  	[sflag:s3] =	ssyncset.done $0x0  }
0xa4: {  	[sflag:s3] =	ssyncadd.s32 $0xFFFFFFB0  }
0xa5: {  	_ =	swait.ge [sflag:s3], $0x50  }
0xa6: {  	[sflag:s3] =	ssyncset.done $0x0  }
0xa7: {  	[sflag:s3] =	ssyncadd.s32 $0xFFFFFFB0  }
0xa8: {  	_ =	swait.ge [sflag:s3], $0x50  }
0xa9: {  	[sflag:s3] =	ssyncset.done $0x0  }
0xaa: {  	[sflag:s3] =	ssyncadd.s32 $0xFFFFFFB0  }
0xab: {  	_ =	swait.ge [sflag:s3], $0x50  }
0xac: {  	[sflag:s3] =	ssyncset.done $0x0  }
0xad: {  	[sflag:s3] =	ssyncadd.s32 $0xFFFFFFB0  }
0xae: {  	_ =	swait.ge [sflag:s3], $0x50  }
0xaf: {  	[sflag:s3] =	ssyncset.done $0x0  }
0xb0: {  	[sflag:s3] =	ssyncadd.s32 $0xFFFFFFB0  }
0xb1: {  	_ =	swait.ge [sflag:s3], $0x50  }
0xb2: {  	[sflag:s3] =	ssyncset.done $0x0  }
0xb3: {  	[sflag:s3] =	ssyncadd.s32 $0xFFFFFFB0  }
0xb4: {  	_ =	swait.ge [sflag:s3], $0x50  }
0xb5: {  	[sflag:s3] =	ssyncset.done $0x0  }
0xb6: {  	[sflag:s3] =	ssyncadd.s32 $0xFFFFFFB0  }
0xb7: {  	_ =	swait.ge [sflag:s3], $0x50  }
0xb8: {  	[sflag:s3] =	ssyncset.done $0x0  }
0xb9: {  	[sflag:s3] =	ssyncadd.s32 $0xFFFFFFB0  }
0xba: {  	_ =	swait.ge [sflag:s3], $0x50  }
0xbb: {  	s24 =	simm.s32 $0x0;
	[sflag:s3] =	ssyncset.done $0x0  }
0xbc: {  	s19 =	simm.s32 $0x2000;
	s25 =	rddreg [dreg:$0xd];
	[sflag:s3] =	ssyncadd.s32 $0xFFFFFFB0  }
0xbd: {  	[tilespmem:s26], [sflag:$0x7] =	stream.linear.gather [hbm4b:s25+s24], $0x7D0, $0x38;
	[tilespmem:$0x1E080] =	vst v63  }
0xbe: {  	s4 =	sadd.s32 $0x0, s11;
	s24 =	simm.s32 $0xA;
	s25 =	simm.s32 $0x2080  }
.LBB2_6:
0xbf: {  	[tilespmem:s19], [sflag:$0x7] =	stream.linear.gather [hbm4b:s4+s1], $0x50, $0x38;
	[tilespmem:$0x1E080] =	vst v63  }
0xc0: {  	s4 =	smov.u32 s24;
	s19 =	smov.u32 s25;
	p1 =	sne.s32 s24, $0xF0  }
.Ltmp2:
0xc1: {  	s24 =	sadd.s32 $0xA, s24;
	(pc) =	sbr.rel @p1 .LBB2_6-.Ltmp2, $2  }
0xc2: {  	_ =	sdelay $0x2  }
0xc3: {  	s25 =	sadd.s32 $0x80, s25;
	s4 =	sadd.s32 s4, s11  }
0xc4: {  	[tilespmem:s19], [sflag:$0x7] =	stream.linear.gather [hbm4b:s4+s1], $0x50, $0x38;
	[tilespmem:$0x1E080] =	vst v63  }
0xc5: {  	s24 =	simm.s32 $0x0  }
0xc6: {  	[tilespmem:s0], [sflag:$0x1] =	stream.indirect.gather [hbm4b:s17+s5], $0x80, s24, s5, $0xb8;
	[tilespmem:$0x1E080] =	vst v63  }
0xc7: {  	_ = 	snop  }
0xc8: {  	[tilespmem:s6], [sflag:$0x2] =	stream.indirect.gather [hbm4b:s17+s5], $0x80, s5, s5, $0xb8;
	[tilespmem:$0x1E080] =	vst v63  }
0xc9: {  	s25 =	simm.s32 $0xA0  }
0xca: {  	[tilespmem:s8], [sflag:$0x3] =	stream.indirect.gather [hbm4b:s17+s5], $0x80, s25, s5, $0xb8;
	[tilespmem:$0x1E080] =	vst v63  }
0xcb: {  	_ =	swait.ge [sflag:s9], $0x2800  }
0xcc: {  	[sflag:s9] =	ssyncset.done $0x0  }
0xcd: {  	s19 =	simm.s32 $0x1000;
	[sflag:s9] =	ssyncadd.s32 $0xFFFFD800  }
0xce: {  	[spmem:s14] =	stream.indirect.scatter.add.f32 [tilespmem:s0], [sflag:$0x4], $0x80, s19, s5, $0xb8;
	[tilespmem:$0x1E080] =	vst v63  }
0xcf: {  	_ =	swait.ge [sflag:s18], $0x2800  }
0xd0: {  	[sflag:s18] =	ssyncset.done $0x0  }
0xd1: {  	s26 =	simm.s32 $0x1080;
	[sflag:s18] =	ssyncadd.s32 $0xFFFFD800  }
0xd2: {  	[spmem:s14] =	stream.indirect.scatter.add.f32 [tilespmem:s6], [sflag:$0x5], $0x80, s26, s5, $0xb8;
	[tilespmem:$0x1E080] =	vst v63  }
0xd3: {  	_ =	swait.ge [sflag:s20], $0x2800  }
0xd4: {  	[sflag:s20] =	ssyncset.done $0x0  }
0xd5: {  	s25 =	simm.s32 $0x1100;
	[sflag:s20] =	ssyncadd.s32 $0xFFFFD800  }
0xd6: {  	[spmem:s14] =	stream.indirect.scatter.add.f32 [tilespmem:s8], [sflag:$0x6], $0x80, s25, s5, $0xb8;
	[tilespmem:$0x1E080] =	vst v63  }
0xd7: {  	_ =	swait.ge [sflag:s22], $0x2800  }
0xd8: {  	[sflag:s22] =	ssyncset.done $0x0  }
0xd9: {  	s26 =	simm.s32 $0xF0;
	[sflag:s22] =	ssyncadd.s32 $0xFFFFD800  }
0xda: {  	[tilespmem:s0], [sflag:$0x1] =	stream.indirect.gather [hbm4b:s17+s5], $0x80, s26, s5, $0xb8;
	[tilespmem:$0x1E080] =	vst v63  }
0xdb: {  	_ =	swait.ge [sflag:s7], $0x2800  }
0xdc: {  	[sflag:s7] =	ssyncset.done $0x0  }
0xdd: {  	s25 =	simm.s32 $0x140;
	[sflag:s7] =	ssyncadd.s32 $0xFFFFD800  }
0xde: {  	[tilespmem:s6], [sflag:$0x2] =	stream.indirect.gather [hbm4b:s17+s5], $0x80, s25, s5, $0xb8;
	[tilespmem:$0x1E080] =	vst v63  }
0xdf: {  	_ =	swait.ge [sflag:s21], $0x2800  }
0xe0: {  	[sflag:s21] =	ssyncset.done $0x0  }
0xe1: {  	s26 =	simm.s32 $0x190;
	[sflag:s21] =	ssyncadd.s32 $0xFFFFD800  }
0xe2: {  	[tilespmem:s8], [sflag:$0x3] =	stream.indirect.gather [hbm4b:s17+s5], $0x80, s26, s5, $0xb8;
	[tilespmem:$0x1E080] =	vst v63  }
0xe3: {  	_ =	swait.ge [sflag:s9], $0x2800  }
0xe4: {  	[sflag:s9] =	ssyncset.done $0x0  }
0xe5: {  	s25 =	simm.s32 $0x1180;
	[sflag:s9] =	ssyncadd.s32 $0xFFFFD800  }
0xe6: {  	[spmem:s14] =	stream.indirect.scatter.add.f32 [tilespmem:s0], [sflag:$0x4], $0x80, s25, s5, $0xb8;
	[tilespmem:$0x1E080] =	vst v63  }
0xe7: {  	_ =	swait.ge [sflag:s18], $0x2800  }
0xe8: {  	[sflag:s18] =	ssyncset.done $0x0  }
0xe9: {  	s26 =	simm.s32 $0x1200;
	[sflag:s18] =	ssyncadd.s32 $0xFFFFD800  }
0xea: {  	[spmem:s14] =	stream.indirect.scatter.add.f32 [tilespmem:s6], [sflag:$0x5], $0x80, s26, s5, $0xb8;
	[tilespmem:$0x1E080] =	vst v63  }
0xeb: {  	_ =	swait.ge [sflag:s20], $0x2800  }
0xec: {  	[sflag:s20] =	ssyncset.done $0x0  }
0xed: {  	s25 =	simm.s32 $0x1280;
	[sflag:s20] =	ssyncadd.s32 $0xFFFFD800  }
0xee: {  	[spmem:s14] =	stream.indirect.scatter.add.f32 [tilespmem:s8], [sflag:$0x6], $0x80, s25, s5, $0xb8;
	[tilespmem:$0x1E080] =	vst v63  }
0xef: {  	_ =	swait.ge [sflag:s22], $0x2800  }
0xf0: {  	[sflag:s22] =	ssyncset.done $0x0  }
0xf1: {  	s26 =	simm.s32 $0x1E0;
	[sflag:s22] =	ssyncadd.s32 $0xFFFFD800  }
0xf2: {  	[tilespmem:s0], [sflag:$0x1] =	stream.indirect.gather [hbm4b:s17+s5], $0x80, s26, s5, $0xb8;
	[tilespmem:$0x1E080] =	vst v63  }
0xf3: {  	_ =	swait.ge [sflag:s7], $0x2800  }
0xf4: {  	[sflag:s7] =	ssyncset.done $0x0  }
0xf5: {  	s25 =	simm.s32 $0x230;
	[sflag:s7] =	ssyncadd.s32 $0xFFFFD800  }
0xf6: {  	[tilespmem:s6], [sflag:$0x2] =	stream.indirect.gather [hbm4b:s17+s5], $0x80, s25, s5, $0xb8;
	[tilespmem:$0x1E080] =	vst v63  }
0xf7: {  	_ =	swait.ge [sflag:s21], $0x2800  }
0xf8: {  	[sflag:s21] =	ssyncset.done $0x0  }
0xf9: {  	s26 =	simm.s32 $0x280;
	[sflag:s21] =	ssyncadd.s32 $0xFFFFD800  }
0xfa: {  	[tilespmem:s8], [sflag:$0x3] =	stream.indirect.gather [hbm4b:s17+s5], $0x80, s26, s5, $0xb8;
	[tilespmem:$0x1E080] =	vst v63  }
0xfb: {  	_ =	swait.ge [sflag:s9], $0x2800  }
0xfc: {  	[sflag:s9] =	ssyncset.done $0x0  }
0xfd: {  	s25 =	simm.s32 $0x1300;
	[sflag:s9] =	ssyncadd.s32 $0xFFFFD800  }
0xfe: {  	[spmem:s14] =	stream.indirect.scatter.add.f32 [tilespmem:s0], [sflag:$0x4], $0x80, s25, s5, $0xb8;
	[tilespmem:$0x1E080] =	vst v63  }
0xff: {  	_ =	swait.ge [sflag:s18], $0x2800  }
0x100: {  	[sflag:s18] =	ssyncset.done $0x0  }
0x101: {  	s26 =	simm.s32 $0x1380;
	[sflag:s18] =	ssyncadd.s32 $0xFFFFD800  }
0x102: {  	[spmem:s14] =	stream.indirect.scatter.add.f32 [tilespmem:s6], [sflag:$0x5], $0x80, s26, s5, $0xb8;
	[tilespmem:$0x1E080] =	vst v63  }
0x103: {  	_ =	swait.ge [sflag:s20], $0x2800  }
0x104: {  	[sflag:s20] =	ssyncset.done $0x0  }
0x105: {  	s25 =	simm.s32 $0x1400;
	[sflag:s20] =	ssyncadd.s32 $0xFFFFD800  }
0x106: {  	[spmem:s14] =	stream.indirect.scatter.add.f32 [tilespmem:s8], [sflag:$0x6], $0x80, s25, s5, $0xb8;
	[tilespmem:$0x1E080] =	vst v63  }
0x107: {  	_ =	swait.ge [sflag:s22], $0x2800  }
0x108: {  	[sflag:s22] =	ssyncset.done $0x0  }
0x109: {  	s26 =	simm.s32 $0x2D0;
	[sflag:s22] =	ssyncadd.s32 $0xFFFFD800  }
0x10a: {  	[tilespmem:s0], [sflag:$0x1] =	stream.indirect.gather [hbm4b:s17+s5], $0x80, s26, s5, $0xb8;
	[tilespmem:$0x1E080] =	vst v63  }
0x10b: {  	_ =	swait.ge [sflag:s7], $0x2800  }
0x10c: {  	[sflag:s7] =	ssyncset.done $0x0  }
0x10d: {  	s25 =	simm.s32 $0x320;
	[sflag:s7] =	ssyncadd.s32 $0xFFFFD800  }
0x10e: {  	[tilespmem:s6], [sflag:$0x2] =	stream.indirect.gather [hbm4b:s17+s5], $0x80, s25, s5, $0xb8;
	[tilespmem:$0x1E080] =	vst v63  }
0x10f: {  	_ =	swait.ge [sflag:s21], $0x2800  }
0x110: {  	[sflag:s21] =	ssyncset.done $0x0  }
0x111: {  	s26 =	simm.s32 $0x370;
	[sflag:s21] =	ssyncadd.s32 $0xFFFFD800  }
0x112: {  	[tilespmem:s8], [sflag:$0x3] =	stream.indirect.gather [hbm4b:s17+s5], $0x80, s26, s5, $0xb8;
	[tilespmem:$0x1E080] =	vst v63  }
0x113: {  	_ =	swait.ge [sflag:s9], $0x2800  }
0x114: {  	[sflag:s9] =	ssyncset.done $0x0  }
0x115: {  	s25 =	simm.s32 $0x1480;
	[sflag:s9] =	ssyncadd.s32 $0xFFFFD800  }
0x116: {  	[spmem:s14] =	stream.indirect.scatter.add.f32 [tilespmem:s0], [sflag:$0x4], $0x80, s25, s5, $0xb8;
	[tilespmem:$0x1E080] =	vst v63  }
0x117: {  	_ =	swait.ge [sflag:s18], $0x2800  }
0x118: {  	[sflag:s18] =	ssyncset.done $0x0  }
0x119: {  	s26 =	simm.s32 $0x1500;
	[sflag:s18] =	ssyncadd.s32 $0xFFFFD800  }
0x11a: {  	[spmem:s14] =	stream.indirect.scatter.add.f32 [tilespmem:s6], [sflag:$0x5], $0x80, s26, s5, $0xb8;
	[tilespmem:$0x1E080] =	vst v63  }
0x11b: {  	_ =	swait.ge [sflag:s20], $0x2800  }
0x11c: {  	[sflag:s20] =	ssyncset.done $0x0  }
0x11d: {  	s25 =	simm.s32 $0x1580;
	[sflag:s20] =	ssyncadd.s32 $0xFFFFD800  }
0x11e: {  	[spmem:s14] =	stream.indirect.scatter.add.f32 [tilespmem:s8], [sflag:$0x6], $0x80, s25, s5, $0xb8;
	[tilespmem:$0x1E080] =	vst v63  }
0x11f: {  	_ =	swait.ge [sflag:s22], $0x2800  }
0x120: {  	[sflag:s22] =	ssyncset.done $0x0  }
0x121: {  	s26 =	simm.s32 $0x3C0;
	[sflag:s22] =	ssyncadd.s32 $0xFFFFD800  }
0x122: {  	[tilespmem:s0], [sflag:$0x1] =	stream.indirect.gather [hbm4b:s17+s5], $0x80, s26, s5, $0xb8;
	[tilespmem:$0x1E080] =	vst v63  }
0x123: {  	_ =	swait.ge [sflag:s7], $0x2800  }
0x124: {  	[sflag:s7] =	ssyncset.done $0x0  }
0x125: {  	s25 =	simm.s32 $0x410;
	[sflag:s7] =	ssyncadd.s32 $0xFFFFD800  }
0x126: {  	[tilespmem:s6], [sflag:$0x2] =	stream.indirect.gather [hbm4b:s17+s5], $0x80, s25, s5, $0xb8;
	[tilespmem:$0x1E080] =	vst v63  }
0x127: {  	_ =	swait.ge [sflag:s21], $0x2800  }
0x128: {  	[sflag:s21] =	ssyncset.done $0x0  }
0x129: {  	s26 =	simm.s32 $0x460;
	[sflag:s21] =	ssyncadd.s32 $0xFFFFD800  }
0x12a: {  	[tilespmem:s8], [sflag:$0x3] =	stream.indirect.gather [hbm4b:s17+s5], $0x80, s26, s5, $0xb8;
	[tilespmem:$0x1E080] =	vst v63  }
0x12b: {  	_ =	swait.ge [sflag:s9], $0x2800  }
0x12c: {  	[sflag:s9] =	ssyncset.done $0x0  }
0x12d: {  	s25 =	simm.s32 $0x1600;
	[sflag:s9] =	ssyncadd.s32 $0xFFFFD800  }
0x12e: {  	[spmem:s14] =	stream.indirect.scatter.add.f32 [tilespmem:s0], [sflag:$0x4], $0x80, s25, s5, $0xb8;
	[tilespmem:$0x1E080] =	vst v63  }
0x12f: {  	_ =	swait.ge [sflag:s18], $0x2800  }
0x130: {  	[sflag:s18] =	ssyncset.done $0x0  }
0x131: {  	s26 =	simm.s32 $0x1680;
	[sflag:s18] =	ssyncadd.s32 $0xFFFFD800  }
0x132: {  	[spmem:s14] =	stream.indirect.scatter.add.f32 [tilespmem:s6], [sflag:$0x5], $0x80, s26, s5, $0xb8;
	[tilespmem:$0x1E080] =	vst v63  }
0x133: {  	_ =	swait.ge [sflag:s20], $0x2800  }
0x134: {  	[sflag:s20] =	ssyncset.done $0x0  }
0x135: {  	s25 =	simm.s32 $0x1700;
	[sflag:s20] =	ssyncadd.s32 $0xFFFFD800  }
0x136: {  	[spmem:s14] =	stream.indirect.scatter.add.f32 [tilespmem:s8], [sflag:$0x6], $0x80, s25, s5, $0xb8;
	[tilespmem:$0x1E080] =	vst v63  }
0x137: {  	_ =	swait.ge [sflag:s22], $0x2800  }
0x138: {  	[sflag:s22] =	ssyncset.done $0x0  }
0x139: {  	s26 =	simm.s32 $0x4B0;
	[sflag:s22] =	ssyncadd.s32 $0xFFFFD800  }
0x13a: {  	[tilespmem:s0], [sflag:$0x1] =	stream.indirect.gather [hbm4b:s17+s5], $0x80, s26, s5, $0xb8;
	[tilespmem:$0x1E080] =	vst v63  }
0x13b: {  	_ =	swait.ge [sflag:s7], $0x2800  }
0x13c: {  	[sflag:s7] =	ssyncset.done $0x0  }
0x13d: {  	s25 =	simm.s32 $0x500;
	[sflag:s7] =	ssyncadd.s32 $0xFFFFD800  }
0x13e: {  	[tilespmem:s6], [sflag:$0x2] =	stream.indirect.gather [hbm4b:s17+s5], $0x80, s25, s5, $0xb8;
	[tilespmem:$0x1E080] =	vst v63  }
0x13f: {  	_ =	swait.ge [sflag:s21], $0x2800  }
0x140: {  	[sflag:s21] =	ssyncset.done $0x0  }
0x141: {  	s26 =	simm.s32 $0x550;
	[sflag:s21] =	ssyncadd.s32 $0xFFFFD800  }
0x142: {  	[tilespmem:s8], [sflag:$0x3] =	stream.indirect.gather [hbm4b:s17+s5], $0x80, s26, s5, $0xb8;
	[tilespmem:$0x1E080] =	vst v63  }
0x143: {  	_ =	swait.ge [sflag:s9], $0x2800  }
0x144: {  	[sflag:s9] =	ssyncset.done $0x0  }
0x145: {  	s25 =	simm.s32 $0x1780;
	[sflag:s9] =	ssyncadd.s32 $0xFFFFD800  }
0x146: {  	[spmem:s14] =	stream.indirect.scatter.add.f32 [tilespmem:s0], [sflag:$0x4], $0x80, s25, s5, $0xb8;
	[tilespmem:$0x1E080] =	vst v63  }
0x147: {  	_ =	swait.ge [sflag:s18], $0x2800  }
0x148: {  	[sflag:s18] =	ssyncset.done $0x0  }
0x149: {  	s26 =	simm.s32 $0x1800;
	[sflag:s18] =	ssyncadd.s32 $0xFFFFD800  }
0x14a: {  	[spmem:s14] =	stream.indirect.scatter.add.f32 [tilespmem:s6], [sflag:$0x5], $0x80, s26, s5, $0xb8;
	[tilespmem:$0x1E080] =	vst v63  }
0x14b: {  	_ =	swait.ge [sflag:s20], $0x2800  }
0x14c: {  	[sflag:s20] =	ssyncset.done $0x0  }
0x14d: {  	s25 =	simm.s32 $0x1880;
	[sflag:s20] =	ssyncadd.s32 $0xFFFFD800  }
0x14e: {  	[spmem:s14] =	stream.indirect.scatter.add.f32 [tilespmem:s8], [sflag:$0x6], $0x80, s25, s5, $0xb8;
	[tilespmem:$0x1E080] =	vst v63  }
0x14f: {  	_ =	swait.ge [sflag:s22], $0x2800  }
0x150: {  	[sflag:s22] =	ssyncset.done $0x0  }
0x151: {  	s26 =	simm.s32 $0x5A0;
	[sflag:s22] =	ssyncadd.s32 $0xFFFFD800  }
0x152: {  	[tilespmem:s0], [sflag:$0x1] =	stream.indirect.gather [hbm4b:s17+s5], $0x80, s26, s5, $0xb8;
	[tilespmem:$0x1E080] =	vst v63  }
0x153: {  	_ =	swait.ge [sflag:s7], $0x2800  }
0x154: {  	[sflag:s7] =	ssyncset.done $0x0  }
0x155: {  	s25 =	simm.s32 $0x5F0;
	[sflag:s7] =	ssyncadd.s32 $0xFFFFD800  }
0x156: {  	[tilespmem:s6], [sflag:$0x2] =	stream.indirect.gather [hbm4b:s17+s5], $0x80, s25, s5, $0xb8;
	[tilespmem:$0x1E080] =	vst v63  }
0x157: {  	_ =	swait.ge [sflag:s21], $0x2800  }
0x158: {  	[sflag:s21] =	ssyncset.done $0x0  }
0x159: {  	s26 =	simm.s32 $0x640;
	[sflag:s21] =	ssyncadd.s32 $0xFFFFD800  }
0x15a: {  	[tilespmem:s8], [sflag:$0x3] =	stream.indirect.gather [hbm4b:s17+s5], $0x80, s26, s5, $0xb8;
	[tilespmem:$0x1E080] =	vst v63  }
0x15b: {  	_ =	swait.ge [sflag:s9], $0x2800  }
0x15c: {  	[sflag:s9] =	ssyncset.done $0x0  }
0x15d: {  	s25 =	simm.s32 $0x1900;
	[sflag:s9] =	ssyncadd.s32 $0xFFFFD800  }
0x15e: {  	[spmem:s14] =	stream.indirect.scatter.add.f32 [tilespmem:s0], [sflag:$0x4], $0x80, s25, s5, $0xb8;
	[tilespmem:$0x1E080] =	vst v63  }
0x15f: {  	_ =	swait.ge [sflag:s18], $0x2800  }
0x160: {  	[sflag:s18] =	ssyncset.done $0x0  }
0x161: {  	s26 =	simm.s32 $0x1980;
	[sflag:s18] =	ssyncadd.s32 $0xFFFFD800  }
0x162: {  	[spmem:s14] =	stream.indirect.scatter.add.f32 [tilespmem:s6], [sflag:$0x5], $0x80, s26, s5, $0xb8;
	[tilespmem:$0x1E080] =	vst v63  }
0x163: {  	_ =	swait.ge [sflag:s20], $0x2800  }
0x164: {  	[sflag:s20] =	ssyncset.done $0x0  }
0x165: {  	s25 =	simm.s32 $0x1A00;
	[sflag:s20] =	ssyncadd.s32 $0xFFFFD800  }
0x166: {  	[spmem:s14] =	stream.indirect.scatter.add.f32 [tilespmem:s8], [sflag:$0x6], $0x80, s25, s5, $0xb8;
	[tilespmem:$0x1E080] =	vst v63  }
0x167: {  	_ =	swait.ge [sflag:s22], $0x2800  }
0x168: {  	[sflag:s22] =	ssyncset.done $0x0  }
0x169: {  	s26 =	simm.s32 $0x690;
	[sflag:s22] =	ssyncadd.s32 $0xFFFFD800  }
0x16a: {  	[tilespmem:s0], [sflag:$0x1] =	stream.indirect.gather [hbm4b:s17+s5], $0x80, s26, s5, $0xb8;
	[tilespmem:$0x1E080] =	vst v63  }
0x16b: {  	_ =	swait.ge [sflag:s7], $0x2800  }
0x16c: {  	[sflag:s7] =	ssyncset.done $0x0  }
0x16d: {  	s25 =	simm.s32 $0x6E0;
	[sflag:s7] =	ssyncadd.s32 $0xFFFFD800  }
0x16e: {  	[tilespmem:s6], [sflag:$0x2] =	stream.indirect.gather [hbm4b:s17+s5], $0x80, s25, s5, $0xb8;
	[tilespmem:$0x1E080] =	vst v63  }
0x16f: {  	_ =	swait.ge [sflag:s21], $0x2800  }
0x170: {  	[sflag:s21] =	ssyncset.done $0x0  }
0x171: {  	s26 =	simm.s32 $0x730;
	[sflag:s21] =	ssyncadd.s32 $0xFFFFD800  }
0x172: {  	[tilespmem:s8], [sflag:$0x3] =	stream.indirect.gather [hbm4b:s17+s5], $0x80, s26, s5, $0xb8;
	[tilespmem:$0x1E080] =	vst v63  }
0x173: {  	_ =	swait.ge [sflag:s9], $0x2800  }
0x174: {  	[sflag:s9] =	ssyncset.done $0x0  }
0x175: {  	s25 =	simm.s32 $0x1A80;
	[sflag:s9] =	ssyncadd.s32 $0xFFFFD800  }
0x176: {  	[spmem:s14] =	stream.indirect.scatter.add.f32 [tilespmem:s0], [sflag:$0x4], $0x80, s25, s5, $0xb8;
	[tilespmem:$0x1E080] =	vst v63  }
0x177: {  	_ =	swait.ge [sflag:s18], $0x2800  }
0x178: {  	[sflag:s18] =	ssyncset.done $0x0  }
0x179: {  	s26 =	simm.s32 $0x1B00;
	[sflag:s18] =	ssyncadd.s32 $0xFFFFD800  }
0x17a: {  	[spmem:s14] =	stream.indirect.scatter.add.f32 [tilespmem:s6], [sflag:$0x5], $0x80, s26, s5, $0xb8;
	[tilespmem:$0x1E080] =	vst v63  }
0x17b: {  	_ =	swait.ge [sflag:s20], $0x2800  }
0x17c: {  	[sflag:s20] =	ssyncset.done $0x0  }
0x17d: {  	s25 =	simm.s32 $0x1B80;
	[sflag:s20] =	ssyncadd.s32 $0xFFFFD800  }
0x17e: {  	[spmem:s14] =	stream.indirect.scatter.add.f32 [tilespmem:s8], [sflag:$0x6], $0x80, s25, s5, $0xb8;
	[tilespmem:$0x1E080] =	vst v63  }
0x17f: {  	_ =	swait.ge [sflag:s22], $0x2800  }
0x180: {  	[sflag:s22] =	ssyncset.done $0x0  }
0x181: {  	s26 =	simm.s32 $0x780;
	[sflag:s22] =	ssyncadd.s32 $0xFFFFD800  }
0x182: {  	[tilespmem:s0], [sflag:$0x1] =	stream.indirect.gather [hbm4b:s17+s5], $0x80, s26, s5, $0xb8;
	[tilespmem:$0x1E080] =	vst v63  }
0x183: {  	_ =	swait.ge [sflag:s9], $0x2800  }
0x184: {  	[sflag:s9] =	ssyncset.done $0x0  }
0x185: {  	s25 =	simm.s32 $0x1C00;
	[sflag:s9] =	ssyncadd.s32 $0xFFFFD800  }
0x186: {  	[spmem:s14] =	stream.indirect.scatter.add.f32 [tilespmem:s0], [sflag:$0x4], $0x80, s25, s5, $0xb8;
	[tilespmem:$0x1E080] =	vst v63  }
0x187: {  	_ =	swait.ge [sflag:s22], $0x2800  }
0x188: {  	[sflag:s22] =	ssyncset.done $0x0  }
0x189: {  	[sflag:s22] =	ssyncadd.s32 $0xFFFFD800  }
0x18a: {  	_ =	swait.ge [sflag:s7], $0x2800  }
0x18b: {  	[sflag:s7] =	ssyncset.done $0x0  }
0x18c: {  	[sflag:s7] =	ssyncadd.s32 $0xFFFFD800  }
0x18d: {  	_ =	swait.ge [sflag:s21], $0x2800  }
0x18e: {  	[sflag:s21] =	ssyncset.done $0x0  }
0x18f: {  	[sflag:s21] =	ssyncadd.s32 $0xFFFFD800  }
0x190: {  	_ =	swait.ge [sflag:s3], $0x7D0  }
0x191: {  	[sflag:s3] =	ssyncset.done $0x0  }
0x192: {  	[sflag:s3] =	ssyncadd.s32 $0xFFFFF830  }
0x193: {  	_ =	swait.ge [sflag:s3], $0x50  }
0x194: {  	[sflag:s3] =	ssyncset.done $0x0  }
0x195: {  	[sflag:s3] =	ssyncadd.s32 $0xFFFFFFB0  }
0x196: {  	_ =	swait.ge [sflag:s3], $0x50  }
0x197: {  	[sflag:s3] =	ssyncset.done $0x0  }
0x198: {  	[sflag:s3] =	ssyncadd.s32 $0xFFFFFFB0  }
0x199: {  	_ =	swait.ge [sflag:s3], $0x50  }
0x19a: {  	[sflag:s3] =	ssyncset.done $0x0  }
0x19b: {  	[sflag:s3] =	ssyncadd.s32 $0xFFFFFFB0  }
0x19c: {  	_ =	swait.ge [sflag:s3], $0x50  }
0x19d: {  	[sflag:s3] =	ssyncset.done $0x0  }
0x19e: {  	[sflag:s3] =	ssyncadd.s32 $0xFFFFFFB0  }
0x19f: {  	_ =	swait.ge [sflag:s3], $0x50  }
0x1a0: {  	[sflag:s3] =	ssyncset.done $0x0  }
0x1a1: {  	[sflag:s3] =	ssyncadd.s32 $0xFFFFFFB0  }
0x1a2: {  	_ =	swait.ge [sflag:s3], $0x50  }
0x1a3: {  	[sflag:s3] =	ssyncset.done $0x0  }
0x1a4: {  	[sflag:s3] =	ssyncadd.s32 $0xFFFFFFB0  }
0x1a5: {  	_ =	swait.ge [sflag:s3], $0x50  }
0x1a6: {  	[sflag:s3] =	ssyncset.done $0x0  }
0x1a7: {  	[sflag:s3] =	ssyncadd.s32 $0xFFFFFFB0  }
0x1a8: {  	_ =	swait.ge [sflag:s3], $0x50  }
0x1a9: {  	[sflag:s3] =	ssyncset.done $0x0  }
0x1aa: {  	[sflag:s3] =	ssyncadd.s32 $0xFFFFFFB0  }
0x1ab: {  	_ =	swait.ge [sflag:s3], $0x50  }
0x1ac: {  	[sflag:s3] =	ssyncset.done $0x0  }
0x1ad: {  	[sflag:s3] =	ssyncadd.s32 $0xFFFFFFB0  }
0x1ae: {  	_ =	swait.ge [sflag:s3], $0x50  }
0x1af: {  	[sflag:s3] =	ssyncset.done $0x0  }
0x1b0: {  	[sflag:s3] =	ssyncadd.s32 $0xFFFFFFB0  }
0x1b1: {  	_ =	swait.ge [sflag:s3], $0x50  }
0x1b2: {  	[sflag:s3] =	ssyncset.done $0x0  }
0x1b3: {  	[sflag:s3] =	ssyncadd.s32 $0xFFFFFFB0  }
0x1b4: {  	_ =	swait.ge [sflag:s3], $0x50  }
0x1b5: {  	[sflag:s3] =	ssyncset.done $0x0  }
0x1b6: {  	[sflag:s3] =	ssyncadd.s32 $0xFFFFFFB0  }
0x1b7: {  	_ =	swait.ge [sflag:s3], $0x50  }
0x1b8: {  	[sflag:s3] =	ssyncset.done $0x0  }
0x1b9: {  	[sflag:s3] =	ssyncadd.s32 $0xFFFFFFB0  }
0x1ba: {  	_ =	swait.ge [sflag:s3], $0x50  }
0x1bb: {  	[sflag:s3] =	ssyncset.done $0x0  }
0x1bc: {  	[sflag:s3] =	ssyncadd.s32 $0xFFFFFFB0  }
0x1bd: {  	_ =	swait.ge [sflag:s3], $0x50  }
0x1be: {  	[sflag:s3] =	ssyncset.done $0x0  }
0x1bf: {  	[sflag:s3] =	ssyncadd.s32 $0xFFFFFFB0  }
0x1c0: {  	_ =	swait.ge [sflag:s3], $0x50  }
0x1c1: {  	[sflag:s3] =	ssyncset.done $0x0  }
0x1c2: {  	[sflag:s3] =	ssyncadd.s32 $0xFFFFFFB0  }
0x1c3: {  	_ =	swait.ge [sflag:s3], $0x50  }
0x1c4: {  	[sflag:s3] =	ssyncset.done $0x0  }
0x1c5: {  	[sflag:s3] =	ssyncadd.s32 $0xFFFFFFB0  }
0x1c6: {  	_ =	swait.ge [sflag:s3], $0x50  }
0x1c7: {  	[sflag:s3] =	ssyncset.done $0x0  }
0x1c8: {  	[sflag:s3] =	ssyncadd.s32 $0xFFFFFFB0  }
0x1c9: {  	_ =	swait.ge [sflag:s3], $0x50  }
0x1ca: {  	[sflag:s3] =	ssyncset.done $0x0  }
0x1cb: {  	[sflag:s3] =	ssyncadd.s32 $0xFFFFFFB0  }
0x1cc: {  	_ =	swait.ge [sflag:s3], $0x50  }
0x1cd: {  	[sflag:s3] =	ssyncset.done $0x0  }
0x1ce: {  	[sflag:s3] =	ssyncadd.s32 $0xFFFFFFB0  }
0x1cf: {  	_ =	swait.ge [sflag:s3], $0x50  }
0x1d0: {  	[sflag:s3] =	ssyncset.done $0x0  }
0x1d1: {  	[sflag:s3] =	ssyncadd.s32 $0xFFFFFFB0  }
0x1d2: {  	_ =	swait.ge [sflag:s3], $0x50  }
0x1d3: {  	[sflag:s3] =	ssyncset.done $0x0  }
0x1d4: {  	[sflag:s3] =	ssyncadd.s32 $0xFFFFFFB0  }
0x1d5: {  	_ =	swait.ge [sflag:s3], $0x50  }
0x1d6: {  	[sflag:s3] =	ssyncset.done $0x0  }
0x1d7: {  	[sflag:s3] =	ssyncadd.s32 $0xFFFFFFB0  }
0x1d8: {  	_ =	swait.ge [sflag:s3], $0x50  }
0x1d9: {  	[sflag:s3] =	ssyncset.done $0x0  }
0x1da: {  	[sflag:s3] =	ssyncadd.s32 $0xFFFFFFB0  }
0x1db: {  	_ =	swait.ge [sflag:s3], $0x50  }
0x1dc: {  	[sflag:s3] =	ssyncset.done $0x0  }
0x1dd: {  	s26 =	rddreg [dreg:$0xe];
	[sflag:s3] =	ssyncadd.s32 $0xFFFFFFB0  }
0x1de: {  	[tilespmem:s24], [sflag:$0x7] =	stream.linear.gather [hbm4b:s26+s24], $0x7D0, $0x38;
	[tilespmem:$0x1E080] =	vst v63  }
0x1df: {  	s4 =	sadd.s32 $0x0, s12;
	s25 =	simm.s32 $0x1080;
	s24 =	simm.s32 $0xA  }
.LBB2_8:
0x1e0: {  	[tilespmem:s19], [sflag:$0x7] =	stream.linear.gather [hbm4b:s4+s1], $0x50, $0x38;
	[tilespmem:$0x1E080] =	vst v63  }
0x1e1: {  	s4 =	smov.u32 s24;
	s19 =	smov.u32 s25;
	p1 =	sne.s32 s24, $0xF0  }
.Ltmp3:
0x1e2: {  	s24 =	sadd.s32 $0xA, s24;
	(pc) =	sbr.rel @p1 .LBB2_8-.Ltmp3, $2  }
0x1e3: {  	_ =	sdelay $0x2  }
0x1e4: {  	s25 =	sadd.s32 $0x80, s25;
	s4 =	sadd.s32 s4, s12  }
0x1e5: {  	[tilespmem:s19], [sflag:$0x7] =	stream.linear.gather [hbm4b:s4+s1], $0x50, $0x38;
	[tilespmem:$0x1E080] =	vst v63  }
0x1e6: {  	s25 =	simm.s32 $0x800  }
0x1e7: {  	[tilespmem:s0], [sflag:$0x1] =	stream.indirect.gather [hbm4b:s17+s5], $0x80, s25, s5, $0xb8;
	[tilespmem:$0x1E080] =	vst v63  }
0x1e8: {  	s26 =	simm.s32 $0x850  }
0x1e9: {  	[tilespmem:s6], [sflag:$0x2] =	stream.indirect.gather [hbm4b:s17+s5], $0x80, s26, s5, $0xb8;
	[tilespmem:$0x1E080] =	vst v63  }
0x1ea: {  	s19 =	simm.s32 $0x8A0  }
0x1eb: {  	[tilespmem:s8], [sflag:$0x3] =	stream.indirect.gather [hbm4b:s17+s5], $0x80, s19, s5, $0xb8;
	[tilespmem:$0x1E080] =	vst v63  }
0x1ec: {  	_ =	swait.ge [sflag:s9], $0x2800  }
0x1ed: {  	[sflag:s9] =	ssyncset.done $0x0  }
0x1ee: {  	s19 =	simm.s32 $0x2000;
	[sflag:s9] =	ssyncadd.s32 $0xFFFFD800  }
0x1ef: {  	[spmem:s14] =	stream.indirect.scatter.add.f32 [tilespmem:s0], [sflag:$0x4], $0x80, s19, s5, $0xb8;
	[tilespmem:$0x1E080] =	vst v63  }
0x1f0: {  	_ =	swait.ge [sflag:s18], $0x2800  }
0x1f1: {  	[sflag:s18] =	ssyncset.done $0x0  }
0x1f2: {  	s24 =	simm.s32 $0x2080;
	[sflag:s18] =	ssyncadd.s32 $0xFFFFD800  }
0x1f3: {  	[spmem:s14] =	stream.indirect.scatter.add.f32 [tilespmem:s6], [sflag:$0x5], $0x80, s24, s5, $0xb8;
	[tilespmem:$0x1E080] =	vst v63  }
0x1f4: {  	_ =	swait.ge [sflag:s20], $0x2800  }
0x1f5: {  	[sflag:s20] =	ssyncset.done $0x0  }
0x1f6: {  	s26 =	simm.s32 $0x2100;
	[sflag:s20] =	ssyncadd.s32 $0xFFFFD800  }
0x1f7: {  	[spmem:s14] =	stream.indirect.scatter.add.f32 [tilespmem:s8], [sflag:$0x6], $0x80, s26, s5, $0xb8;
	[tilespmem:$0x1E080] =	vst v63  }
0x1f8: {  	_ =	swait.ge [sflag:s22], $0x2800  }
0x1f9: {  	[sflag:s22] =	ssyncset.done $0x0  }
0x1fa: {  	s24 =	simm.s32 $0x8F0;
	[sflag:s22] =	ssyncadd.s32 $0xFFFFD800  }
0x1fb: {  	[tilespmem:s0], [sflag:$0x1] =	stream.indirect.gather [hbm4b:s17+s5], $0x80, s24, s5, $0xb8;
	[tilespmem:$0x1E080] =	vst v63  }
0x1fc: {  	_ =	swait.ge [sflag:s7], $0x2800  }
0x1fd: {  	[sflag:s7] =	ssyncset.done $0x0  }
0x1fe: {  	s26 =	simm.s32 $0x940;
	[sflag:s7] =	ssyncadd.s32 $0xFFFFD800  }
0x1ff: {  	[tilespmem:s6], [sflag:$0x2] =	stream.indirect.gather [hbm4b:s17+s5], $0x80, s26, s5, $0xb8;
	[tilespmem:$0x1E080] =	vst v63  }
0x200: {  	_ =	swait.ge [sflag:s21], $0x2800  }
0x201: {  	[sflag:s21] =	ssyncset.done $0x0  }
0x202: {  	s24 =	simm.s32 $0x990;
	[sflag:s21] =	ssyncadd.s32 $0xFFFFD800  }
0x203: {  	[tilespmem:s8], [sflag:$0x3] =	stream.indirect.gather [hbm4b:s17+s5], $0x80, s24, s5, $0xb8;
	[tilespmem:$0x1E080] =	vst v63  }
0x204: {  	_ =	swait.ge [sflag:s9], $0x2800  }
0x205: {  	[sflag:s9] =	ssyncset.done $0x0  }
0x206: {  	s26 =	simm.s32 $0x2180;
	[sflag:s9] =	ssyncadd.s32 $0xFFFFD800  }
0x207: {  	[spmem:s14] =	stream.indirect.scatter.add.f32 [tilespmem:s0], [sflag:$0x4], $0x80, s26, s5, $0xb8;
	[tilespmem:$0x1E080] =	vst v63  }
0x208: {  	_ =	swait.ge [sflag:s18], $0x2800  }
0x209: {  	[sflag:s18] =	ssyncset.done $0x0  }
0x20a: {  	s24 =	simm.s32 $0x2200;
	[sflag:s18] =	ssyncadd.s32 $0xFFFFD800  }
0x20b: {  	[spmem:s14] =	stream.indirect.scatter.add.f32 [tilespmem:s6], [sflag:$0x5], $0x80, s24, s5, $0xb8;
	[tilespmem:$0x1E080] =	vst v63  }
0x20c: {  	_ =	swait.ge [sflag:s20], $0x2800  }
0x20d: {  	[sflag:s20] =	ssyncset.done $0x0  }
0x20e: {  	s26 =	simm.s32 $0x2280;
	[sflag:s20] =	ssyncadd.s32 $0xFFFFD800  }
0x20f: {  	[spmem:s14] =	stream.indirect.scatter.add.f32 [tilespmem:s8], [sflag:$0x6], $0x80, s26, s5, $0xb8;
	[tilespmem:$0x1E080] =	vst v63  }
0x210: {  	_ =	swait.ge [sflag:s22], $0x2800  }
0x211: {  	[sflag:s22] =	ssyncset.done $0x0  }
0x212: {  	s24 =	simm.s32 $0x9E0;
	[sflag:s22] =	ssyncadd.s32 $0xFFFFD800  }
0x213: {  	[tilespmem:s0], [sflag:$0x1] =	stream.indirect.gather [hbm4b:s17+s5], $0x80, s24, s5, $0xb8;
	[tilespmem:$0x1E080] =	vst v63  }
0x214: {  	_ =	swait.ge [sflag:s7], $0x2800  }
0x215: {  	[sflag:s7] =	ssyncset.done $0x0  }
0x216: {  	s26 =	simm.s32 $0xA30;
	[sflag:s7] =	ssyncadd.s32 $0xFFFFD800  }
0x217: {  	[tilespmem:s6], [sflag:$0x2] =	stream.indirect.gather [hbm4b:s17+s5], $0x80, s26, s5, $0xb8;
	[tilespmem:$0x1E080] =	vst v63  }
0x218: {  	_ =	swait.ge [sflag:s21], $0x2800  }
0x219: {  	[sflag:s21] =	ssyncset.done $0x0  }
0x21a: {  	s24 =	simm.s32 $0xA80;
	[sflag:s21] =	ssyncadd.s32 $0xFFFFD800  }
0x21b: {  	[tilespmem:s8], [sflag:$0x3] =	stream.indirect.gather [hbm4b:s17+s5], $0x80, s24, s5, $0xb8;
	[tilespmem:$0x1E080] =	vst v63  }
0x21c: {  	_ =	swait.ge [sflag:s9], $0x2800  }
0x21d: {  	[sflag:s9] =	ssyncset.done $0x0  }
0x21e: {  	s26 =	simm.s32 $0x2300;
	[sflag:s9] =	ssyncadd.s32 $0xFFFFD800  }
0x21f: {  	[spmem:s14] =	stream.indirect.scatter.add.f32 [tilespmem:s0], [sflag:$0x4], $0x80, s26, s5, $0xb8;
	[tilespmem:$0x1E080] =	vst v63  }
0x220: {  	_ =	swait.ge [sflag:s18], $0x2800  }
0x221: {  	[sflag:s18] =	ssyncset.done $0x0  }
0x222: {  	s24 =	simm.s32 $0x2380;
	[sflag:s18] =	ssyncadd.s32 $0xFFFFD800  }
0x223: {  	[spmem:s14] =	stream.indirect.scatter.add.f32 [tilespmem:s6], [sflag:$0x5], $0x80, s24, s5, $0xb8;
	[tilespmem:$0x1E080] =	vst v63  }
0x224: {  	_ =	swait.ge [sflag:s20], $0x2800  }
0x225: {  	[sflag:s20] =	ssyncset.done $0x0  }
0x226: {  	s26 =	simm.s32 $0x2400;
	[sflag:s20] =	ssyncadd.s32 $0xFFFFD800  }
0x227: {  	[spmem:s14] =	stream.indirect.scatter.add.f32 [tilespmem:s8], [sflag:$0x6], $0x80, s26, s5, $0xb8;
	[tilespmem:$0x1E080] =	vst v63  }
0x228: {  	_ =	swait.ge [sflag:s22], $0x2800  }
0x229: {  	[sflag:s22] =	ssyncset.done $0x0  }
0x22a: {  	s24 =	simm.s32 $0xAD0;
	[sflag:s22] =	ssyncadd.s32 $0xFFFFD800  }
0x22b: {  	[tilespmem:s0], [sflag:$0x1] =	stream.indirect.gather [hbm4b:s17+s5], $0x80, s24, s5, $0xb8;
	[tilespmem:$0x1E080] =	vst v63  }
0x22c: {  	_ =	swait.ge [sflag:s7], $0x2800  }
0x22d: {  	[sflag:s7] =	ssyncset.done $0x0  }
0x22e: {  	s26 =	simm.s32 $0xB20;
	[sflag:s7] =	ssyncadd.s32 $0xFFFFD800  }
0x22f: {  	[tilespmem:s6], [sflag:$0x2] =	stream.indirect.gather [hbm4b:s17+s5], $0x80, s26, s5, $0xb8;
	[tilespmem:$0x1E080] =	vst v63  }
0x230: {  	_ =	swait.ge [sflag:s21], $0x2800  }
0x231: {  	[sflag:s21] =	ssyncset.done $0x0  }
0x232: {  	s24 =	simm.s32 $0xB70;
	[sflag:s21] =	ssyncadd.s32 $0xFFFFD800  }
0x233: {  	[tilespmem:s8], [sflag:$0x3] =	stream.indirect.gather [hbm4b:s17+s5], $0x80, s24, s5, $0xb8;
	[tilespmem:$0x1E080] =	vst v63  }
0x234: {  	_ =	swait.ge [sflag:s9], $0x2800  }
0x235: {  	[sflag:s9] =	ssyncset.done $0x0  }
0x236: {  	s26 =	simm.s32 $0x2480;
	[sflag:s9] =	ssyncadd.s32 $0xFFFFD800  }
0x237: {  	[spmem:s14] =	stream.indirect.scatter.add.f32 [tilespmem:s0], [sflag:$0x4], $0x80, s26, s5, $0xb8;
	[tilespmem:$0x1E080] =	vst v63  }
0x238: {  	_ =	swait.ge [sflag:s18], $0x2800  }
0x239: {  	[sflag:s18] =	ssyncset.done $0x0  }
0x23a: {  	s24 =	simm.s32 $0x2500;
	[sflag:s18] =	ssyncadd.s32 $0xFFFFD800  }
0x23b: {  	[spmem:s14] =	stream.indirect.scatter.add.f32 [tilespmem:s6], [sflag:$0x5], $0x80, s24, s5, $0xb8;
	[tilespmem:$0x1E080] =	vst v63  }
0x23c: {  	_ =	swait.ge [sflag:s20], $0x2800  }
0x23d: {  	[sflag:s20] =	ssyncset.done $0x0  }
0x23e: {  	s26 =	simm.s32 $0x2580;
	[sflag:s20] =	ssyncadd.s32 $0xFFFFD800  }
0x23f: {  	[spmem:s14] =	stream.indirect.scatter.add.f32 [tilespmem:s8], [sflag:$0x6], $0x80, s26, s5, $0xb8;
	[tilespmem:$0x1E080] =	vst v63  }
0x240: {  	_ =	swait.ge [sflag:s22], $0x2800  }
0x241: {  	[sflag:s22] =	ssyncset.done $0x0  }
0x242: {  	s24 =	simm.s32 $0xBC0;
	[sflag:s22] =	ssyncadd.s32 $0xFFFFD800  }
0x243: {  	[tilespmem:s0], [sflag:$0x1] =	stream.indirect.gather [hbm4b:s17+s5], $0x80, s24, s5, $0xb8;
	[tilespmem:$0x1E080] =	vst v63  }
0x244: {  	_ =	swait.ge [sflag:s7], $0x2800  }
0x245: {  	[sflag:s7] =	ssyncset.done $0x0  }
0x246: {  	s26 =	simm.s32 $0xC10;
	[sflag:s7] =	ssyncadd.s32 $0xFFFFD800  }
0x247: {  	[tilespmem:s6], [sflag:$0x2] =	stream.indirect.gather [hbm4b:s17+s5], $0x80, s26, s5, $0xb8;
	[tilespmem:$0x1E080] =	vst v63  }
0x248: {  	_ =	swait.ge [sflag:s21], $0x2800  }
0x249: {  	[sflag:s21] =	ssyncset.done $0x0  }
0x24a: {  	s24 =	simm.s32 $0xC60;
	[sflag:s21] =	ssyncadd.s32 $0xFFFFD800  }
0x24b: {  	[tilespmem:s8], [sflag:$0x3] =	stream.indirect.gather [hbm4b:s17+s5], $0x80, s24, s5, $0xb8;
	[tilespmem:$0x1E080] =	vst v63  }
0x24c: {  	_ =	swait.ge [sflag:s9], $0x2800  }
0x24d: {  	[sflag:s9] =	ssyncset.done $0x0  }
0x24e: {  	s26 =	simm.s32 $0x2600;
	[sflag:s9] =	ssyncadd.s32 $0xFFFFD800  }
0x24f: {  	[spmem:s14] =	stream.indirect.scatter.add.f32 [tilespmem:s0], [sflag:$0x4], $0x80, s26, s5, $0xb8;
	[tilespmem:$0x1E080] =	vst v63  }
0x250: {  	_ =	swait.ge [sflag:s18], $0x2800  }
0x251: {  	[sflag:s18] =	ssyncset.done $0x0  }
0x252: {  	s24 =	simm.s32 $0x2680;
	[sflag:s18] =	ssyncadd.s32 $0xFFFFD800  }
0x253: {  	[spmem:s14] =	stream.indirect.scatter.add.f32 [tilespmem:s6], [sflag:$0x5], $0x80, s24, s5, $0xb8;
	[tilespmem:$0x1E080] =	vst v63  }
0x254: {  	_ =	swait.ge [sflag:s20], $0x2800  }
0x255: {  	[sflag:s20] =	ssyncset.done $0x0  }
0x256: {  	s26 =	simm.s32 $0x2700;
	[sflag:s20] =	ssyncadd.s32 $0xFFFFD800  }
0x257: {  	[spmem:s14] =	stream.indirect.scatter.add.f32 [tilespmem:s8], [sflag:$0x6], $0x80, s26, s5, $0xb8;
	[tilespmem:$0x1E080] =	vst v63  }
0x258: {  	_ =	swait.ge [sflag:s22], $0x2800  }
0x259: {  	[sflag:s22] =	ssyncset.done $0x0  }
0x25a: {  	s24 =	simm.s32 $0xCB0;
	[sflag:s22] =	ssyncadd.s32 $0xFFFFD800  }
0x25b: {  	[tilespmem:s0], [sflag:$0x1] =	stream.indirect.gather [hbm4b:s17+s5], $0x80, s24, s5, $0xb8;
	[tilespmem:$0x1E080] =	vst v63  }
0x25c: {  	_ =	swait.ge [sflag:s7], $0x2800  }
0x25d: {  	[sflag:s7] =	ssyncset.done $0x0  }
0x25e: {  	s26 =	simm.s32 $0xD00;
	[sflag:s7] =	ssyncadd.s32 $0xFFFFD800  }
0x25f: {  	[tilespmem:s6], [sflag:$0x2] =	stream.indirect.gather [hbm4b:s17+s5], $0x80, s26, s5, $0xb8;
	[tilespmem:$0x1E080] =	vst v63  }
0x260: {  	_ =	swait.ge [sflag:s21], $0x2800  }
0x261: {  	[sflag:s21] =	ssyncset.done $0x0  }
0x262: {  	s24 =	simm.s32 $0xD50;
	[sflag:s21] =	ssyncadd.s32 $0xFFFFD800  }
0x263: {  	[tilespmem:s8], [sflag:$0x3] =	stream.indirect.gather [hbm4b:s17+s5], $0x80, s24, s5, $0xb8;
	[tilespmem:$0x1E080] =	vst v63  }
0x264: {  	_ =	swait.ge [sflag:s9], $0x2800  }
0x265: {  	[sflag:s9] =	ssyncset.done $0x0  }
0x266: {  	s26 =	simm.s32 $0x2780;
	[sflag:s9] =	ssyncadd.s32 $0xFFFFD800  }
0x267: {  	[spmem:s14] =	stream.indirect.scatter.add.f32 [tilespmem:s0], [sflag:$0x4], $0x80, s26, s5, $0xb8;
	[tilespmem:$0x1E080] =	vst v63  }
0x268: {  	_ =	swait.ge [sflag:s18], $0x2800  }
0x269: {  	[sflag:s18] =	ssyncset.done $0x0  }
0x26a: {  	s24 =	simm.s32 $0x2800;
	[sflag:s18] =	ssyncadd.s32 $0xFFFFD800  }
0x26b: {  	[spmem:s14] =	stream.indirect.scatter.add.f32 [tilespmem:s6], [sflag:$0x5], $0x80, s24, s5, $0xb8;
	[tilespmem:$0x1E080] =	vst v63  }
0x26c: {  	_ =	swait.ge [sflag:s20], $0x2800  }
0x26d: {  	[sflag:s20] =	ssyncset.done $0x0  }
0x26e: {  	s26 =	simm.s32 $0x2880;
	[sflag:s20] =	ssyncadd.s32 $0xFFFFD800  }
0x26f: {  	[spmem:s14] =	stream.indirect.scatter.add.f32 [tilespmem:s8], [sflag:$0x6], $0x80, s26, s5, $0xb8;
	[tilespmem:$0x1E080] =	vst v63  }
0x270: {  	_ =	swait.ge [sflag:s22], $0x2800  }
0x271: {  	[sflag:s22] =	ssyncset.done $0x0  }
0x272: {  	s24 =	simm.s32 $0xDA0;
	[sflag:s22] =	ssyncadd.s32 $0xFFFFD800  }
0x273: {  	[tilespmem:s0], [sflag:$0x1] =	stream.indirect.gather [hbm4b:s17+s5], $0x80, s24, s5, $0xb8;
	[tilespmem:$0x1E080] =	vst v63  }
0x274: {  	_ =	swait.ge [sflag:s7], $0x2800  }
0x275: {  	[sflag:s7] =	ssyncset.done $0x0  }
0x276: {  	s26 =	simm.s32 $0xDF0;
	[sflag:s7] =	ssyncadd.s32 $0xFFFFD800  }
0x277: {  	[tilespmem:s6], [sflag:$0x2] =	stream.indirect.gather [hbm4b:s17+s5], $0x80, s26, s5, $0xb8;
	[tilespmem:$0x1E080] =	vst v63  }
0x278: {  	_ =	swait.ge [sflag:s21], $0x2800  }
0x279: {  	[sflag:s21] =	ssyncset.done $0x0  }
0x27a: {  	s24 =	simm.s32 $0xE40;
	[sflag:s21] =	ssyncadd.s32 $0xFFFFD800  }
0x27b: {  	[tilespmem:s8], [sflag:$0x3] =	stream.indirect.gather [hbm4b:s17+s5], $0x80, s24, s5, $0xb8;
	[tilespmem:$0x1E080] =	vst v63  }
0x27c: {  	_ =	swait.ge [sflag:s9], $0x2800  }
0x27d: {  	[sflag:s9] =	ssyncset.done $0x0  }
0x27e: {  	s26 =	simm.s32 $0x2900;
	[sflag:s9] =	ssyncadd.s32 $0xFFFFD800  }
0x27f: {  	[spmem:s14] =	stream.indirect.scatter.add.f32 [tilespmem:s0], [sflag:$0x4], $0x80, s26, s5, $0xb8;
	[tilespmem:$0x1E080] =	vst v63  }
0x280: {  	_ =	swait.ge [sflag:s18], $0x2800  }
0x281: {  	[sflag:s18] =	ssyncset.done $0x0  }
0x282: {  	s24 =	simm.s32 $0x2980;
	[sflag:s18] =	ssyncadd.s32 $0xFFFFD800  }
0x283: {  	[spmem:s14] =	stream.indirect.scatter.add.f32 [tilespmem:s6], [sflag:$0x5], $0x80, s24, s5, $0xb8;
	[tilespmem:$0x1E080] =	vst v63  }
0x284: {  	_ =	swait.ge [sflag:s20], $0x2800  }
0x285: {  	[sflag:s20] =	ssyncset.done $0x0  }
0x286: {  	s26 =	simm.s32 $0x2A00;
	[sflag:s20] =	ssyncadd.s32 $0xFFFFD800  }
0x287: {  	[spmem:s14] =	stream.indirect.scatter.add.f32 [tilespmem:s8], [sflag:$0x6], $0x80, s26, s5, $0xb8;
	[tilespmem:$0x1E080] =	vst v63  }
0x288: {  	_ =	swait.ge [sflag:s22], $0x2800  }
0x289: {  	[sflag:s22] =	ssyncset.done $0x0  }
0x28a: {  	s24 =	simm.s32 $0xE90;
	[sflag:s22] =	ssyncadd.s32 $0xFFFFD800  }
0x28b: {  	[tilespmem:s0], [sflag:$0x1] =	stream.indirect.gather [hbm4b:s17+s5], $0x80, s24, s5, $0xb8;
	[tilespmem:$0x1E080] =	vst v63  }
0x28c: {  	_ =	swait.ge [sflag:s7], $0x2800  }
0x28d: {  	[sflag:s7] =	ssyncset.done $0x0  }
0x28e: {  	s26 =	simm.s32 $0xEE0;
	[sflag:s7] =	ssyncadd.s32 $0xFFFFD800  }
0x28f: {  	[tilespmem:s6], [sflag:$0x2] =	stream.indirect.gather [hbm4b:s17+s5], $0x80, s26, s5, $0xb8;
	[tilespmem:$0x1E080] =	vst v63  }
0x290: {  	_ =	swait.ge [sflag:s21], $0x2800  }
0x291: {  	[sflag:s21] =	ssyncset.done $0x0  }
0x292: {  	s24 =	simm.s32 $0xF30;
	[sflag:s21] =	ssyncadd.s32 $0xFFFFD800  }
0x293: {  	[tilespmem:s8], [sflag:$0x3] =	stream.indirect.gather [hbm4b:s17+s5], $0x80, s24, s5, $0xb8;
	[tilespmem:$0x1E080] =	vst v63  }
0x294: {  	_ =	swait.ge [sflag:s9], $0x2800  }
0x295: {  	[sflag:s9] =	ssyncset.done $0x0  }
0x296: {  	s26 =	simm.s32 $0x2A80;
	[sflag:s9] =	ssyncadd.s32 $0xFFFFD800  }
0x297: {  	[spmem:s14] =	stream.indirect.scatter.add.f32 [tilespmem:s0], [sflag:$0x4], $0x80, s26, s5, $0xb8;
	[tilespmem:$0x1E080] =	vst v63  }
0x298: {  	_ =	swait.ge [sflag:s18], $0x2800  }
0x299: {  	[sflag:s18] =	ssyncset.done $0x0  }
0x29a: {  	s24 =	simm.s32 $0x2B00;
	[sflag:s18] =	ssyncadd.s32 $0xFFFFD800  }
0x29b: {  	[spmem:s14] =	stream.indirect.scatter.add.f32 [tilespmem:s6], [sflag:$0x5], $0x80, s24, s5, $0xb8;
	[tilespmem:$0x1E080] =	vst v63  }
0x29c: {  	_ =	swait.ge [sflag:s20], $0x2800  }
0x29d: {  	[sflag:s20] =	ssyncset.done $0x0  }
0x29e: {  	s26 =	simm.s32 $0x2B80;
	[sflag:s20] =	ssyncadd.s32 $0xFFFFD800  }
0x29f: {  	[spmem:s14] =	stream.indirect.scatter.add.f32 [tilespmem:s8], [sflag:$0x6], $0x80, s26, s5, $0xb8;
	[tilespmem:$0x1E080] =	vst v63  }
0x2a0: {  	_ =	swait.ge [sflag:s22], $0x2800  }
0x2a1: {  	[sflag:s22] =	ssyncset.done $0x0  }
0x2a2: {  	s24 =	simm.s32 $0xF80;
	[sflag:s22] =	ssyncadd.s32 $0xFFFFD800  }
0x2a3: {  	[tilespmem:s0], [sflag:$0x1] =	stream.indirect.gather [hbm4b:s17+s5], $0x80, s24, s5, $0xb8;
	[tilespmem:$0x1E080] =	vst v63  }
0x2a4: {  	_ =	swait.ge [sflag:s9], $0x2800  }
0x2a5: {  	[sflag:s9] =	ssyncset.done $0x0  }
0x2a6: {  	s26 =	simm.s32 $0x2C00;
	[sflag:s9] =	ssyncadd.s32 $0xFFFFD800  }
0x2a7: {  	[spmem:s14] =	stream.indirect.scatter.add.f32 [tilespmem:s0], [sflag:$0x4], $0x80, s26, s5, $0xb8;
	[tilespmem:$0x1E080] =	vst v63  }
0x2a8: {  	_ =	swait.ge [sflag:s22], $0x2800  }
0x2a9: {  	[sflag:s22] =	ssyncset.done $0x0  }
0x2aa: {  	[sflag:s22] =	ssyncadd.s32 $0xFFFFD800  }
0x2ab: {  	_ =	swait.ge [sflag:s7], $0x2800  }
0x2ac: {  	[sflag:s7] =	ssyncset.done $0x0  }
0x2ad: {  	[sflag:s7] =	ssyncadd.s32 $0xFFFFD800  }
0x2ae: {  	_ =	swait.ge [sflag:s21], $0x2800  }
0x2af: {  	[sflag:s21] =	ssyncset.done $0x0  }
0x2b0: {  	[sflag:s21] =	ssyncadd.s32 $0xFFFFD800  }
0x2b1: {  	_ =	swait.ge [sflag:s3], $0x7D0  }
0x2b2: {  	[sflag:s3] =	ssyncset.done $0x0  }
0x2b3: {  	[sflag:s3] =	ssyncadd.s32 $0xFFFFF830  }
0x2b4: {  	_ =	swait.ge [sflag:s3], $0x50  }
0x2b5: {  	[sflag:s3] =	ssyncset.done $0x0  }
0x2b6: {  	[sflag:s3] =	ssyncadd.s32 $0xFFFFFFB0  }
0x2b7: {  	_ =	swait.ge [sflag:s3], $0x50  }
0x2b8: {  	[sflag:s3] =	ssyncset.done $0x0  }
0x2b9: {  	[sflag:s3] =	ssyncadd.s32 $0xFFFFFFB0  }
0x2ba: {  	_ =	swait.ge [sflag:s3], $0x50  }
0x2bb: {  	[sflag:s3] =	ssyncset.done $0x0  }
0x2bc: {  	[sflag:s3] =	ssyncadd.s32 $0xFFFFFFB0  }
0x2bd: {  	_ =	swait.ge [sflag:s3], $0x50  }
0x2be: {  	[sflag:s3] =	ssyncset.done $0x0  }
0x2bf: {  	[sflag:s3] =	ssyncadd.s32 $0xFFFFFFB0  }
0x2c0: {  	_ =	swait.ge [sflag:s3], $0x50  }
0x2c1: {  	[sflag:s3] =	ssyncset.done $0x0  }
0x2c2: {  	[sflag:s3] =	ssyncadd.s32 $0xFFFFFFB0  }
0x2c3: {  	_ =	swait.ge [sflag:s3], $0x50  }
0x2c4: {  	[sflag:s3] =	ssyncset.done $0x0  }
0x2c5: {  	[sflag:s3] =	ssyncadd.s32 $0xFFFFFFB0  }
0x2c6: {  	_ =	swait.ge [sflag:s3], $0x50  }
0x2c7: {  	[sflag:s3] =	ssyncset.done $0x0  }
0x2c8: {  	[sflag:s3] =	ssyncadd.s32 $0xFFFFFFB0  }
0x2c9: {  	_ =	swait.ge [sflag:s3], $0x50  }
0x2ca: {  	[sflag:s3] =	ssyncset.done $0x0  }
0x2cb: {  	[sflag:s3] =	ssyncadd.s32 $0xFFFFFFB0  }
0x2cc: {  	_ =	swait.ge [sflag:s3], $0x50  }
0x2cd: {  	[sflag:s3] =	ssyncset.done $0x0  }
0x2ce: {  	[sflag:s3] =	ssyncadd.s32 $0xFFFFFFB0  }
0x2cf: {  	_ =	swait.ge [sflag:s3], $0x50  }
0x2d0: {  	[sflag:s3] =	ssyncset.done $0x0  }
0x2d1: {  	[sflag:s3] =	ssyncadd.s32 $0xFFFFFFB0  }
0x2d2: {  	_ =	swait.ge [sflag:s3], $0x50  }
0x2d3: {  	[sflag:s3] =	ssyncset.done $0x0  }
0x2d4: {  	[sflag:s3] =	ssyncadd.s32 $0xFFFFFFB0  }
0x2d5: {  	_ =	swait.ge [sflag:s3], $0x50  }
0x2d6: {  	[sflag:s3] =	ssyncset.done $0x0  }
0x2d7: {  	[sflag:s3] =	ssyncadd.s32 $0xFFFFFFB0  }
0x2d8: {  	_ =	swait.ge [sflag:s3], $0x50  }
0x2d9: {  	[sflag:s3] =	ssyncset.done $0x0  }
0x2da: {  	[sflag:s3] =	ssyncadd.s32 $0xFFFFFFB0  }
0x2db: {  	_ =	swait.ge [sflag:s3], $0x50  }
0x2dc: {  	[sflag:s3] =	ssyncset.done $0x0  }
0x2dd: {  	[sflag:s3] =	ssyncadd.s32 $0xFFFFFFB0  }
0x2de: {  	_ =	swait.ge [sflag:s3], $0x50  }
0x2df: {  	[sflag:s3] =	ssyncset.done $0x0  }
0x2e0: {  	[sflag:s3] =	ssyncadd.s32 $0xFFFFFFB0  }
0x2e1: {  	_ =	swait.ge [sflag:s3], $0x50  }
0x2e2: {  	[sflag:s3] =	ssyncset.done $0x0  }
0x2e3: {  	[sflag:s3] =	ssyncadd.s32 $0xFFFFFFB0  }
0x2e4: {  	_ =	swait.ge [sflag:s3], $0x50  }
0x2e5: {  	[sflag:s3] =	ssyncset.done $0x0  }
0x2e6: {  	[sflag:s3] =	ssyncadd.s32 $0xFFFFFFB0  }
0x2e7: {  	_ =	swait.ge [sflag:s3], $0x50  }
0x2e8: {  	[sflag:s3] =	ssyncset.done $0x0  }
0x2e9: {  	[sflag:s3] =	ssyncadd.s32 $0xFFFFFFB0  }
0x2ea: {  	_ =	swait.ge [sflag:s3], $0x50  }
0x2eb: {  	[sflag:s3] =	ssyncset.done $0x0  }
0x2ec: {  	[sflag:s3] =	ssyncadd.s32 $0xFFFFFFB0  }
0x2ed: {  	_ =	swait.ge [sflag:s3], $0x50  }
0x2ee: {  	[sflag:s3] =	ssyncset.done $0x0  }
0x2ef: {  	[sflag:s3] =	ssyncadd.s32 $0xFFFFFFB0  }
0x2f0: {  	_ =	swait.ge [sflag:s3], $0x50  }
0x2f1: {  	[sflag:s3] =	ssyncset.done $0x0  }
0x2f2: {  	[sflag:s3] =	ssyncadd.s32 $0xFFFFFFB0  }
0x2f3: {  	_ =	swait.ge [sflag:s3], $0x50  }
0x2f4: {  	[sflag:s3] =	ssyncset.done $0x0  }
0x2f5: {  	[sflag:s3] =	ssyncadd.s32 $0xFFFFFFB0  }
0x2f6: {  	_ =	swait.ge [sflag:s3], $0x50  }
0x2f7: {  	[sflag:s3] =	ssyncset.done $0x0  }
0x2f8: {  	[sflag:s3] =	ssyncadd.s32 $0xFFFFFFB0  }
0x2f9: {  	_ =	swait.ge [sflag:s3], $0x50  }
0x2fa: {  	[sflag:s3] =	ssyncset.done $0x0  }
0x2fb: {  	[sflag:s3] =	ssyncadd.s32 $0xFFFFFFB0  }
0x2fc: {  	_ =	swait.ge [sflag:s3], $0x50  }
0x2fd: {  	s4 =	simm.s32 $0x0;
	[sflag:s3] =	ssyncset.done $0x0  }
0x2fe: {  	s26 =	simm.s32 $0x800;
	s24 =	rddreg [dreg:$0xf];
	[sflag:s3] =	ssyncadd.s32 $0xFFFFFFB0  }
0x2ff: {  	[tilespmem:s25], [sflag:$0x7] =	stream.linear.gather [hbm4b:s24+s4], $0x7D0, $0x38;
	[tilespmem:$0x1E080] =	vst v63  }
0x300: {  	s24 =	simm.s32 $0xA;
	s4 =	sadd.s32 $0x0, s15;
	s25 =	simm.s32 $0x2080  }
.LBB2_10:
0x301: {  	[tilespmem:s19], [sflag:$0x7] =	stream.linear.gather [hbm4b:s4+s1], $0x50, $0x38;
	[tilespmem:$0x1E080] =	vst v63  }
0x302: {  	s4 =	smov.u32 s24;
	s19 =	smov.u32 s25;
	p1 =	sne.s32 s24, $0xF0  }
.Ltmp4:
0x303: {  	s24 =	sadd.s32 $0xA, s24;
	(pc) =	sbr.rel @p1 .LBB2_10-.Ltmp4, $2  }
0x304: {  	_ =	sdelay $0x2  }
0x305: {  	s25 =	sadd.s32 $0x80, s25;
	s4 =	sadd.s32 s4, s15  }
0x306: {  	[tilespmem:s19], [sflag:$0x7] =	stream.linear.gather [hbm4b:s4+s1], $0x50, $0x38;
	[tilespmem:$0x1E080] =	vst v63  }
0x307: {  	s24 =	simm.s32 $0x0  }
0x308: {  	[tilespmem:s0], [sflag:$0x1] =	stream.indirect.gather [hbm4b:s17+s5], $0x80, s24, s5, $0xb8;
	[tilespmem:$0x1E080] =	vst v63  }
0x309: {  	_ = 	snop  }
0x30a: {  	[tilespmem:s6], [sflag:$0x2] =	stream.indirect.gather [hbm4b:s17+s5], $0x80, s5, s5, $0xb8;
	[tilespmem:$0x1E080] =	vst v63  }
0x30b: {  	s19 =	simm.s32 $0xA0  }
0x30c: {  	[tilespmem:s8], [sflag:$0x3] =	stream.indirect.gather [hbm4b:s17+s5], $0x80, s19, s5, $0xb8;
	[tilespmem:$0x1E080] =	vst v63  }
0x30d: {  	_ =	swait.ge [sflag:s9], $0x2800  }
0x30e: {  	[sflag:s9] =	ssyncset.done $0x0  }
0x30f: {  	s19 =	simm.s32 $0x1000;
	[sflag:s9] =	ssyncadd.s32 $0xFFFFD800  }
0x310: {  	[spmem:s14] =	stream.indirect.scatter.add.f32 [tilespmem:s0], [sflag:$0x4], $0x80, s19, s5, $0xb8;
	[tilespmem:$0x1E080] =	vst v63  }
0x311: {  	_ =	swait.ge [sflag:s18], $0x2800  }
0x312: {  	[sflag:s18] =	ssyncset.done $0x0  }
0x313: {  	s25 =	simm.s32 $0x1080;
	[sflag:s18] =	ssyncadd.s32 $0xFFFFD800  }
0x314: {  	[spmem:s14] =	stream.indirect.scatter.add.f32 [tilespmem:s6], [sflag:$0x5], $0x80, s25, s5, $0xb8;
	[tilespmem:$0x1E080] =	vst v63  }
0x315: {  	_ =	swait.ge [sflag:s20], $0x2800  }
0x316: {  	[sflag:s20] =	ssyncset.done $0x0  }
0x317: {  	s25 =	simm.s32 $0x1100;
	[sflag:s20] =	ssyncadd.s32 $0xFFFFD800  }
0x318: {  	[spmem:s14] =	stream.indirect.scatter.add.f32 [tilespmem:s8], [sflag:$0x6], $0x80, s25, s5, $0xb8;
	[tilespmem:$0x1E080] =	vst v63  }
0x319: {  	_ =	swait.ge [sflag:s22], $0x2800  }
0x31a: {  	[sflag:s22] =	ssyncset.done $0x0  }
0x31b: {  	s25 =	simm.s32 $0xF0;
	[sflag:s22] =	ssyncadd.s32 $0xFFFFD800  }
0x31c: {  	[tilespmem:s0], [sflag:$0x1] =	stream.indirect.gather [hbm4b:s17+s5], $0x80, s25, s5, $0xb8;
	[tilespmem:$0x1E080] =	vst v63  }
0x31d: {  	_ =	swait.ge [sflag:s7], $0x2800  }
0x31e: {  	[sflag:s7] =	ssyncset.done $0x0  }
0x31f: {  	s25 =	simm.s32 $0x140;
	[sflag:s7] =	ssyncadd.s32 $0xFFFFD800  }
0x320: {  	[tilespmem:s6], [sflag:$0x2] =	stream.indirect.gather [hbm4b:s17+s5], $0x80, s25, s5, $0xb8;
	[tilespmem:$0x1E080] =	vst v63  }
0x321: {  	_ =	swait.ge [sflag:s21], $0x2800  }
0x322: {  	[sflag:s21] =	ssyncset.done $0x0  }
0x323: {  	s25 =	simm.s32 $0x190;
	[sflag:s21] =	ssyncadd.s32 $0xFFFFD800  }
0x324: {  	[tilespmem:s8], [sflag:$0x3] =	stream.indirect.gather [hbm4b:s17+s5], $0x80, s25, s5, $0xb8;
	[tilespmem:$0x1E080] =	vst v63  }
0x325: {  	_ =	swait.ge [sflag:s9], $0x2800  }
0x326: {  	[sflag:s9] =	ssyncset.done $0x0  }
0x327: {  	s25 =	simm.s32 $0x1180;
	[sflag:s9] =	ssyncadd.s32 $0xFFFFD800  }
0x328: {  	[spmem:s14] =	stream.indirect.scatter.add.f32 [tilespmem:s0], [sflag:$0x4], $0x80, s25, s5, $0xb8;
	[tilespmem:$0x1E080] =	vst v63  }
0x329: {  	_ =	swait.ge [sflag:s18], $0x2800  }
0x32a: {  	[sflag:s18] =	ssyncset.done $0x0  }
0x32b: {  	s25 =	simm.s32 $0x1200;
	[sflag:s18] =	ssyncadd.s32 $0xFFFFD800  }
0x32c: {  	[spmem:s14] =	stream.indirect.scatter.add.f32 [tilespmem:s6], [sflag:$0x5], $0x80, s25, s5, $0xb8;
	[tilespmem:$0x1E080] =	vst v63  }
0x32d: {  	_ =	swait.ge [sflag:s20], $0x2800  }
0x32e: {  	[sflag:s20] =	ssyncset.done $0x0  }
0x32f: {  	s25 =	simm.s32 $0x1280;
	[sflag:s20] =	ssyncadd.s32 $0xFFFFD800  }
0x330: {  	[spmem:s14] =	stream.indirect.scatter.add.f32 [tilespmem:s8], [sflag:$0x6], $0x80, s25, s5, $0xb8;
	[tilespmem:$0x1E080] =	vst v63  }
0x331: {  	_ =	swait.ge [sflag:s22], $0x2800  }
0x332: {  	[sflag:s22] =	ssyncset.done $0x0  }
0x333: {  	s25 =	simm.s32 $0x1E0;
	[sflag:s22] =	ssyncadd.s32 $0xFFFFD800  }
0x334: {  	[tilespmem:s0], [sflag:$0x1] =	stream.indirect.gather [hbm4b:s17+s5], $0x80, s25, s5, $0xb8;
	[tilespmem:$0x1E080] =	vst v63  }
0x335: {  	_ =	swait.ge [sflag:s7], $0x2800  }
0x336: {  	[sflag:s7] =	ssyncset.done $0x0  }
0x337: {  	s25 =	simm.s32 $0x230;
	[sflag:s7] =	ssyncadd.s32 $0xFFFFD800  }
0x338: {  	[tilespmem:s6], [sflag:$0x2] =	stream.indirect.gather [hbm4b:s17+s5], $0x80, s25, s5, $0xb8;
	[tilespmem:$0x1E080] =	vst v63  }
0x339: {  	_ =	swait.ge [sflag:s21], $0x2800  }
0x33a: {  	[sflag:s21] =	ssyncset.done $0x0  }
0x33b: {  	s25 =	simm.s32 $0x280;
	[sflag:s21] =	ssyncadd.s32 $0xFFFFD800  }
0x33c: {  	[tilespmem:s8], [sflag:$0x3] =	stream.indirect.gather [hbm4b:s17+s5], $0x80, s25, s5, $0xb8;
	[tilespmem:$0x1E080] =	vst v63  }
0x33d: {  	_ =	swait.ge [sflag:s9], $0x2800  }
0x33e: {  	[sflag:s9] =	ssyncset.done $0x0  }
0x33f: {  	s25 =	simm.s32 $0x1300;
	[sflag:s9] =	ssyncadd.s32 $0xFFFFD800  }
0x340: {  	[spmem:s14] =	stream.indirect.scatter.add.f32 [tilespmem:s0], [sflag:$0x4], $0x80, s25, s5, $0xb8;
	[tilespmem:$0x1E080] =	vst v63  }
0x341: {  	_ =	swait.ge [sflag:s18], $0x2800  }
0x342: {  	[sflag:s18] =	ssyncset.done $0x0  }
0x343: {  	s25 =	simm.s32 $0x1380;
	[sflag:s18] =	ssyncadd.s32 $0xFFFFD800  }
0x344: {  	[spmem:s14] =	stream.indirect.scatter.add.f32 [tilespmem:s6], [sflag:$0x5], $0x80, s25, s5, $0xb8;
	[tilespmem:$0x1E080] =	vst v63  }
0x345: {  	_ =	swait.ge [sflag:s20], $0x2800  }
0x346: {  	[sflag:s20] =	ssyncset.done $0x0  }
0x347: {  	s25 =	simm.s32 $0x1400;
	[sflag:s20] =	ssyncadd.s32 $0xFFFFD800  }
0x348: {  	[spmem:s14] =	stream.indirect.scatter.add.f32 [tilespmem:s8], [sflag:$0x6], $0x80, s25, s5, $0xb8;
	[tilespmem:$0x1E080] =	vst v63  }
0x349: {  	_ =	swait.ge [sflag:s22], $0x2800  }
0x34a: {  	[sflag:s22] =	ssyncset.done $0x0  }
0x34b: {  	s25 =	simm.s32 $0x2D0;
	[sflag:s22] =	ssyncadd.s32 $0xFFFFD800  }
0x34c: {  	[tilespmem:s0], [sflag:$0x1] =	stream.indirect.gather [hbm4b:s17+s5], $0x80, s25, s5, $0xb8;
	[tilespmem:$0x1E080] =	vst v63  }
0x34d: {  	_ =	swait.ge [sflag:s7], $0x2800  }
0x34e: {  	[sflag:s7] =	ssyncset.done $0x0  }
0x34f: {  	s25 =	simm.s32 $0x320;
	[sflag:s7] =	ssyncadd.s32 $0xFFFFD800  }
0x350: {  	[tilespmem:s6], [sflag:$0x2] =	stream.indirect.gather [hbm4b:s17+s5], $0x80, s25, s5, $0xb8;
	[tilespmem:$0x1E080] =	vst v63  }
0x351: {  	_ =	swait.ge [sflag:s21], $0x2800  }
0x352: {  	[sflag:s21] =	ssyncset.done $0x0  }
0x353: {  	s25 =	simm.s32 $0x370;
	[sflag:s21] =	ssyncadd.s32 $0xFFFFD800  }
0x354: {  	[tilespmem:s8], [sflag:$0x3] =	stream.indirect.gather [hbm4b:s17+s5], $0x80, s25, s5, $0xb8;
	[tilespmem:$0x1E080] =	vst v63  }
0x355: {  	_ =	swait.ge [sflag:s9], $0x2800  }
0x356: {  	[sflag:s9] =	ssyncset.done $0x0  }
0x357: {  	s25 =	simm.s32 $0x1480;
	[sflag:s9] =	ssyncadd.s32 $0xFFFFD800  }
0x358: {  	[spmem:s14] =	stream.indirect.scatter.add.f32 [tilespmem:s0], [sflag:$0x4], $0x80, s25, s5, $0xb8;
	[tilespmem:$0x1E080] =	vst v63  }
0x359: {  	_ =	swait.ge [sflag:s18], $0x2800  }
0x35a: {  	[sflag:s18] =	ssyncset.done $0x0  }
0x35b: {  	s25 =	simm.s32 $0x1500;
	[sflag:s18] =	ssyncadd.s32 $0xFFFFD800  }
0x35c: {  	[spmem:s14] =	stream.indirect.scatter.add.f32 [tilespmem:s6], [sflag:$0x5], $0x80, s25, s5, $0xb8;
	[tilespmem:$0x1E080] =	vst v63  }
0x35d: {  	_ =	swait.ge [sflag:s20], $0x2800  }
0x35e: {  	[sflag:s20] =	ssyncset.done $0x0  }
0x35f: {  	s25 =	simm.s32 $0x1580;
	[sflag:s20] =	ssyncadd.s32 $0xFFFFD800  }
0x360: {  	[spmem:s14] =	stream.indirect.scatter.add.f32 [tilespmem:s8], [sflag:$0x6], $0x80, s25, s5, $0xb8;
	[tilespmem:$0x1E080] =	vst v63  }
0x361: {  	_ =	swait.ge [sflag:s22], $0x2800  }
0x362: {  	[sflag:s22] =	ssyncset.done $0x0  }
0x363: {  	s25 =	simm.s32 $0x3C0;
	[sflag:s22] =	ssyncadd.s32 $0xFFFFD800  }
0x364: {  	[tilespmem:s0], [sflag:$0x1] =	stream.indirect.gather [hbm4b:s17+s5], $0x80, s25, s5, $0xb8;
	[tilespmem:$0x1E080] =	vst v63  }
0x365: {  	_ =	swait.ge [sflag:s7], $0x2800  }
0x366: {  	[sflag:s7] =	ssyncset.done $0x0  }
0x367: {  	s25 =	simm.s32 $0x410;
	[sflag:s7] =	ssyncadd.s32 $0xFFFFD800  }
0x368: {  	[tilespmem:s6], [sflag:$0x2] =	stream.indirect.gather [hbm4b:s17+s5], $0x80, s25, s5, $0xb8;
	[tilespmem:$0x1E080] =	vst v63  }
0x369: {  	_ =	swait.ge [sflag:s21], $0x2800  }
0x36a: {  	[sflag:s21] =	ssyncset.done $0x0  }
0x36b: {  	s25 =	simm.s32 $0x460;
	[sflag:s21] =	ssyncadd.s32 $0xFFFFD800  }
0x36c: {  	[tilespmem:s8], [sflag:$0x3] =	stream.indirect.gather [hbm4b:s17+s5], $0x80, s25, s5, $0xb8;
	[tilespmem:$0x1E080] =	vst v63  }
0x36d: {  	_ =	swait.ge [sflag:s9], $0x2800  }
0x36e: {  	[sflag:s9] =	ssyncset.done $0x0  }
0x36f: {  	s25 =	simm.s32 $0x1600;
	[sflag:s9] =	ssyncadd.s32 $0xFFFFD800  }
0x370: {  	[spmem:s14] =	stream.indirect.scatter.add.f32 [tilespmem:s0], [sflag:$0x4], $0x80, s25, s5, $0xb8;
	[tilespmem:$0x1E080] =	vst v63  }
0x371: {  	_ =	swait.ge [sflag:s18], $0x2800  }
0x372: {  	[sflag:s18] =	ssyncset.done $0x0  }
0x373: {  	s25 =	simm.s32 $0x1680;
	[sflag:s18] =	ssyncadd.s32 $0xFFFFD800  }
0x374: {  	[spmem:s14] =	stream.indirect.scatter.add.f32 [tilespmem:s6], [sflag:$0x5], $0x80, s25, s5, $0xb8;
	[tilespmem:$0x1E080] =	vst v63  }
0x375: {  	_ =	swait.ge [sflag:s20], $0x2800  }
0x376: {  	[sflag:s20] =	ssyncset.done $0x0  }
0x377: {  	s25 =	simm.s32 $0x1700;
	[sflag:s20] =	ssyncadd.s32 $0xFFFFD800  }
0x378: {  	[spmem:s14] =	stream.indirect.scatter.add.f32 [tilespmem:s8], [sflag:$0x6], $0x80, s25, s5, $0xb8;
	[tilespmem:$0x1E080] =	vst v63  }
0x379: {  	_ =	swait.ge [sflag:s22], $0x2800  }
0x37a: {  	[sflag:s22] =	ssyncset.done $0x0  }
0x37b: {  	s25 =	simm.s32 $0x4B0;
	[sflag:s22] =	ssyncadd.s32 $0xFFFFD800  }
0x37c: {  	[tilespmem:s0], [sflag:$0x1] =	stream.indirect.gather [hbm4b:s17+s5], $0x80, s25, s5, $0xb8;
	[tilespmem:$0x1E080] =	vst v63  }
0x37d: {  	_ =	swait.ge [sflag:s7], $0x2800  }
0x37e: {  	[sflag:s7] =	ssyncset.done $0x0  }
0x37f: {  	s25 =	simm.s32 $0x500;
	[sflag:s7] =	ssyncadd.s32 $0xFFFFD800  }
0x380: {  	[tilespmem:s6], [sflag:$0x2] =	stream.indirect.gather [hbm4b:s17+s5], $0x80, s25, s5, $0xb8;
	[tilespmem:$0x1E080] =	vst v63  }
0x381: {  	_ =	swait.ge [sflag:s21], $0x2800  }
0x382: {  	[sflag:s21] =	ssyncset.done $0x0  }
0x383: {  	s25 =	simm.s32 $0x550;
	[sflag:s21] =	ssyncadd.s32 $0xFFFFD800  }
0x384: {  	[tilespmem:s8], [sflag:$0x3] =	stream.indirect.gather [hbm4b:s17+s5], $0x80, s25, s5, $0xb8;
	[tilespmem:$0x1E080] =	vst v63  }
0x385: {  	_ =	swait.ge [sflag:s9], $0x2800  }
0x386: {  	[sflag:s9] =	ssyncset.done $0x0  }
0x387: {  	s25 =	simm.s32 $0x1780;
	[sflag:s9] =	ssyncadd.s32 $0xFFFFD800  }
0x388: {  	[spmem:s14] =	stream.indirect.scatter.add.f32 [tilespmem:s0], [sflag:$0x4], $0x80, s25, s5, $0xb8;
	[tilespmem:$0x1E080] =	vst v63  }
0x389: {  	_ =	swait.ge [sflag:s18], $0x2800  }
0x38a: {  	[sflag:s18] =	ssyncset.done $0x0  }
0x38b: {  	s25 =	simm.s32 $0x1800;
	[sflag:s18] =	ssyncadd.s32 $0xFFFFD800  }
0x38c: {  	[spmem:s14] =	stream.indirect.scatter.add.f32 [tilespmem:s6], [sflag:$0x5], $0x80, s25, s5, $0xb8;
	[tilespmem:$0x1E080] =	vst v63  }
0x38d: {  	_ =	swait.ge [sflag:s20], $0x2800  }
0x38e: {  	[sflag:s20] =	ssyncset.done $0x0  }
0x38f: {  	s25 =	simm.s32 $0x1880;
	[sflag:s20] =	ssyncadd.s32 $0xFFFFD800  }
0x390: {  	[spmem:s14] =	stream.indirect.scatter.add.f32 [tilespmem:s8], [sflag:$0x6], $0x80, s25, s5, $0xb8;
	[tilespmem:$0x1E080] =	vst v63  }
0x391: {  	_ =	swait.ge [sflag:s22], $0x2800  }
0x392: {  	[sflag:s22] =	ssyncset.done $0x0  }
0x393: {  	s25 =	simm.s32 $0x5A0;
	[sflag:s22] =	ssyncadd.s32 $0xFFFFD800  }
0x394: {  	[tilespmem:s0], [sflag:$0x1] =	stream.indirect.gather [hbm4b:s17+s5], $0x80, s25, s5, $0xb8;
	[tilespmem:$0x1E080] =	vst v63  }
0x395: {  	_ =	swait.ge [sflag:s7], $0x2800  }
0x396: {  	[sflag:s7] =	ssyncset.done $0x0  }
0x397: {  	s25 =	simm.s32 $0x5F0;
	[sflag:s7] =	ssyncadd.s32 $0xFFFFD800  }
0x398: {  	[tilespmem:s6], [sflag:$0x2] =	stream.indirect.gather [hbm4b:s17+s5], $0x80, s25, s5, $0xb8;
	[tilespmem:$0x1E080] =	vst v63  }
0x399: {  	_ =	swait.ge [sflag:s21], $0x2800  }
0x39a: {  	[sflag:s21] =	ssyncset.done $0x0  }
0x39b: {  	s25 =	simm.s32 $0x640;
	[sflag:s21] =	ssyncadd.s32 $0xFFFFD800  }
0x39c: {  	[tilespmem:s8], [sflag:$0x3] =	stream.indirect.gather [hbm4b:s17+s5], $0x80, s25, s5, $0xb8;
	[tilespmem:$0x1E080] =	vst v63  }
0x39d: {  	_ =	swait.ge [sflag:s9], $0x2800  }
0x39e: {  	[sflag:s9] =	ssyncset.done $0x0  }
0x39f: {  	s25 =	simm.s32 $0x1900;
	[sflag:s9] =	ssyncadd.s32 $0xFFFFD800  }
0x3a0: {  	[spmem:s14] =	stream.indirect.scatter.add.f32 [tilespmem:s0], [sflag:$0x4], $0x80, s25, s5, $0xb8;
	[tilespmem:$0x1E080] =	vst v63  }
0x3a1: {  	_ =	swait.ge [sflag:s18], $0x2800  }
0x3a2: {  	[sflag:s18] =	ssyncset.done $0x0  }
0x3a3: {  	s25 =	simm.s32 $0x1980;
	[sflag:s18] =	ssyncadd.s32 $0xFFFFD800  }
0x3a4: {  	[spmem:s14] =	stream.indirect.scatter.add.f32 [tilespmem:s6], [sflag:$0x5], $0x80, s25, s5, $0xb8;
	[tilespmem:$0x1E080] =	vst v63  }
0x3a5: {  	_ =	swait.ge [sflag:s20], $0x2800  }
0x3a6: {  	[sflag:s20] =	ssyncset.done $0x0  }
0x3a7: {  	s25 =	simm.s32 $0x1A00;
	[sflag:s20] =	ssyncadd.s32 $0xFFFFD800  }
0x3a8: {  	[spmem:s14] =	stream.indirect.scatter.add.f32 [tilespmem:s8], [sflag:$0x6], $0x80, s25, s5, $0xb8;
	[tilespmem:$0x1E080] =	vst v63  }
0x3a9: {  	_ =	swait.ge [sflag:s22], $0x2800  }
0x3aa: {  	[sflag:s22] =	ssyncset.done $0x0  }
0x3ab: {  	s25 =	simm.s32 $0x690;
	[sflag:s22] =	ssyncadd.s32 $0xFFFFD800  }
0x3ac: {  	[tilespmem:s0], [sflag:$0x1] =	stream.indirect.gather [hbm4b:s17+s5], $0x80, s25, s5, $0xb8;
	[tilespmem:$0x1E080] =	vst v63  }
0x3ad: {  	_ =	swait.ge [sflag:s7], $0x2800  }
0x3ae: {  	[sflag:s7] =	ssyncset.done $0x0  }
0x3af: {  	s25 =	simm.s32 $0x6E0;
	[sflag:s7] =	ssyncadd.s32 $0xFFFFD800  }
0x3b0: {  	[tilespmem:s6], [sflag:$0x2] =	stream.indirect.gather [hbm4b:s17+s5], $0x80, s25, s5, $0xb8;
	[tilespmem:$0x1E080] =	vst v63  }
0x3b1: {  	_ =	swait.ge [sflag:s21], $0x2800  }
0x3b2: {  	[sflag:s21] =	ssyncset.done $0x0  }
0x3b3: {  	s25 =	simm.s32 $0x730;
	[sflag:s21] =	ssyncadd.s32 $0xFFFFD800  }
0x3b4: {  	[tilespmem:s8], [sflag:$0x3] =	stream.indirect.gather [hbm4b:s17+s5], $0x80, s25, s5, $0xb8;
	[tilespmem:$0x1E080] =	vst v63  }
0x3b5: {  	_ =	swait.ge [sflag:s9], $0x2800  }
0x3b6: {  	[sflag:s9] =	ssyncset.done $0x0  }
0x3b7: {  	s25 =	simm.s32 $0x1A80;
	[sflag:s9] =	ssyncadd.s32 $0xFFFFD800  }
0x3b8: {  	[spmem:s14] =	stream.indirect.scatter.add.f32 [tilespmem:s0], [sflag:$0x4], $0x80, s25, s5, $0xb8;
	[tilespmem:$0x1E080] =	vst v63  }
0x3b9: {  	_ =	swait.ge [sflag:s18], $0x2800  }
0x3ba: {  	[sflag:s18] =	ssyncset.done $0x0  }
0x3bb: {  	s25 =	simm.s32 $0x1B00;
	[sflag:s18] =	ssyncadd.s32 $0xFFFFD800  }
0x3bc: {  	[spmem:s14] =	stream.indirect.scatter.add.f32 [tilespmem:s6], [sflag:$0x5], $0x80, s25, s5, $0xb8;
	[tilespmem:$0x1E080] =	vst v63  }
0x3bd: {  	_ =	swait.ge [sflag:s20], $0x2800  }
0x3be: {  	[sflag:s20] =	ssyncset.done $0x0  }
0x3bf: {  	s25 =	simm.s32 $0x1B80;
	[sflag:s20] =	ssyncadd.s32 $0xFFFFD800  }
0x3c0: {  	[spmem:s14] =	stream.indirect.scatter.add.f32 [tilespmem:s8], [sflag:$0x6], $0x80, s25, s5, $0xb8;
	[tilespmem:$0x1E080] =	vst v63  }
0x3c1: {  	_ =	swait.ge [sflag:s22], $0x2800  }
0x3c2: {  	[sflag:s22] =	ssyncset.done $0x0  }
0x3c3: {  	s25 =	simm.s32 $0x780;
	[sflag:s22] =	ssyncadd.s32 $0xFFFFD800  }
0x3c4: {  	[tilespmem:s0], [sflag:$0x1] =	stream.indirect.gather [hbm4b:s17+s5], $0x80, s25, s5, $0xb8;
	[tilespmem:$0x1E080] =	vst v63  }
0x3c5: {  	_ =	swait.ge [sflag:s9], $0x2800  }
0x3c6: {  	[sflag:s9] =	ssyncset.done $0x0  }
0x3c7: {  	s25 =	simm.s32 $0x1C00;
	[sflag:s9] =	ssyncadd.s32 $0xFFFFD800  }
0x3c8: {  	[spmem:s14] =	stream.indirect.scatter.add.f32 [tilespmem:s0], [sflag:$0x4], $0x80, s25, s5, $0xb8;
	[tilespmem:$0x1E080] =	vst v63  }
0x3c9: {  	_ =	swait.ge [sflag:s22], $0x2800  }
0x3ca: {  	[sflag:s22] =	ssyncset.done $0x0  }
0x3cb: {  	[sflag:s22] =	ssyncadd.s32 $0xFFFFD800  }
0x3cc: {  	_ =	swait.ge [sflag:s7], $0x2800  }
0x3cd: {  	[sflag:s7] =	ssyncset.done $0x0  }
0x3ce: {  	[sflag:s7] =	ssyncadd.s32 $0xFFFFD800  }
0x3cf: {  	_ =	swait.ge [sflag:s21], $0x2800  }
0x3d0: {  	[sflag:s21] =	ssyncset.done $0x0  }
0x3d1: {  	[sflag:s21] =	ssyncadd.s32 $0xFFFFD800  }
0x3d2: {  	_ =	swait.ge [sflag:s3], $0x7D0  }
0x3d3: {  	[sflag:s3] =	ssyncset.done $0x0  }
0x3d4: {  	[sflag:s3] =	ssyncadd.s32 $0xFFFFF830  }
0x3d5: {  	_ =	swait.ge [sflag:s3], $0x50  }
0x3d6: {  	[sflag:s3] =	ssyncset.done $0x0  }
0x3d7: {  	[sflag:s3] =	ssyncadd.s32 $0xFFFFFFB0  }
0x3d8: {  	_ =	swait.ge [sflag:s3], $0x50  }
0x3d9: {  	[sflag:s3] =	ssyncset.done $0x0  }
0x3da: {  	[sflag:s3] =	ssyncadd.s32 $0xFFFFFFB0  }
0x3db: {  	_ =	swait.ge [sflag:s3], $0x50  }
0x3dc: {  	[sflag:s3] =	ssyncset.done $0x0  }
0x3dd: {  	[sflag:s3] =	ssyncadd.s32 $0xFFFFFFB0  }
0x3de: {  	_ =	swait.ge [sflag:s3], $0x50  }
0x3df: {  	[sflag:s3] =	ssyncset.done $0x0  }
0x3e0: {  	[sflag:s3] =	ssyncadd.s32 $0xFFFFFFB0  }
0x3e1: {  	_ =	swait.ge [sflag:s3], $0x50  }
0x3e2: {  	[sflag:s3] =	ssyncset.done $0x0  }
0x3e3: {  	[sflag:s3] =	ssyncadd.s32 $0xFFFFFFB0  }
0x3e4: {  	_ =	swait.ge [sflag:s3], $0x50  }
0x3e5: {  	[sflag:s3] =	ssyncset.done $0x0  }
0x3e6: {  	[sflag:s3] =	ssyncadd.s32 $0xFFFFFFB0  }
0x3e7: {  	_ =	swait.ge [sflag:s3], $0x50  }
0x3e8: {  	[sflag:s3] =	ssyncset.done $0x0  }
0x3e9: {  	[sflag:s3] =	ssyncadd.s32 $0xFFFFFFB0  }
0x3ea: {  	_ =	swait.ge [sflag:s3], $0x50  }
0x3eb: {  	[sflag:s3] =	ssyncset.done $0x0  }
0x3ec: {  	[sflag:s3] =	ssyncadd.s32 $0xFFFFFFB0  }
0x3ed: {  	_ =	swait.ge [sflag:s3], $0x50  }
0x3ee: {  	[sflag:s3] =	ssyncset.done $0x0  }
0x3ef: {  	[sflag:s3] =	ssyncadd.s32 $0xFFFFFFB0  }
0x3f0: {  	_ =	swait.ge [sflag:s3], $0x50  }
0x3f1: {  	[sflag:s3] =	ssyncset.done $0x0  }
0x3f2: {  	[sflag:s3] =	ssyncadd.s32 $0xFFFFFFB0  }
0x3f3: {  	_ =	swait.ge [sflag:s3], $0x50  }
0x3f4: {  	[sflag:s3] =	ssyncset.done $0x0  }
0x3f5: {  	[sflag:s3] =	ssyncadd.s32 $0xFFFFFFB0  }
0x3f6: {  	_ =	swait.ge [sflag:s3], $0x50  }
0x3f7: {  	[sflag:s3] =	ssyncset.done $0x0  }
0x3f8: {  	[sflag:s3] =	ssyncadd.s32 $0xFFFFFFB0  }
0x3f9: {  	_ =	swait.ge [sflag:s3], $0x50  }
0x3fa: {  	[sflag:s3] =	ssyncset.done $0x0  }
0x3fb: {  	[sflag:s3] =	ssyncadd.s32 $0xFFFFFFB0  }
0x3fc: {  	_ =	swait.ge [sflag:s3], $0x50  }
0x3fd: {  	[sflag:s3] =	ssyncset.done $0x0  }
0x3fe: {  	[sflag:s3] =	ssyncadd.s32 $0xFFFFFFB0  }
0x3ff: {  	_ =	swait.ge [sflag:s3], $0x50  }
0x400: {  	[sflag:s3] =	ssyncset.done $0x0  }
0x401: {  	[sflag:s3] =	ssyncadd.s32 $0xFFFFFFB0  }
0x402: {  	_ =	swait.ge [sflag:s3], $0x50  }
0x403: {  	[sflag:s3] =	ssyncset.done $0x0  }
0x404: {  	[sflag:s3] =	ssyncadd.s32 $0xFFFFFFB0  }
0x405: {  	_ =	swait.ge [sflag:s3], $0x50  }
0x406: {  	[sflag:s3] =	ssyncset.done $0x0  }
0x407: {  	[sflag:s3] =	ssyncadd.s32 $0xFFFFFFB0  }
0x408: {  	_ =	swait.ge [sflag:s3], $0x50  }
0x409: {  	[sflag:s3] =	ssyncset.done $0x0  }
0x40a: {  	[sflag:s3] =	ssyncadd.s32 $0xFFFFFFB0  }
0x40b: {  	_ =	swait.ge [sflag:s3], $0x50  }
0x40c: {  	[sflag:s3] =	ssyncset.done $0x0  }
0x40d: {  	[sflag:s3] =	ssyncadd.s32 $0xFFFFFFB0  }
0x40e: {  	_ =	swait.ge [sflag:s3], $0x50  }
0x40f: {  	[sflag:s3] =	ssyncset.done $0x0  }
0x410: {  	[sflag:s3] =	ssyncadd.s32 $0xFFFFFFB0  }
0x411: {  	_ =	swait.ge [sflag:s3], $0x50  }
0x412: {  	[sflag:s3] =	ssyncset.done $0x0  }
0x413: {  	[sflag:s3] =	ssyncadd.s32 $0xFFFFFFB0  }
0x414: {  	_ =	swait.ge [sflag:s3], $0x50  }
0x415: {  	[sflag:s3] =	ssyncset.done $0x0  }
0x416: {  	[sflag:s3] =	ssyncadd.s32 $0xFFFFFFB0  }
0x417: {  	_ =	swait.ge [sflag:s3], $0x50  }
0x418: {  	[sflag:s3] =	ssyncset.done $0x0  }
0x419: {  	[sflag:s3] =	ssyncadd.s32 $0xFFFFFFB0  }
0x41a: {  	_ =	swait.ge [sflag:s3], $0x50  }
0x41b: {  	[sflag:s3] =	ssyncset.done $0x0  }
0x41c: {  	[sflag:s3] =	ssyncadd.s32 $0xFFFFFFB0  }
0x41d: {  	_ =	swait.ge [sflag:s3], $0x50  }
0x41e: {  	[sflag:s3] =	ssyncset.done $0x0  }
0x41f: {  	s25 =	rddreg [dreg:$0x10];
	[sflag:s3] =	ssyncadd.s32 $0xFFFFFFB0  }
0x420: {  	[tilespmem:s24], [sflag:$0x7] =	stream.linear.gather [hbm4b:s25+s24], $0x7D0, $0x38;
	[tilespmem:$0x1E080] =	vst v63  }
0x421: {  	s4 =	sadd.s32 $0x0, s16;
	s24 =	simm.s32 $0xA;
	s25 =	simm.s32 $0x1080  }
.LBB2_12:
0x422: {  	[tilespmem:s19], [sflag:$0x7] =	stream.linear.gather [hbm4b:s4+s1], $0x50, $0x38;
	[tilespmem:$0x1E080] =	vst v63  }
0x423: {  	s4 =	smov.u32 s24;
	s19 =	smov.u32 s25;
	p1 =	sne.s32 s24, $0xF0  }
.Ltmp5:
0x424: {  	s24 =	sadd.s32 $0xA, s24;
	(pc) =	sbr.rel @p1 .LBB2_12-.Ltmp5, $2  }
0x425: {  	_ =	sdelay $0x2  }
0x426: {  	s25 =	sadd.s32 $0x80, s25;
	s4 =	sadd.s32 s4, s16  }
0x427: {  	[tilespmem:s19], [sflag:$0x7] =	stream.linear.gather [hbm4b:s4+s1], $0x50, $0x38;
	[tilespmem:$0x1E080] =	vst v63  }
0x428: {  	_ = 	snop  }
0x429: {  	[tilespmem:s0], [sflag:$0x1] =	stream.indirect.gather [hbm4b:s17+s5], $0x80, s26, s5, $0xb8;
	[tilespmem:$0x1E080] =	vst v63  }
0x42a: {  	s24 =	simm.s32 $0x850  }
0x42b: {  	[tilespmem:s6], [sflag:$0x2] =	stream.indirect.gather [hbm4b:s17+s5], $0x80, s24, s5, $0xb8;
	[tilespmem:$0x1E080] =	vst v63  }
0x42c: {  	s25 =	simm.s32 $0x8A0  }
0x42d: {  	[tilespmem:s8], [sflag:$0x3] =	stream.indirect.gather [hbm4b:s17+s5], $0x80, s25, s5, $0xb8;
	[tilespmem:$0x1E080] =	vst v63  }
0x42e: {  	_ =	swait.ge [sflag:s9], $0x2800  }
0x42f: {  	[sflag:s9] =	ssyncset.done $0x0  }
0x430: {  	s19 =	simm.s32 $0x2000;
	[sflag:s9] =	ssyncadd.s32 $0xFFFFD800  }
0x431: {  	[spmem:s14] =	stream.indirect.scatter.add.f32 [tilespmem:s0], [sflag:$0x4], $0x80, s19, s5, $0xb8;
	[tilespmem:$0x1E080] =	vst v63  }
0x432: {  	_ =	swait.ge [sflag:s18], $0x2800  }
0x433: {  	[sflag:s18] =	ssyncset.done $0x0  }
0x434: {  	s24 =	simm.s32 $0x2080;
	[sflag:s18] =	ssyncadd.s32 $0xFFFFD800  }
0x435: {  	[spmem:s14] =	stream.indirect.scatter.add.f32 [tilespmem:s6], [sflag:$0x5], $0x80, s24, s5, $0xb8;
	[tilespmem:$0x1E080] =	vst v63  }
0x436: {  	_ =	swait.ge [sflag:s20], $0x2800  }
0x437: {  	[sflag:s20] =	ssyncset.done $0x0  }
0x438: {  	s25 =	simm.s32 $0x2100;
	[sflag:s20] =	ssyncadd.s32 $0xFFFFD800  }
0x439: {  	[spmem:s14] =	stream.indirect.scatter.add.f32 [tilespmem:s8], [sflag:$0x6], $0x80, s25, s5, $0xb8;
	[tilespmem:$0x1E080] =	vst v63  }
0x43a: {  	_ =	swait.ge [sflag:s22], $0x2800  }
0x43b: {  	[sflag:s22] =	ssyncset.done $0x0  }
0x43c: {  	s19 =	simm.s32 $0x8F0;
	[sflag:s22] =	ssyncadd.s32 $0xFFFFD800  }
0x43d: {  	[tilespmem:s0], [sflag:$0x1] =	stream.indirect.gather [hbm4b:s17+s5], $0x80, s19, s5, $0xb8;
	[tilespmem:$0x1E080] =	vst v63  }
0x43e: {  	_ =	swait.ge [sflag:s7], $0x2800  }
0x43f: {  	[sflag:s7] =	ssyncset.done $0x0  }
0x440: {  	s24 =	simm.s32 $0x940;
	[sflag:s7] =	ssyncadd.s32 $0xFFFFD800  }
0x441: {  	[tilespmem:s6], [sflag:$0x2] =	stream.indirect.gather [hbm4b:s17+s5], $0x80, s24, s5, $0xb8;
	[tilespmem:$0x1E080] =	vst v63  }
0x442: {  	_ =	swait.ge [sflag:s21], $0x2800  }
0x443: {  	[sflag:s21] =	ssyncset.done $0x0  }
0x444: {  	s25 =	simm.s32 $0x990;
	[sflag:s21] =	ssyncadd.s32 $0xFFFFD800  }
0x445: {  	[tilespmem:s8], [sflag:$0x3] =	stream.indirect.gather [hbm4b:s17+s5], $0x80, s25, s5, $0xb8;
	[tilespmem:$0x1E080] =	vst v63  }
0x446: {  	_ =	swait.ge [sflag:s9], $0x2800  }
0x447: {  	[sflag:s9] =	ssyncset.done $0x0  }
0x448: {  	s19 =	simm.s32 $0x2180;
	[sflag:s9] =	ssyncadd.s32 $0xFFFFD800  }
0x449: {  	[spmem:s14] =	stream.indirect.scatter.add.f32 [tilespmem:s0], [sflag:$0x4], $0x80, s19, s5, $0xb8;
	[tilespmem:$0x1E080] =	vst v63  }
0x44a: {  	_ =	swait.ge [sflag:s18], $0x2800  }
0x44b: {  	[sflag:s18] =	ssyncset.done $0x0  }
0x44c: {  	s24 =	simm.s32 $0x2200;
	[sflag:s18] =	ssyncadd.s32 $0xFFFFD800  }
0x44d: {  	[spmem:s14] =	stream.indirect.scatter.add.f32 [tilespmem:s6], [sflag:$0x5], $0x80, s24, s5, $0xb8;
	[tilespmem:$0x1E080] =	vst v63  }
0x44e: {  	_ =	swait.ge [sflag:s20], $0x2800  }
0x44f: {  	[sflag:s20] =	ssyncset.done $0x0  }
0x450: {  	s25 =	simm.s32 $0x2280;
	[sflag:s20] =	ssyncadd.s32 $0xFFFFD800  }
0x451: {  	[spmem:s14] =	stream.indirect.scatter.add.f32 [tilespmem:s8], [sflag:$0x6], $0x80, s25, s5, $0xb8;
	[tilespmem:$0x1E080] =	vst v63  }
0x452: {  	_ =	swait.ge [sflag:s22], $0x2800  }
0x453: {  	[sflag:s22] =	ssyncset.done $0x0  }
0x454: {  	s19 =	simm.s32 $0x9E0;
	[sflag:s22] =	ssyncadd.s32 $0xFFFFD800  }
0x455: {  	[tilespmem:s0], [sflag:$0x1] =	stream.indirect.gather [hbm4b:s17+s5], $0x80, s19, s5, $0xb8;
	[tilespmem:$0x1E080] =	vst v63  }
0x456: {  	_ =	swait.ge [sflag:s7], $0x2800  }
0x457: {  	[sflag:s7] =	ssyncset.done $0x0  }
0x458: {  	s24 =	simm.s32 $0xA30;
	[sflag:s7] =	ssyncadd.s32 $0xFFFFD800  }
0x459: {  	[tilespmem:s6], [sflag:$0x2] =	stream.indirect.gather [hbm4b:s17+s5], $0x80, s24, s5, $0xb8;
	[tilespmem:$0x1E080] =	vst v63  }
0x45a: {  	_ =	swait.ge [sflag:s21], $0x2800  }
0x45b: {  	[sflag:s21] =	ssyncset.done $0x0  }
0x45c: {  	s25 =	simm.s32 $0xA80;
	[sflag:s21] =	ssyncadd.s32 $0xFFFFD800  }
0x45d: {  	[tilespmem:s8], [sflag:$0x3] =	stream.indirect.gather [hbm4b:s17+s5], $0x80, s25, s5, $0xb8;
	[tilespmem:$0x1E080] =	vst v63  }
0x45e: {  	_ =	swait.ge [sflag:s9], $0x2800  }
0x45f: {  	[sflag:s9] =	ssyncset.done $0x0  }
0x460: {  	s19 =	simm.s32 $0x2300;
	[sflag:s9] =	ssyncadd.s32 $0xFFFFD800  }
0x461: {  	[spmem:s14] =	stream.indirect.scatter.add.f32 [tilespmem:s0], [sflag:$0x4], $0x80, s19, s5, $0xb8;
	[tilespmem:$0x1E080] =	vst v63  }
0x462: {  	_ =	swait.ge [sflag:s18], $0x2800  }
0x463: {  	[sflag:s18] =	ssyncset.done $0x0  }
0x464: {  	s24 =	simm.s32 $0x2380;
	[sflag:s18] =	ssyncadd.s32 $0xFFFFD800  }
0x465: {  	[spmem:s14] =	stream.indirect.scatter.add.f32 [tilespmem:s6], [sflag:$0x5], $0x80, s24, s5, $0xb8;
	[tilespmem:$0x1E080] =	vst v63  }
0x466: {  	_ =	swait.ge [sflag:s20], $0x2800  }
0x467: {  	[sflag:s20] =	ssyncset.done $0x0  }
0x468: {  	s25 =	simm.s32 $0x2400;
	[sflag:s20] =	ssyncadd.s32 $0xFFFFD800  }
0x469: {  	[spmem:s14] =	stream.indirect.scatter.add.f32 [tilespmem:s8], [sflag:$0x6], $0x80, s25, s5, $0xb8;
	[tilespmem:$0x1E080] =	vst v63  }
0x46a: {  	_ =	swait.ge [sflag:s22], $0x2800  }
0x46b: {  	[sflag:s22] =	ssyncset.done $0x0  }
0x46c: {  	s19 =	simm.s32 $0xAD0;
	[sflag:s22] =	ssyncadd.s32 $0xFFFFD800  }
0x46d: {  	[tilespmem:s0], [sflag:$0x1] =	stream.indirect.gather [hbm4b:s17+s5], $0x80, s19, s5, $0xb8;
	[tilespmem:$0x1E080] =	vst v63  }
0x46e: {  	_ =	swait.ge [sflag:s7], $0x2800  }
0x46f: {  	[sflag:s7] =	ssyncset.done $0x0  }
0x470: {  	s24 =	simm.s32 $0xB20;
	[sflag:s7] =	ssyncadd.s32 $0xFFFFD800  }
0x471: {  	[tilespmem:s6], [sflag:$0x2] =	stream.indirect.gather [hbm4b:s17+s5], $0x80, s24, s5, $0xb8;
	[tilespmem:$0x1E080] =	vst v63  }
0x472: {  	_ =	swait.ge [sflag:s21], $0x2800  }
0x473: {  	[sflag:s21] =	ssyncset.done $0x0  }
0x474: {  	s25 =	simm.s32 $0xB70;
	[sflag:s21] =	ssyncadd.s32 $0xFFFFD800  }
0x475: {  	[tilespmem:s8], [sflag:$0x3] =	stream.indirect.gather [hbm4b:s17+s5], $0x80, s25, s5, $0xb8;
	[tilespmem:$0x1E080] =	vst v63  }
0x476: {  	_ =	swait.ge [sflag:s9], $0x2800  }
0x477: {  	[sflag:s9] =	ssyncset.done $0x0  }
0x478: {  	s19 =	simm.s32 $0x2480;
	[sflag:s9] =	ssyncadd.s32 $0xFFFFD800  }
0x479: {  	[spmem:s14] =	stream.indirect.scatter.add.f32 [tilespmem:s0], [sflag:$0x4], $0x80, s19, s5, $0xb8;
	[tilespmem:$0x1E080] =	vst v63  }
0x47a: {  	_ =	swait.ge [sflag:s18], $0x2800  }
0x47b: {  	[sflag:s18] =	ssyncset.done $0x0  }
0x47c: {  	s24 =	simm.s32 $0x2500;
	[sflag:s18] =	ssyncadd.s32 $0xFFFFD800  }
0x47d: {  	[spmem:s14] =	stream.indirect.scatter.add.f32 [tilespmem:s6], [sflag:$0x5], $0x80, s24, s5, $0xb8;
	[tilespmem:$0x1E080] =	vst v63  }
0x47e: {  	_ =	swait.ge [sflag:s20], $0x2800  }
0x47f: {  	[sflag:s20] =	ssyncset.done $0x0  }
0x480: {  	s25 =	simm.s32 $0x2580;
	[sflag:s20] =	ssyncadd.s32 $0xFFFFD800  }
0x481: {  	[spmem:s14] =	stream.indirect.scatter.add.f32 [tilespmem:s8], [sflag:$0x6], $0x80, s25, s5, $0xb8;
	[tilespmem:$0x1E080] =	vst v63  }
0x482: {  	_ =	swait.ge [sflag:s22], $0x2800  }
0x483: {  	[sflag:s22] =	ssyncset.done $0x0  }
0x484: {  	s19 =	simm.s32 $0xBC0;
	[sflag:s22] =	ssyncadd.s32 $0xFFFFD800  }
0x485: {  	[tilespmem:s0], [sflag:$0x1] =	stream.indirect.gather [hbm4b:s17+s5], $0x80, s19, s5, $0xb8;
	[tilespmem:$0x1E080] =	vst v63  }
0x486: {  	_ =	swait.ge [sflag:s7], $0x2800  }
0x487: {  	[sflag:s7] =	ssyncset.done $0x0  }
0x488: {  	s24 =	simm.s32 $0xC10;
	[sflag:s7] =	ssyncadd.s32 $0xFFFFD800  }
0x489: {  	[tilespmem:s6], [sflag:$0x2] =	stream.indirect.gather [hbm4b:s17+s5], $0x80, s24, s5, $0xb8;
	[tilespmem:$0x1E080] =	vst v63  }
0x48a: {  	_ =	swait.ge [sflag:s21], $0x2800  }
0x48b: {  	[sflag:s21] =	ssyncset.done $0x0  }
0x48c: {  	s25 =	simm.s32 $0xC60;
	[sflag:s21] =	ssyncadd.s32 $0xFFFFD800  }
0x48d: {  	[tilespmem:s8], [sflag:$0x3] =	stream.indirect.gather [hbm4b:s17+s5], $0x80, s25, s5, $0xb8;
	[tilespmem:$0x1E080] =	vst v63  }
0x48e: {  	_ =	swait.ge [sflag:s9], $0x2800  }
0x48f: {  	[sflag:s9] =	ssyncset.done $0x0  }
0x490: {  	s19 =	simm.s32 $0x2600;
	[sflag:s9] =	ssyncadd.s32 $0xFFFFD800  }
0x491: {  	[spmem:s14] =	stream.indirect.scatter.add.f32 [tilespmem:s0], [sflag:$0x4], $0x80, s19, s5, $0xb8;
	[tilespmem:$0x1E080] =	vst v63  }
0x492: {  	_ =	swait.ge [sflag:s18], $0x2800  }
0x493: {  	[sflag:s18] =	ssyncset.done $0x0  }
0x494: {  	s24 =	simm.s32 $0x2680;
	[sflag:s18] =	ssyncadd.s32 $0xFFFFD800  }
0x495: {  	[spmem:s14] =	stream.indirect.scatter.add.f32 [tilespmem:s6], [sflag:$0x5], $0x80, s24, s5, $0xb8;
	[tilespmem:$0x1E080] =	vst v63  }
0x496: {  	_ =	swait.ge [sflag:s20], $0x2800  }
0x497: {  	[sflag:s20] =	ssyncset.done $0x0  }
0x498: {  	s25 =	simm.s32 $0x2700;
	[sflag:s20] =	ssyncadd.s32 $0xFFFFD800  }
0x499: {  	[spmem:s14] =	stream.indirect.scatter.add.f32 [tilespmem:s8], [sflag:$0x6], $0x80, s25, s5, $0xb8;
	[tilespmem:$0x1E080] =	vst v63  }
0x49a: {  	_ =	swait.ge [sflag:s22], $0x2800  }
0x49b: {  	[sflag:s22] =	ssyncset.done $0x0  }
0x49c: {  	s19 =	simm.s32 $0xCB0;
	[sflag:s22] =	ssyncadd.s32 $0xFFFFD800  }
0x49d: {  	[tilespmem:s0], [sflag:$0x1] =	stream.indirect.gather [hbm4b:s17+s5], $0x80, s19, s5, $0xb8;
	[tilespmem:$0x1E080] =	vst v63  }
0x49e: {  	_ =	swait.ge [sflag:s7], $0x2800  }
0x49f: {  	[sflag:s7] =	ssyncset.done $0x0  }
0x4a0: {  	s24 =	simm.s32 $0xD00;
	[sflag:s7] =	ssyncadd.s32 $0xFFFFD800  }
0x4a1: {  	[tilespmem:s6], [sflag:$0x2] =	stream.indirect.gather [hbm4b:s17+s5], $0x80, s24, s5, $0xb8;
	[tilespmem:$0x1E080] =	vst v63  }
0x4a2: {  	_ =	swait.ge [sflag:s21], $0x2800  }
0x4a3: {  	[sflag:s21] =	ssyncset.done $0x0  }
0x4a4: {  	s25 =	simm.s32 $0xD50;
	[sflag:s21] =	ssyncadd.s32 $0xFFFFD800  }
0x4a5: {  	[tilespmem:s8], [sflag:$0x3] =	stream.indirect.gather [hbm4b:s17+s5], $0x80, s25, s5, $0xb8;
	[tilespmem:$0x1E080] =	vst v63  }
0x4a6: {  	_ =	swait.ge [sflag:s9], $0x2800  }
0x4a7: {  	[sflag:s9] =	ssyncset.done $0x0  }
0x4a8: {  	s19 =	simm.s32 $0x2780;
	[sflag:s9] =	ssyncadd.s32 $0xFFFFD800  }
0x4a9: {  	[spmem:s14] =	stream.indirect.scatter.add.f32 [tilespmem:s0], [sflag:$0x4], $0x80, s19, s5, $0xb8;
	[tilespmem:$0x1E080] =	vst v63  }
0x4aa: {  	_ =	swait.ge [sflag:s18], $0x2800  }
0x4ab: {  	[sflag:s18] =	ssyncset.done $0x0  }
0x4ac: {  	s24 =	simm.s32 $0x2800;
	[sflag:s18] =	ssyncadd.s32 $0xFFFFD800  }
0x4ad: {  	[spmem:s14] =	stream.indirect.scatter.add.f32 [tilespmem:s6], [sflag:$0x5], $0x80, s24, s5, $0xb8;
	[tilespmem:$0x1E080] =	vst v63  }
0x4ae: {  	_ =	swait.ge [sflag:s20], $0x2800  }
0x4af: {  	[sflag:s20] =	ssyncset.done $0x0  }
0x4b0: {  	s25 =	simm.s32 $0x2880;
	[sflag:s20] =	ssyncadd.s32 $0xFFFFD800  }
0x4b1: {  	[spmem:s14] =	stream.indirect.scatter.add.f32 [tilespmem:s8], [sflag:$0x6], $0x80, s25, s5, $0xb8;
	[tilespmem:$0x1E080] =	vst v63  }
0x4b2: {  	_ =	swait.ge [sflag:s22], $0x2800  }
0x4b3: {  	[sflag:s22] =	ssyncset.done $0x0  }
0x4b4: {  	s19 =	simm.s32 $0xDA0;
	[sflag:s22] =	ssyncadd.s32 $0xFFFFD800  }
0x4b5: {  	[tilespmem:s0], [sflag:$0x1] =	stream.indirect.gather [hbm4b:s17+s5], $0x80, s19, s5, $0xb8;
	[tilespmem:$0x1E080] =	vst v63  }
0x4b6: {  	_ =	swait.ge [sflag:s7], $0x2800  }
0x4b7: {  	[sflag:s7] =	ssyncset.done $0x0  }
0x4b8: {  	s24 =	simm.s32 $0xDF0;
	[sflag:s7] =	ssyncadd.s32 $0xFFFFD800  }
0x4b9: {  	[tilespmem:s6], [sflag:$0x2] =	stream.indirect.gather [hbm4b:s17+s5], $0x80, s24, s5, $0xb8;
	[tilespmem:$0x1E080] =	vst v63  }
0x4ba: {  	_ =	swait.ge [sflag:s21], $0x2800  }
0x4bb: {  	[sflag:s21] =	ssyncset.done $0x0  }
0x4bc: {  	s25 =	simm.s32 $0xE40;
	[sflag:s21] =	ssyncadd.s32 $0xFFFFD800  }
0x4bd: {  	[tilespmem:s8], [sflag:$0x3] =	stream.indirect.gather [hbm4b:s17+s5], $0x80, s25, s5, $0xb8;
	[tilespmem:$0x1E080] =	vst v63  }
0x4be: {  	_ =	swait.ge [sflag:s9], $0x2800  }
0x4bf: {  	[sflag:s9] =	ssyncset.done $0x0  }
0x4c0: {  	s19 =	simm.s32 $0x2900;
	[sflag:s9] =	ssyncadd.s32 $0xFFFFD800  }
0x4c1: {  	[spmem:s14] =	stream.indirect.scatter.add.f32 [tilespmem:s0], [sflag:$0x4], $0x80, s19, s5, $0xb8;
	[tilespmem:$0x1E080] =	vst v63  }
0x4c2: {  	_ =	swait.ge [sflag:s18], $0x2800  }
0x4c3: {  	[sflag:s18] =	ssyncset.done $0x0  }
0x4c4: {  	s24 =	simm.s32 $0x2980;
	[sflag:s18] =	ssyncadd.s32 $0xFFFFD800  }
0x4c5: {  	[spmem:s14] =	stream.indirect.scatter.add.f32 [tilespmem:s6], [sflag:$0x5], $0x80, s24, s5, $0xb8;
	[tilespmem:$0x1E080] =	vst v63  }
0x4c6: {  	_ =	swait.ge [sflag:s20], $0x2800  }
0x4c7: {  	[sflag:s20] =	ssyncset.done $0x0  }
0x4c8: {  	s25 =	simm.s32 $0x2A00;
	[sflag:s20] =	ssyncadd.s32 $0xFFFFD800  }
0x4c9: {  	[spmem:s14] =	stream.indirect.scatter.add.f32 [tilespmem:s8], [sflag:$0x6], $0x80, s25, s5, $0xb8;
	[tilespmem:$0x1E080] =	vst v63  }
0x4ca: {  	_ =	swait.ge [sflag:s22], $0x2800  }
0x4cb: {  	[sflag:s22] =	ssyncset.done $0x0  }
0x4cc: {  	s19 =	simm.s32 $0xE90;
	[sflag:s22] =	ssyncadd.s32 $0xFFFFD800  }
0x4cd: {  	[tilespmem:s0], [sflag:$0x1] =	stream.indirect.gather [hbm4b:s17+s5], $0x80, s19, s5, $0xb8;
	[tilespmem:$0x1E080] =	vst v63  }
0x4ce: {  	_ =	swait.ge [sflag:s7], $0x2800  }
0x4cf: {  	[sflag:s7] =	ssyncset.done $0x0  }
0x4d0: {  	s24 =	simm.s32 $0xEE0;
	[sflag:s7] =	ssyncadd.s32 $0xFFFFD800  }
0x4d1: {  	[tilespmem:s6], [sflag:$0x2] =	stream.indirect.gather [hbm4b:s17+s5], $0x80, s24, s5, $0xb8;
	[tilespmem:$0x1E080] =	vst v63  }
0x4d2: {  	_ =	swait.ge [sflag:s21], $0x2800  }
0x4d3: {  	[sflag:s21] =	ssyncset.done $0x0  }
0x4d4: {  	s25 =	simm.s32 $0xF30;
	[sflag:s21] =	ssyncadd.s32 $0xFFFFD800  }
0x4d5: {  	[tilespmem:s8], [sflag:$0x3] =	stream.indirect.gather [hbm4b:s17+s5], $0x80, s25, s5, $0xb8;
	[tilespmem:$0x1E080] =	vst v63  }
0x4d6: {  	_ =	swait.ge [sflag:s9], $0x2800  }
0x4d7: {  	[sflag:s9] =	ssyncset.done $0x0  }
0x4d8: {  	s19 =	simm.s32 $0x2A80;
	[sflag:s9] =	ssyncadd.s32 $0xFFFFD800  }
0x4d9: {  	[spmem:s14] =	stream.indirect.scatter.add.f32 [tilespmem:s0], [sflag:$0x4], $0x80, s19, s5, $0xb8;
	[tilespmem:$0x1E080] =	vst v63  }
0x4da: {  	_ =	swait.ge [sflag:s18], $0x2800  }
0x4db: {  	[sflag:s18] =	ssyncset.done $0x0  }
0x4dc: {  	s24 =	simm.s32 $0x2B00;
	[sflag:s18] =	ssyncadd.s32 $0xFFFFD800  }
0x4dd: {  	[spmem:s14] =	stream.indirect.scatter.add.f32 [tilespmem:s6], [sflag:$0x5], $0x80, s24, s5, $0xb8;
	[tilespmem:$0x1E080] =	vst v63  }
0x4de: {  	_ =	swait.ge [sflag:s20], $0x2800  }
0x4df: {  	[sflag:s20] =	ssyncset.done $0x0  }
0x4e0: {  	s25 =	simm.s32 $0x2B80;
	[sflag:s20] =	ssyncadd.s32 $0xFFFFD800  }
0x4e1: {  	[spmem:s14] =	stream.indirect.scatter.add.f32 [tilespmem:s8], [sflag:$0x6], $0x80, s25, s5, $0xb8;
	[tilespmem:$0x1E080] =	vst v63  }
0x4e2: {  	_ =	swait.ge [sflag:s22], $0x2800  }
0x4e3: {  	[sflag:s22] =	ssyncset.done $0x0  }
0x4e4: {  	s19 =	simm.s32 $0xF80;
	[sflag:s22] =	ssyncadd.s32 $0xFFFFD800  }
0x4e5: {  	[tilespmem:s0], [sflag:$0x1] =	stream.indirect.gather [hbm4b:s17+s5], $0x80, s19, s5, $0xb8;
	[tilespmem:$0x1E080] =	vst v63  }
0x4e6: {  	_ =	swait.ge [sflag:s9], $0x2800  }
0x4e7: {  	[sflag:s9] =	ssyncset.done $0x0  }
0x4e8: {  	s24 =	simm.s32 $0x2C00;
	[sflag:s9] =	ssyncadd.s32 $0xFFFFD800  }
0x4e9: {  	[spmem:s14] =	stream.indirect.scatter.add.f32 [tilespmem:s0], [sflag:$0x4], $0x80, s24, s5, $0xb8;
	[tilespmem:$0x1E080] =	vst v63  }
0x4ea: {  	_ =	swait.ge [sflag:s22], $0x2800  }
0x4eb: {  	[sflag:s22] =	ssyncset.done $0x0  }
0x4ec: {  	[sflag:s22] =	ssyncadd.s32 $0xFFFFD800  }
0x4ed: {  	_ =	swait.ge [sflag:s7], $0x2800  }
0x4ee: {  	[sflag:s7] =	ssyncset.done $0x0  }
0x4ef: {  	[sflag:s7] =	ssyncadd.s32 $0xFFFFD800  }
0x4f0: {  	_ =	swait.ge [sflag:s21], $0x2800  }
0x4f1: {  	[sflag:s21] =	ssyncset.done $0x0  }
0x4f2: {  	[sflag:s21] =	ssyncadd.s32 $0xFFFFD800  }
0x4f3: {  	_ =	swait.ge [sflag:s3], $0x7D0  }
0x4f4: {  	[sflag:s3] =	ssyncset.done $0x0  }
0x4f5: {  	[sflag:s3] =	ssyncadd.s32 $0xFFFFF830  }
0x4f6: {  	_ =	swait.ge [sflag:s3], $0x50  }
0x4f7: {  	[sflag:s3] =	ssyncset.done $0x0  }
0x4f8: {  	[sflag:s3] =	ssyncadd.s32 $0xFFFFFFB0  }
0x4f9: {  	_ =	swait.ge [sflag:s3], $0x50  }
0x4fa: {  	[sflag:s3] =	ssyncset.done $0x0  }
0x4fb: {  	[sflag:s3] =	ssyncadd.s32 $0xFFFFFFB0  }
0x4fc: {  	_ =	swait.ge [sflag:s3], $0x50  }
0x4fd: {  	[sflag:s3] =	ssyncset.done $0x0  }
0x4fe: {  	[sflag:s3] =	ssyncadd.s32 $0xFFFFFFB0  }
0x4ff: {  	_ =	swait.ge [sflag:s3], $0x50  }
0x500: {  	[sflag:s3] =	ssyncset.done $0x0  }
0x501: {  	[sflag:s3] =	ssyncadd.s32 $0xFFFFFFB0  }
0x502: {  	_ =	swait.ge [sflag:s3], $0x50  }
0x503: {  	[sflag:s3] =	ssyncset.done $0x0  }
0x504: {  	[sflag:s3] =	ssyncadd.s32 $0xFFFFFFB0  }
0x505: {  	_ =	swait.ge [sflag:s3], $0x50  }
0x506: {  	[sflag:s3] =	ssyncset.done $0x0  }
0x507: {  	[sflag:s3] =	ssyncadd.s32 $0xFFFFFFB0  }
0x508: {  	_ =	swait.ge [sflag:s3], $0x50  }
0x509: {  	[sflag:s3] =	ssyncset.done $0x0  }
0x50a: {  	[sflag:s3] =	ssyncadd.s32 $0xFFFFFFB0  }
0x50b: {  	_ =	swait.ge [sflag:s3], $0x50  }
0x50c: {  	[sflag:s3] =	ssyncset.done $0x0  }
0x50d: {  	[sflag:s3] =	ssyncadd.s32 $0xFFFFFFB0  }
0x50e: {  	_ =	swait.ge [sflag:s3], $0x50  }
0x50f: {  	[sflag:s3] =	ssyncset.done $0x0  }
0x510: {  	[sflag:s3] =	ssyncadd.s32 $0xFFFFFFB0  }
0x511: {  	_ =	swait.ge [sflag:s3], $0x50  }
0x512: {  	[sflag:s3] =	ssyncset.done $0x0  }
0x513: {  	[sflag:s3] =	ssyncadd.s32 $0xFFFFFFB0  }
0x514: {  	_ =	swait.ge [sflag:s3], $0x50  }
0x515: {  	[sflag:s3] =	ssyncset.done $0x0  }
0x516: {  	[sflag:s3] =	ssyncadd.s32 $0xFFFFFFB0  }
0x517: {  	_ =	swait.ge [sflag:s3], $0x50  }
0x518: {  	[sflag:s3] =	ssyncset.done $0x0  }
0x519: {  	[sflag:s3] =	ssyncadd.s32 $0xFFFFFFB0  }
0x51a: {  	_ =	swait.ge [sflag:s3], $0x50  }
0x51b: {  	[sflag:s3] =	ssyncset.done $0x0  }
0x51c: {  	[sflag:s3] =	ssyncadd.s32 $0xFFFFFFB0  }
0x51d: {  	_ =	swait.ge [sflag:s3], $0x50  }
0x51e: {  	[sflag:s3] =	ssyncset.done $0x0  }
0x51f: {  	[sflag:s3] =	ssyncadd.s32 $0xFFFFFFB0  }
0x520: {  	_ =	swait.ge [sflag:s3], $0x50  }
0x521: {  	[sflag:s3] =	ssyncset.done $0x0  }
0x522: {  	[sflag:s3] =	ssyncadd.s32 $0xFFFFFFB0  }
0x523: {  	_ =	swait.ge [sflag:s3], $0x50  }
0x524: {  	[sflag:s3] =	ssyncset.done $0x0  }
0x525: {  	[sflag:s3] =	ssyncadd.s32 $0xFFFFFFB0  }
0x526: {  	_ =	swait.ge [sflag:s3], $0x50  }
0x527: {  	[sflag:s3] =	ssyncset.done $0x0  }
0x528: {  	[sflag:s3] =	ssyncadd.s32 $0xFFFFFFB0  }
0x529: {  	_ =	swait.ge [sflag:s3], $0x50  }
0x52a: {  	[sflag:s3] =	ssyncset.done $0x0  }
0x52b: {  	[sflag:s3] =	ssyncadd.s32 $0xFFFFFFB0  }
0x52c: {  	_ =	swait.ge [sflag:s3], $0x50  }
0x52d: {  	[sflag:s3] =	ssyncset.done $0x0  }
0x52e: {  	[sflag:s3] =	ssyncadd.s32 $0xFFFFFFB0  }
0x52f: {  	_ =	swait.ge [sflag:s3], $0x50  }
0x530: {  	[sflag:s3] =	ssyncset.done $0x0  }
0x531: {  	[sflag:s3] =	ssyncadd.s32 $0xFFFFFFB0  }
0x532: {  	_ =	swait.ge [sflag:s3], $0x50  }
0x533: {  	[sflag:s3] =	ssyncset.done $0x0  }
0x534: {  	[sflag:s3] =	ssyncadd.s32 $0xFFFFFFB0  }
0x535: {  	_ =	swait.ge [sflag:s3], $0x50  }
0x536: {  	[sflag:s3] =	ssyncset.done $0x0  }
0x537: {  	[sflag:s3] =	ssyncadd.s32 $0xFFFFFFB0  }
0x538: {  	_ =	swait.ge [sflag:s3], $0x50  }
0x539: {  	[sflag:s3] =	ssyncset.done $0x0  }
0x53a: {  	[sflag:s3] =	ssyncadd.s32 $0xFFFFFFB0  }
0x53b: {  	_ =	swait.ge [sflag:s3], $0x50  }
0x53c: {  	[sflag:s3] =	ssyncset.done $0x0  }
0x53d: {  	[sflag:s3] =	ssyncadd.s32 $0xFFFFFFB0  }
0x53e: {  	_ =	swait.ge [sflag:s3], $0x50  }
0x53f: {  	[sflag:s3] =	ssyncset.done $0x0  }
0x540: {  	[sflag:s3] =	ssyncadd.s32 $0xFFFFFFB0  }
0x541: {  	[tilespmem:s0], [sflag:$0x1] =	stream.indirect.gather [hbm4b:s17+s5], $0x80, s1, s5, $0xb8;
	[tilespmem:$0x1E080] =	vst v63  }
0x542: {  	_ = 	snop  }
0x543: {  	[tilespmem:s6], [sflag:$0x2] =	stream.indirect.gather [hbm4b:s17+s5], $0x80, s5, s5, $0xb8;
	[tilespmem:$0x1E080] =	vst v63  }
0x544: {  	s25 =	simm.s32 $0xA0  }
0x545: {  	[tilespmem:s8], [sflag:$0x3] =	stream.indirect.gather [hbm4b:s17+s5], $0x80, s25, s5, $0xb8;
	[tilespmem:$0x1E080] =	vst v63  }
0x546: {  	_ =	swait.ge [sflag:s9], $0x2800  }
0x547: {  	[sflag:s9] =	ssyncset.done $0x0  }
0x548: {  	s25 =	simm.s32 $0x1000;
	[sflag:s9] =	ssyncadd.s32 $0xFFFFD800  }
0x549: {  	[spmem:s14] =	stream.indirect.scatter.add.f32 [tilespmem:s0], [sflag:$0x4], $0x80, s25, s5, $0xb8;
	[tilespmem:$0x1E080] =	vst v63  }
0x54a: {  	_ =	swait.ge [sflag:s18], $0x2800  }
0x54b: {  	[sflag:s18] =	ssyncset.done $0x0  }
0x54c: {  	s19 =	simm.s32 $0x1080;
	[sflag:s18] =	ssyncadd.s32 $0xFFFFD800  }
0x54d: {  	[spmem:s14] =	stream.indirect.scatter.add.f32 [tilespmem:s6], [sflag:$0x5], $0x80, s19, s5, $0xb8;
	[tilespmem:$0x1E080] =	vst v63  }
0x54e: {  	_ =	swait.ge [sflag:s20], $0x2800  }
0x54f: {  	[sflag:s20] =	ssyncset.done $0x0  }
0x550: {  	s24 =	simm.s32 $0x1100;
	[sflag:s20] =	ssyncadd.s32 $0xFFFFD800  }
0x551: {  	[spmem:s14] =	stream.indirect.scatter.add.f32 [tilespmem:s8], [sflag:$0x6], $0x80, s24, s5, $0xb8;
	[tilespmem:$0x1E080] =	vst v63  }
0x552: {  	_ =	swait.ge [sflag:s22], $0x2800  }
0x553: {  	[sflag:s22] =	ssyncset.done $0x0  }
0x554: {  	s19 =	simm.s32 $0xF0;
	[sflag:s22] =	ssyncadd.s32 $0xFFFFD800  }
0x555: {  	[tilespmem:s0], [sflag:$0x1] =	stream.indirect.gather [hbm4b:s17+s5], $0x80, s19, s5, $0xb8;
	[tilespmem:$0x1E080] =	vst v63  }
0x556: {  	_ =	swait.ge [sflag:s7], $0x2800  }
0x557: {  	[sflag:s7] =	ssyncset.done $0x0  }
0x558: {  	s24 =	simm.s32 $0x140;
	[sflag:s7] =	ssyncadd.s32 $0xFFFFD800  }
0x559: {  	[tilespmem:s6], [sflag:$0x2] =	stream.indirect.gather [hbm4b:s17+s5], $0x80, s24, s5, $0xb8;
	[tilespmem:$0x1E080] =	vst v63  }
0x55a: {  	_ =	swait.ge [sflag:s21], $0x2800  }
0x55b: {  	[sflag:s21] =	ssyncset.done $0x0  }
0x55c: {  	s19 =	simm.s32 $0x190;
	[sflag:s21] =	ssyncadd.s32 $0xFFFFD800  }
0x55d: {  	[tilespmem:s8], [sflag:$0x3] =	stream.indirect.gather [hbm4b:s17+s5], $0x80, s19, s5, $0xb8;
	[tilespmem:$0x1E080] =	vst v63  }
0x55e: {  	_ =	swait.ge [sflag:s9], $0x2800  }
0x55f: {  	[sflag:s9] =	ssyncset.done $0x0  }
0x560: {  	s24 =	simm.s32 $0x1180;
	[sflag:s9] =	ssyncadd.s32 $0xFFFFD800  }
0x561: {  	[spmem:s14] =	stream.indirect.scatter.add.f32 [tilespmem:s0], [sflag:$0x4], $0x80, s24, s5, $0xb8;
	[tilespmem:$0x1E080] =	vst v63  }
0x562: {  	_ =	swait.ge [sflag:s18], $0x2800  }
0x563: {  	[sflag:s18] =	ssyncset.done $0x0  }
0x564: {  	s19 =	simm.s32 $0x1200;
	[sflag:s18] =	ssyncadd.s32 $0xFFFFD800  }
0x565: {  	[spmem:s14] =	stream.indirect.scatter.add.f32 [tilespmem:s6], [sflag:$0x5], $0x80, s19, s5, $0xb8;
	[tilespmem:$0x1E080] =	vst v63  }
0x566: {  	_ =	swait.ge [sflag:s20], $0x2800  }
0x567: {  	[sflag:s20] =	ssyncset.done $0x0  }
0x568: {  	s24 =	simm.s32 $0x1280;
	[sflag:s20] =	ssyncadd.s32 $0xFFFFD800  }
0x569: {  	[spmem:s14] =	stream.indirect.scatter.add.f32 [tilespmem:s8], [sflag:$0x6], $0x80, s24, s5, $0xb8;
	[tilespmem:$0x1E080] =	vst v63  }
0x56a: {  	_ =	swait.ge [sflag:s22], $0x2800  }
0x56b: {  	[sflag:s22] =	ssyncset.done $0x0  }
0x56c: {  	s19 =	simm.s32 $0x1E0;
	[sflag:s22] =	ssyncadd.s32 $0xFFFFD800  }
0x56d: {  	[tilespmem:s0], [sflag:$0x1] =	stream.indirect.gather [hbm4b:s17+s5], $0x80, s19, s5, $0xb8;
	[tilespmem:$0x1E080] =	vst v63  }
0x56e: {  	_ =	swait.ge [sflag:s7], $0x2800  }
0x56f: {  	[sflag:s7] =	ssyncset.done $0x0  }
0x570: {  	s24 =	simm.s32 $0x230;
	[sflag:s7] =	ssyncadd.s32 $0xFFFFD800  }
0x571: {  	[tilespmem:s6], [sflag:$0x2] =	stream.indirect.gather [hbm4b:s17+s5], $0x80, s24, s5, $0xb8;
	[tilespmem:$0x1E080] =	vst v63  }
0x572: {  	_ =	swait.ge [sflag:s21], $0x2800  }
0x573: {  	[sflag:s21] =	ssyncset.done $0x0  }
0x574: {  	s19 =	simm.s32 $0x280;
	[sflag:s21] =	ssyncadd.s32 $0xFFFFD800  }
0x575: {  	[tilespmem:s8], [sflag:$0x3] =	stream.indirect.gather [hbm4b:s17+s5], $0x80, s19, s5, $0xb8;
	[tilespmem:$0x1E080] =	vst v63  }
0x576: {  	_ =	swait.ge [sflag:s9], $0x2800  }
0x577: {  	[sflag:s9] =	ssyncset.done $0x0  }
0x578: {  	s24 =	simm.s32 $0x1300;
	[sflag:s9] =	ssyncadd.s32 $0xFFFFD800  }
0x579: {  	[spmem:s14] =	stream.indirect.scatter.add.f32 [tilespmem:s0], [sflag:$0x4], $0x80, s24, s5, $0xb8;
	[tilespmem:$0x1E080] =	vst v63  }
0x57a: {  	_ =	swait.ge [sflag:s18], $0x2800  }
0x57b: {  	[sflag:s18] =	ssyncset.done $0x0  }
0x57c: {  	s19 =	simm.s32 $0x1380;
	[sflag:s18] =	ssyncadd.s32 $0xFFFFD800  }
0x57d: {  	[spmem:s14] =	stream.indirect.scatter.add.f32 [tilespmem:s6], [sflag:$0x5], $0x80, s19, s5, $0xb8;
	[tilespmem:$0x1E080] =	vst v63  }
0x57e: {  	_ =	swait.ge [sflag:s20], $0x2800  }
0x57f: {  	[sflag:s20] =	ssyncset.done $0x0  }
0x580: {  	s24 =	simm.s32 $0x1400;
	[sflag:s20] =	ssyncadd.s32 $0xFFFFD800  }
0x581: {  	[spmem:s14] =	stream.indirect.scatter.add.f32 [tilespmem:s8], [sflag:$0x6], $0x80, s24, s5, $0xb8;
	[tilespmem:$0x1E080] =	vst v63  }
0x582: {  	_ =	swait.ge [sflag:s22], $0x2800  }
0x583: {  	[sflag:s22] =	ssyncset.done $0x0  }
0x584: {  	s19 =	simm.s32 $0x2D0;
	[sflag:s22] =	ssyncadd.s32 $0xFFFFD800  }
0x585: {  	[tilespmem:s0], [sflag:$0x1] =	stream.indirect.gather [hbm4b:s17+s5], $0x80, s19, s5, $0xb8;
	[tilespmem:$0x1E080] =	vst v63  }
0x586: {  	_ =	swait.ge [sflag:s7], $0x2800  }
0x587: {  	[sflag:s7] =	ssyncset.done $0x0  }
0x588: {  	s24 =	simm.s32 $0x320;
	[sflag:s7] =	ssyncadd.s32 $0xFFFFD800  }
0x589: {  	[tilespmem:s6], [sflag:$0x2] =	stream.indirect.gather [hbm4b:s17+s5], $0x80, s24, s5, $0xb8;
	[tilespmem:$0x1E080] =	vst v63  }
0x58a: {  	_ =	swait.ge [sflag:s21], $0x2800  }
0x58b: {  	[sflag:s21] =	ssyncset.done $0x0  }
0x58c: {  	s19 =	simm.s32 $0x370;
	[sflag:s21] =	ssyncadd.s32 $0xFFFFD800  }
0x58d: {  	[tilespmem:s8], [sflag:$0x3] =	stream.indirect.gather [hbm4b:s17+s5], $0x80, s19, s5, $0xb8;
	[tilespmem:$0x1E080] =	vst v63  }
0x58e: {  	_ =	swait.ge [sflag:s9], $0x2800  }
0x58f: {  	[sflag:s9] =	ssyncset.done $0x0  }
0x590: {  	s24 =	simm.s32 $0x1480;
	[sflag:s9] =	ssyncadd.s32 $0xFFFFD800  }
0x591: {  	[spmem:s14] =	stream.indirect.scatter.add.f32 [tilespmem:s0], [sflag:$0x4], $0x80, s24, s5, $0xb8;
	[tilespmem:$0x1E080] =	vst v63  }
0x592: {  	_ =	swait.ge [sflag:s18], $0x2800  }
0x593: {  	[sflag:s18] =	ssyncset.done $0x0  }
0x594: {  	s19 =	simm.s32 $0x1500;
	[sflag:s18] =	ssyncadd.s32 $0xFFFFD800  }
0x595: {  	[spmem:s14] =	stream.indirect.scatter.add.f32 [tilespmem:s6], [sflag:$0x5], $0x80, s19, s5, $0xb8;
	[tilespmem:$0x1E080] =	vst v63  }
0x596: {  	_ =	swait.ge [sflag:s20], $0x2800  }
0x597: {  	[sflag:s20] =	ssyncset.done $0x0  }
0x598: {  	s24 =	simm.s32 $0x1580;
	[sflag:s20] =	ssyncadd.s32 $0xFFFFD800  }
0x599: {  	[spmem:s14] =	stream.indirect.scatter.add.f32 [tilespmem:s8], [sflag:$0x6], $0x80, s24, s5, $0xb8;
	[tilespmem:$0x1E080] =	vst v63  }
0x59a: {  	_ =	swait.ge [sflag:s22], $0x2800  }
0x59b: {  	[sflag:s22] =	ssyncset.done $0x0  }
0x59c: {  	s19 =	simm.s32 $0x3C0;
	[sflag:s22] =	ssyncadd.s32 $0xFFFFD800  }
0x59d: {  	[tilespmem:s0], [sflag:$0x1] =	stream.indirect.gather [hbm4b:s17+s5], $0x80, s19, s5, $0xb8;
	[tilespmem:$0x1E080] =	vst v63  }
0x59e: {  	_ =	swait.ge [sflag:s7], $0x2800  }
0x59f: {  	[sflag:s7] =	ssyncset.done $0x0  }
0x5a0: {  	s24 =	simm.s32 $0x410;
	[sflag:s7] =	ssyncadd.s32 $0xFFFFD800  }
0x5a1: {  	[tilespmem:s6], [sflag:$0x2] =	stream.indirect.gather [hbm4b:s17+s5], $0x80, s24, s5, $0xb8;
	[tilespmem:$0x1E080] =	vst v63  }
0x5a2: {  	_ =	swait.ge [sflag:s21], $0x2800  }
0x5a3: {  	[sflag:s21] =	ssyncset.done $0x0  }
0x5a4: {  	s19 =	simm.s32 $0x460;
	[sflag:s21] =	ssyncadd.s32 $0xFFFFD800  }
0x5a5: {  	[tilespmem:s8], [sflag:$0x3] =	stream.indirect.gather [hbm4b:s17+s5], $0x80, s19, s5, $0xb8;
	[tilespmem:$0x1E080] =	vst v63  }
0x5a6: {  	_ =	swait.ge [sflag:s9], $0x2800  }
0x5a7: {  	[sflag:s9] =	ssyncset.done $0x0  }
0x5a8: {  	s24 =	simm.s32 $0x1600;
	[sflag:s9] =	ssyncadd.s32 $0xFFFFD800  }
0x5a9: {  	[spmem:s14] =	stream.indirect.scatter.add.f32 [tilespmem:s0], [sflag:$0x4], $0x80, s24, s5, $0xb8;
	[tilespmem:$0x1E080] =	vst v63  }
0x5aa: {  	_ =	swait.ge [sflag:s18], $0x2800  }
0x5ab: {  	[sflag:s18] =	ssyncset.done $0x0  }
0x5ac: {  	s19 =	simm.s32 $0x1680;
	[sflag:s18] =	ssyncadd.s32 $0xFFFFD800  }
0x5ad: {  	[spmem:s14] =	stream.indirect.scatter.add.f32 [tilespmem:s6], [sflag:$0x5], $0x80, s19, s5, $0xb8;
	[tilespmem:$0x1E080] =	vst v63  }
0x5ae: {  	_ =	swait.ge [sflag:s20], $0x2800  }
0x5af: {  	[sflag:s20] =	ssyncset.done $0x0  }
0x5b0: {  	s24 =	simm.s32 $0x1700;
	[sflag:s20] =	ssyncadd.s32 $0xFFFFD800  }
0x5b1: {  	[spmem:s14] =	stream.indirect.scatter.add.f32 [tilespmem:s8], [sflag:$0x6], $0x80, s24, s5, $0xb8;
	[tilespmem:$0x1E080] =	vst v63  }
0x5b2: {  	_ =	swait.ge [sflag:s22], $0x2800  }
0x5b3: {  	[sflag:s22] =	ssyncset.done $0x0  }
0x5b4: {  	s19 =	simm.s32 $0x4B0;
	[sflag:s22] =	ssyncadd.s32 $0xFFFFD800  }
0x5b5: {  	[tilespmem:s0], [sflag:$0x1] =	stream.indirect.gather [hbm4b:s17+s5], $0x80, s19, s5, $0xb8;
	[tilespmem:$0x1E080] =	vst v63  }
0x5b6: {  	_ =	swait.ge [sflag:s7], $0x2800  }
0x5b7: {  	[sflag:s7] =	ssyncset.done $0x0  }
0x5b8: {  	s24 =	simm.s32 $0x500;
	[sflag:s7] =	ssyncadd.s32 $0xFFFFD800  }
0x5b9: {  	[tilespmem:s6], [sflag:$0x2] =	stream.indirect.gather [hbm4b:s17+s5], $0x80, s24, s5, $0xb8;
	[tilespmem:$0x1E080] =	vst v63  }
0x5ba: {  	_ =	swait.ge [sflag:s21], $0x2800  }
0x5bb: {  	[sflag:s21] =	ssyncset.done $0x0  }
0x5bc: {  	s19 =	simm.s32 $0x550;
	[sflag:s21] =	ssyncadd.s32 $0xFFFFD800  }
0x5bd: {  	[tilespmem:s8], [sflag:$0x3] =	stream.indirect.gather [hbm4b:s17+s5], $0x80, s19, s5, $0xb8;
	[tilespmem:$0x1E080] =	vst v63  }
0x5be: {  	_ =	swait.ge [sflag:s9], $0x2800  }
0x5bf: {  	[sflag:s9] =	ssyncset.done $0x0  }
0x5c0: {  	s24 =	simm.s32 $0x1780;
	[sflag:s9] =	ssyncadd.s32 $0xFFFFD800  }
0x5c1: {  	[spmem:s14] =	stream.indirect.scatter.add.f32 [tilespmem:s0], [sflag:$0x4], $0x80, s24, s5, $0xb8;
	[tilespmem:$0x1E080] =	vst v63  }
0x5c2: {  	_ =	swait.ge [sflag:s18], $0x2800  }
0x5c3: {  	[sflag:s18] =	ssyncset.done $0x0  }
0x5c4: {  	s19 =	simm.s32 $0x1800;
	[sflag:s18] =	ssyncadd.s32 $0xFFFFD800  }
0x5c5: {  	[spmem:s14] =	stream.indirect.scatter.add.f32 [tilespmem:s6], [sflag:$0x5], $0x80, s19, s5, $0xb8;
	[tilespmem:$0x1E080] =	vst v63  }
0x5c6: {  	_ =	swait.ge [sflag:s20], $0x2800  }
0x5c7: {  	[sflag:s20] =	ssyncset.done $0x0  }
0x5c8: {  	s24 =	simm.s32 $0x1880;
	[sflag:s20] =	ssyncadd.s32 $0xFFFFD800  }
0x5c9: {  	[spmem:s14] =	stream.indirect.scatter.add.f32 [tilespmem:s8], [sflag:$0x6], $0x80, s24, s5, $0xb8;
	[tilespmem:$0x1E080] =	vst v63  }
0x5ca: {  	_ =	swait.ge [sflag:s22], $0x2800  }
0x5cb: {  	[sflag:s22] =	ssyncset.done $0x0  }
0x5cc: {  	s19 =	simm.s32 $0x5A0;
	[sflag:s22] =	ssyncadd.s32 $0xFFFFD800  }
0x5cd: {  	[tilespmem:s0], [sflag:$0x1] =	stream.indirect.gather [hbm4b:s17+s5], $0x80, s19, s5, $0xb8;
	[tilespmem:$0x1E080] =	vst v63  }
0x5ce: {  	_ =	swait.ge [sflag:s7], $0x2800  }
0x5cf: {  	[sflag:s7] =	ssyncset.done $0x0  }
0x5d0: {  	s24 =	simm.s32 $0x5F0;
	[sflag:s7] =	ssyncadd.s32 $0xFFFFD800  }
0x5d1: {  	[tilespmem:s6], [sflag:$0x2] =	stream.indirect.gather [hbm4b:s17+s5], $0x80, s24, s5, $0xb8;
	[tilespmem:$0x1E080] =	vst v63  }
0x5d2: {  	_ =	swait.ge [sflag:s21], $0x2800  }
0x5d3: {  	[sflag:s21] =	ssyncset.done $0x0  }
0x5d4: {  	s19 =	simm.s32 $0x640;
	[sflag:s21] =	ssyncadd.s32 $0xFFFFD800  }
0x5d5: {  	[tilespmem:s8], [sflag:$0x3] =	stream.indirect.gather [hbm4b:s17+s5], $0x80, s19, s5, $0xb8;
	[tilespmem:$0x1E080] =	vst v63  }
0x5d6: {  	_ =	swait.ge [sflag:s9], $0x2800  }
0x5d7: {  	[sflag:s9] =	ssyncset.done $0x0  }
0x5d8: {  	s24 =	simm.s32 $0x1900;
	[sflag:s9] =	ssyncadd.s32 $0xFFFFD800  }
0x5d9: {  	[spmem:s14] =	stream.indirect.scatter.add.f32 [tilespmem:s0], [sflag:$0x4], $0x80, s24, s5, $0xb8;
	[tilespmem:$0x1E080] =	vst v63  }
0x5da: {  	_ =	swait.ge [sflag:s18], $0x2800  }
0x5db: {  	[sflag:s18] =	ssyncset.done $0x0  }
0x5dc: {  	s19 =	simm.s32 $0x1980;
	[sflag:s18] =	ssyncadd.s32 $0xFFFFD800  }
0x5dd: {  	[spmem:s14] =	stream.indirect.scatter.add.f32 [tilespmem:s6], [sflag:$0x5], $0x80, s19, s5, $0xb8;
	[tilespmem:$0x1E080] =	vst v63  }
0x5de: {  	_ =	swait.ge [sflag:s20], $0x2800  }
0x5df: {  	[sflag:s20] =	ssyncset.done $0x0  }
0x5e0: {  	s24 =	simm.s32 $0x1A00;
	[sflag:s20] =	ssyncadd.s32 $0xFFFFD800  }
0x5e1: {  	[spmem:s14] =	stream.indirect.scatter.add.f32 [tilespmem:s8], [sflag:$0x6], $0x80, s24, s5, $0xb8;
	[tilespmem:$0x1E080] =	vst v63  }
0x5e2: {  	_ =	swait.ge [sflag:s22], $0x2800  }
0x5e3: {  	[sflag:s22] =	ssyncset.done $0x0  }
0x5e4: {  	s19 =	simm.s32 $0x690;
	[sflag:s22] =	ssyncadd.s32 $0xFFFFD800  }
0x5e5: {  	[tilespmem:s0], [sflag:$0x1] =	stream.indirect.gather [hbm4b:s17+s5], $0x80, s19, s5, $0xb8;
	[tilespmem:$0x1E080] =	vst v63  }
0x5e6: {  	_ =	swait.ge [sflag:s7], $0x2800  }
0x5e7: {  	[sflag:s7] =	ssyncset.done $0x0  }
0x5e8: {  	s24 =	simm.s32 $0x6E0;
	[sflag:s7] =	ssyncadd.s32 $0xFFFFD800  }
0x5e9: {  	[tilespmem:s6], [sflag:$0x2] =	stream.indirect.gather [hbm4b:s17+s5], $0x80, s24, s5, $0xb8;
	[tilespmem:$0x1E080] =	vst v63  }
0x5ea: {  	_ =	swait.ge [sflag:s21], $0x2800  }
0x5eb: {  	[sflag:s21] =	ssyncset.done $0x0  }
0x5ec: {  	s19 =	simm.s32 $0x730;
	[sflag:s21] =	ssyncadd.s32 $0xFFFFD800  }
0x5ed: {  	[tilespmem:s8], [sflag:$0x3] =	stream.indirect.gather [hbm4b:s17+s5], $0x80, s19, s5, $0xb8;
	[tilespmem:$0x1E080] =	vst v63  }
0x5ee: {  	_ =	swait.ge [sflag:s9], $0x2800  }
0x5ef: {  	[sflag:s9] =	ssyncset.done $0x0  }
0x5f0: {  	s24 =	simm.s32 $0x1A80;
	[sflag:s9] =	ssyncadd.s32 $0xFFFFD800  }
0x5f1: {  	[spmem:s14] =	stream.indirect.scatter.add.f32 [tilespmem:s0], [sflag:$0x4], $0x80, s24, s5, $0xb8;
	[tilespmem:$0x1E080] =	vst v63  }
0x5f2: {  	_ =	swait.ge [sflag:s18], $0x2800  }
0x5f3: {  	[sflag:s18] =	ssyncset.done $0x0  }
0x5f4: {  	s19 =	simm.s32 $0x1B00;
	[sflag:s18] =	ssyncadd.s32 $0xFFFFD800  }
0x5f5: {  	[spmem:s14] =	stream.indirect.scatter.add.f32 [tilespmem:s6], [sflag:$0x5], $0x80, s19, s5, $0xb8;
	[tilespmem:$0x1E080] =	vst v63  }
0x5f6: {  	_ =	swait.ge [sflag:s20], $0x2800  }
0x5f7: {  	[sflag:s20] =	ssyncset.done $0x0  }
0x5f8: {  	s24 =	simm.s32 $0x1B80;
	[sflag:s20] =	ssyncadd.s32 $0xFFFFD800  }
0x5f9: {  	[spmem:s14] =	stream.indirect.scatter.add.f32 [tilespmem:s8], [sflag:$0x6], $0x80, s24, s5, $0xb8;
	[tilespmem:$0x1E080] =	vst v63  }
0x5fa: {  	_ =	swait.ge [sflag:s22], $0x2800  }
0x5fb: {  	[sflag:s22] =	ssyncset.done $0x0  }
0x5fc: {  	s19 =	simm.s32 $0x780;
	[sflag:s22] =	ssyncadd.s32 $0xFFFFD800  }
0x5fd: {  	[tilespmem:s0], [sflag:$0x1] =	stream.indirect.gather [hbm4b:s17+s5], $0x80, s19, s5, $0xb8;
	[tilespmem:$0x1E080] =	vst v63  }
0x5fe: {  	_ =	swait.ge [sflag:s9], $0x2800  }
0x5ff: {  	[sflag:s9] =	ssyncset.done $0x0  }
0x600: {  	s24 =	simm.s32 $0x1C00;
	[sflag:s9] =	ssyncadd.s32 $0xFFFFD800  }
0x601: {  	[spmem:s14] =	stream.indirect.scatter.add.f32 [tilespmem:s0], [sflag:$0x4], $0x80, s24, s5, $0xb8;
	[tilespmem:$0x1E080] =	vst v63  }
0x602: {  	_ =	swait.ge [sflag:s22], $0x2800  }
0x603: {  	[sflag:s22] =	ssyncset.done $0x0  }
0x604: {  	[sflag:s22] =	ssyncadd.s32 $0xFFFFD800  }
0x605: {  	_ =	swait.ge [sflag:s7], $0x2800  }
0x606: {  	[sflag:s7] =	ssyncset.done $0x0  }
0x607: {  	[sflag:s7] =	ssyncadd.s32 $0xFFFFD800  }
0x608: {  	_ =	swait.ge [sflag:s21], $0x2800  }
0x609: {  	[sflag:s21] =	ssyncset.done $0x0  }
0x60a: {  	[sflag:s21] =	ssyncadd.s32 $0xFFFFD800  }
0x60b: {  	s19 =	stileid.u32;
	[bflag:$0x0] =	sbarrier.arrive $0xFFFF  }
0x60c: {  	s4 =	sshll.u32 s19, $0x6;
	s24 =	rddreg [dreg:$0x12]  }
0x60d: {  	s4 =	sor.u32 $0x1C08, s4;
	s19 =	sshrl.u32 s24, $0x3;
	s24 =	rddreg [dreg:$0x4]  }
0x60e: {  	[hbm:s24], [sflag:s4] =	dma.local [spmem:s19], $0x500  }
0x60f: {  	_ =	swait.ge [sflag:s2], $0x500  }
0x610: {  	[sflag:s2] =	ssyncset.done $0x0;
	s24 =	rddreg [dreg:$0x13]  }
0x611: {  	[sflag:s2] =	ssyncadd.s32 $0xFFFFFB00;
	s19 =	sshrl.u32 s24, $0x3;
	s24 =	rddreg [dreg:$0x5]  }
0x612: {  	[hbm:s24], [sflag:s4] =	dma.local [spmem:s19], $0x500  }
0x613: {  	_ =	swait.ge [sflag:s2], $0x500  }
0x614: {  	[sflag:s2] =	ssyncset.done $0x0;
	s24 =	rddreg [dreg:$0x14]  }
0x615: {  	[sflag:s2] =	ssyncadd.s32 $0xFFFFFB00;
	s19 =	sshrl.u32 s24, $0x3;
	s24 =	rddreg [dreg:$0x6]  }
0x616: {  	[hbm:s24], [sflag:s4] =	dma.local [spmem:s19], $0x500  }
0x617: {  	_ =	swait.ge [sflag:s2], $0x500  }
0x618: {  	[sflag:s2] =	ssyncset.done $0x0  }
0x619: {  	s19 =	sshrl.u32 s28, $0x3;
	s24 =	rddreg [dreg:$0x7];
	[sflag:s2] =	ssyncadd.s32 $0xFFFFFB00  }
0x61a: {  	[hbm:s24], [sflag:s4] =	dma.local [spmem:s19], $0x500  }
0x61b: {  	_ =	swait.ge [sflag:s2], $0x500  }
0x61c: {  	[sflag:s2] =	ssyncset.done $0x0  }
0x61d: {  	s19 =	sshrl.u32 s29, $0x3;
	s24 =	rddreg [dreg:$0x8];
	[sflag:s2] =	ssyncadd.s32 $0xFFFFFB00  }
0x61e: {  	[hbm:s24], [sflag:s4] =	dma.local [spmem:s19], $0x500  }
0x61f: {  	_ =	swait.ge [sflag:s2], $0x500  }
0x620: {  	[sflag:s2] =	ssyncset.done $0x0  }
0x621: {  	s19 =	sshrl.u32 s30, $0x3;
	s24 =	rddreg [dreg:$0x9];
	[sflag:s2] =	ssyncadd.s32 $0xFFFFFB00  }
0x622: {  	[hbm:s24], [sflag:s4] =	dma.local [spmem:s19], $0x500  }
0x623: {  	_ =	swait.ge [sflag:s2], $0x500  }
0x624: {  	[sflag:s2] =	ssyncset.done $0x0  }
0x625: {  	s19 =	sshrl.u32 s31, $0x3;
	s24 =	rddreg [dreg:$0xa];
	[sflag:s2] =	ssyncadd.s32 $0xFFFFFB00  }
0x626: {  	[hbm:s24], [sflag:s4] =	dma.local [spmem:s19], $0x500  }
0x627: {  	_ =	swait.ge [sflag:s2], $0x500  }
0x628: {  	[sflag:s2] =	ssyncset.done $0x0  }
0x629: {  	s19 =	sshrl.u32 @!p0 s13, $0x3;
	s24 =	rddreg [dreg:$0xb];
	[sflag:s2] =	ssyncadd.s32 $0xFFFFFB00  }
0x62a: {  	[hbm:s24], [sflag:s4] =	dma.local @!p0 [spmem:s19], $0x500  }
0x62b: {  	s4 =	simm.s32 @!p0 $0x8  }
0x62c: {  	_ =	swait.ge @!p0 [sflag:s4], $0x500  }
0x62d: {  	s23 =	sadd.s32 $0x1, s23;
	s24 =	rddreg [dreg:$0x11]  }
0x62e: {  	p1 =	sne.s32 s23, s24  }
.Ltmp6:
0x62f: {  	_ = 	snop;
	(pc) =	sbr.rel @p1 .LBB2_1-.Ltmp6, $3  }
0x630: {  	_ =	sdelay $0x1  }
0x631: {  	[sflag:s4] =	ssyncset.done @!p0 $0x0  }
0x632: {  	[sflag:s4] =	ssyncadd.s32 @!p0 $0xFFFFFB00  }
0x633: {  	_ =	sfence.sel $0x180000  }
0x634: {  	[bflag:$0x0] =	sbarrier.arrive $0xFFFF  }
0x635: {  	_ =	strace $0x90000047  }
0x636: {  	s0 =	stileid.u32;
	[bflag:$0x2] =	sbarrier.arrive $0xFFFF  }
0x637: {  	p0 =	sne.s32 s0, $0x0;
	s0 =	rddreg [dreg:$0x3]  }
0x638: {  	s0 =	sadd.s32 @!p0 $0x100000, s0  }
0x639: {  	[sflag:s0] =	ssyncadd.tile.s32 @!p0 $0x1;
	_ =	shalt  }
.Lfunc_end2:
_tile_overlayer_lowered:
.L_overlay_start_2:
0x63a: {  	(tag) =	ssettag $0x2  }
0x63b: {  	s0 =	rddreg [dreg:$0x0];
	s2 =	stileid.u32  }
0x63c: {  	s1 =	rddreg [dreg:$0x1];
	p0 =	sne.s32 s2, $0x0  }
0x63d: {  	s3 =	rddreg [dreg:$0x2];
	[bflag:$0x3] =	sbarrier.arrive $0xFFFF;
	s2 =	simm.s32 @!p0 $0x1C08  }
0x63e: {  	[timem:s3], [sflag:s2] =	dma.local @!p0 [hbm:s0], s1  }
0x63f: {  	s0 =	simm.s32 @!p0 $0x8  }
0x640: {  	_ =	swait.ge @!p0 [sflag:s0], s1  }
0x641: {  	s1 =	ssub.s32 @!p0 $0x0, s1;
	[sflag:s0] =	ssyncset.done @!p0 $0x0  }
0x642: {  	[sflag:s0] =	ssyncadd.s32 @!p0 s1  }
0x643: {  	[bflag:$0x3] =	sbarrier.arrive $0xFFFF  }
0x644: {  	_ =	shalt  }

</sc_bundles>
